<compile_context>
chip_gen: v7x
topology: tpu7x:2x2x1
jax: 0.10.2.dev20260603
libtpu: 0.0.44.dev20260713+nightly
codegen_flags: <defaults>
</compile_context>

<pallas_src>
import functools

import jax
import jax.numpy as jnp
from jax import lax
from jax.experimental import pallas as pl
from jax.experimental.pallas import tpu as pltpu
from jax.experimental.pallas import tpu_sc as plsc

HIDDEN = 1024
E = 8
K = 2
TEMP = 1.0

BM = 512
BT = 1024
BC = 512
LANES = 128

T = 4096
N_PAD = T * K + E * BM
NBLK = N_PAD // BM
TC32 = T // LANES


def _router_body(x_ref, wr_ref, br_ref, logits_ref, meta_ref, slotc_ref,
                 be_ref, i0s_ref, i1s_ref, r0s_ref, r1s_ref, run_ref):
    i = pl.program_id(0)
    nrow = BT // LANES
    ngrid = T // BT

    @pl.when(i == 0)
    def _():
        run_ref[...] = jnp.zeros_like(run_ref)

    xb = x_ref[...]
    logits = jnp.dot(xb, wr_ref[...],
                     preferred_element_type=jnp.float32) + br_ref[...]
    logits_ref[...] = logits

    col = lax.broadcasted_iota(jnp.int32, (BT, LANES), 1)
    valid = col < E
    lmask = jnp.where(valid, logits / TEMP, jnp.float32(-1e30))
    m = jnp.max(lmask, axis=1, keepdims=True)
    ex = jnp.where(valid, jnp.exp(lmask - m), 0.0)
    s = jnp.sum(ex, axis=1, keepdims=True)
    p = ex / s

    v0 = jnp.max(p, axis=1, keepdims=True)
    is0 = jnp.logical_and(p == v0, valid)
    i0 = jnp.min(jnp.where(is0, col, 9999), axis=1, keepdims=True)
    oh0 = col == i0
    p1 = jnp.where(jnp.logical_or(oh0, jnp.logical_not(valid)), -1.0, p)
    v1 = jnp.max(p1, axis=1, keepdims=True)
    is1 = p1 == v1
    i1 = jnp.min(jnp.where(is1, col, 9999), axis=1, keepdims=True)
    oh1 = col == i1

    denom = v0 + v1 + 1e-9
    w0 = v0 / denom
    w1 = v1 / denom

    cnt = oh0.astype(jnp.float32) + oh1.astype(jnp.float32)
    r_i = lax.broadcasted_iota(jnp.int32, (BT, BT), 0)
    c_i = lax.broadcasted_iota(jnp.int32, (BT, BT), 1)
    tri = (r_i > c_i).astype(jnp.float32)
    cum_ex = jnp.dot(tri, cnt, preferred_element_type=jnp.float32)
    base = run_ref[0:1, :]
    r0 = jnp.sum(jnp.where(oh0, base + cum_ex, 0.0), axis=1, keepdims=True)
    r1 = jnp.sum(jnp.where(oh1, base + cum_ex, 0.0), axis=1, keepdims=True)
    run_new = base + cum_ex[BT - 1:BT, :] + cnt[BT - 1:BT, :]
    run_ref[0:1, :] = run_new

    meta = jnp.where(col == 0, w0, jnp.where(col == 1, w1, 0.0))
    meta_ref[...] = meta

    i0s_ref[pl.ds(i * nrow, nrow), :] = i0.reshape(nrow, LANES)
    i1s_ref[pl.ds(i * nrow, nrow), :] = i1.reshape(nrow, LANES)
    r0s_ref[pl.ds(i * nrow, nrow), :] = r0.astype(jnp.int32).reshape(
        nrow, LANES)
    r1s_ref[pl.ds(i * nrow, nrow), :] = r1.astype(jnp.int32).reshape(
        nrow, LANES)

    @pl.when(i == ngrid - 1)
    def _():
        c = run_new.astype(jnp.int32)
        pad_row = ((c + BM - 1) // BM) * BM
        i0all = i0s_ref[...]
        i1all = i1s_ref[...]
        l0 = jnp.zeros((TC32, LANES), jnp.int32)
        l1 = jnp.zeros((TC32, LANES), jnp.int32)
        off = jnp.zeros((1, 1), jnp.int32)
        bc = jnp.zeros((1, 1), jnp.int32)
        lane = lax.broadcasted_iota(jnp.int32, (1, LANES), 1)
        be = jnp.zeros((1, LANES), jnp.int32)
        for e in range(E):
            l0 = jnp.where(i0all == e, off, l0)
            l1 = jnp.where(i1all == e, off, l1)
            off = off + pad_row[:, e:e + 1]
            bc = bc + pad_row[:, e:e + 1] // BM
            be = be + (lane >= bc).astype(jnp.int32)
        slotc_ref[0:TC32, :] = l0 + r0s_ref[...]
        slotc_ref[TC32:2 * TC32, :] = l1 + r1s_ref[...]
        be_ref[...] = jnp.broadcast_to(jnp.minimum(be, E - 1), (8, LANES))


def _router(x_flat, Wr, br):
    wr_p = jnp.zeros((HIDDEN, LANES), jnp.float32).at[:, :E].set(Wr)
    br_p = jnp.zeros((1, LANES), jnp.float32).at[0, :E].set(br)
    nrow = BT // LANES
    return pl.pallas_call(
        _router_body,
        grid=(T // BT,),
        in_specs=[
            pl.BlockSpec((BT, HIDDEN), lambda i: (i, 0)),
            pl.BlockSpec((HIDDEN, LANES), lambda i: (0, 0)),
            pl.BlockSpec((1, LANES), lambda i: (0, 0)),
        ],
        out_specs=[
            pl.BlockSpec((BT, LANES), lambda i: (i, 0)),
            pl.BlockSpec((BT, LANES), lambda i: (i, 0)),
            pl.BlockSpec((2 * TC32, LANES), lambda i: (0, 0)),
            pl.BlockSpec((8, LANES), lambda i: (0, 0)),
        ],
        out_shape=[
            jax.ShapeDtypeStruct((T, LANES), jnp.float32),
            jax.ShapeDtypeStruct((T, LANES), jnp.float32),
            jax.ShapeDtypeStruct((2 * TC32, LANES), jnp.int32),
            jax.ShapeDtypeStruct((8, LANES), jnp.int32),
        ],
        scratch_shapes=[
            pltpu.VMEM((TC32, LANES), jnp.int32),
            pltpu.VMEM((TC32, LANES), jnp.int32),
            pltpu.VMEM((TC32, LANES), jnp.int32),
            pltpu.VMEM((TC32, LANES), jnp.int32),
            pltpu.VMEM((8, LANES), jnp.float32),
        ],
    )(x_flat, wr_p, br_p)


def _sc_scatter_rows(x_flat, slot_flat, chunk=32):
    B = slot_flat.shape[0]
    D = x_flat.shape[1]
    info = plsc.get_sparse_core_info()
    nw = info.num_cores * info.num_subcores
    b_per_w = B // nw
    nchunks = b_per_w // chunk
    idx3 = slot_flat.reshape(nw, nchunks, chunk)
    mesh = plsc.VectorSubcoreMesh(core_axis_name="c", subcore_axis_name="s")

    @functools.partial(
        pl.kernel,
        mesh=mesh,
        out_type=jax.ShapeDtypeStruct((N_PAD, D), x_flat.dtype),
        scratch_types=[
            pltpu.VMEM((nchunks, chunk), jnp.int32),
            pltpu.VMEM((3, chunk, D), x_flat.dtype),
            pltpu.SemaphoreType.DMA,
            pltpu.SemaphoreType.DMA,
            pltpu.SemaphoreType.DMA,
            pltpu.SemaphoreType.DMA,
            pltpu.SemaphoreType.DMA,
            pltpu.SemaphoreType.DMA,
        ],
    )
    def k(x_hbm, idx_hbm, out_hbm, idx_v, rows_v, l0, l1, l2, s0, s1, s2):
        wid = lax.axis_index("s") * info.num_cores + lax.axis_index("c")
        tbase = (wid * b_per_w) % T
        lsem = (l0, l1, l2)
        ssem = (s0, s1, s2)
        pltpu.sync_copy(idx_hbm.at[wid], idx_v)

        loads = [None] * nchunks
        scats = [None] * nchunks
        for ci in range(nchunks + 1):
            if ci < nchunks:
                b = ci % 3
                if ci >= 3:
                    scats[ci - 3].wait()
                loads[ci] = pltpu.async_copy(
                    x_hbm.at[pl.ds(tbase + ci * chunk, chunk)],
                    rows_v.at[b], lsem[b])
            if ci >= 1:
                p = ci - 1
                loads[p].wait()
                scats[p] = pltpu.async_copy(
                    rows_v.at[p % 3], out_hbm.at[idx_v.at[p]], ssem[p % 3])
        for p in range(max(0, nchunks - 3), nchunks):
            scats[p].wait()

    return k(x_flat, idx3)


def _sc_gather_rows(table, idx, chunk=32):
    B = idx.shape[0]
    D = table.shape[1]
    info = plsc.get_sparse_core_info()
    nw = info.num_cores * info.num_subcores
    b_per_w = B // nw
    nchunks = b_per_w // chunk
    idx3 = idx.reshape(nw, nchunks, chunk)
    mesh = plsc.VectorSubcoreMesh(core_axis_name="c", subcore_axis_name="s")

    @functools.partial(
        pl.kernel,
        mesh=mesh,
        out_type=jax.ShapeDtypeStruct((B, D), table.dtype),
        scratch_types=[
            pltpu.VMEM((nchunks, chunk), jnp.int32),
            pltpu.VMEM((3, chunk, D), table.dtype),
            pltpu.SemaphoreType.DMA,
            pltpu.SemaphoreType.DMA,
            pltpu.SemaphoreType.DMA,
            pltpu.SemaphoreType.DMA,
            pltpu.SemaphoreType.DMA,
            pltpu.SemaphoreType.DMA,
        ],
    )
    def k(table_hbm, idx_hbm, out_hbm, idx_v, rows_v, g0, g1, g2, o0, o1, o2):
        wid = lax.axis_index("s") * info.num_cores + lax.axis_index("c")
        base = wid * b_per_w
        gsem = (g0, g1, g2)
        osem = (o0, o1, o2)
        pltpu.sync_copy(idx_hbm.at[wid], idx_v)

        gathers = [None] * nchunks
        outs = [None] * nchunks
        for ci in range(nchunks + 1):
            if ci < nchunks:
                b = ci % 3
                if ci >= 3:
                    outs[ci - 3].wait()
                gathers[ci] = pltpu.async_copy(
                    table_hbm.at[idx_v.at[ci]], rows_v.at[b], gsem[b])
            if ci >= 1:
                p = ci - 1
                gathers[p].wait()
                outs[p] = pltpu.async_copy(
                    rows_v.at[p % 3],
                    out_hbm.at[pl.ds(base + p * chunk, chunk)], osem[p % 3])
        for p in range(max(0, nchunks - 3), nchunks):
            outs[p].wait()

    return k(table, idx3)


def _ffn_body(be_ref, xs_ref, w1_ref, b1_ref, w2_ref, b2_ref, out_ref):
    xb = xs_ref[...]
    h = jnp.dot(xb, w1_ref[0], preferred_element_type=jnp.float32)
    h = jnp.maximum(h + b1_ref[0], 0.0)
    o = jnp.dot(h, w2_ref[0], preferred_element_type=jnp.float32)
    out_ref[...] = o + b2_ref[0]


def _ffn(xs, W1, b1, W2, b2, block_expert):
    grid_spec = pltpu.PrefetchScalarGridSpec(
        num_scalar_prefetch=1,
        grid=(NBLK,),
        in_specs=[
            pl.BlockSpec((BM, HIDDEN), lambda i, be: (i, 0)),
            pl.BlockSpec((1, HIDDEN, HIDDEN), lambda i, be: (be[i], 0, 0)),
            pl.BlockSpec((1, 1, HIDDEN), lambda i, be: (be[i], 0, 0)),
            pl.BlockSpec((1, HIDDEN, HIDDEN), lambda i, be: (be[i], 0, 0)),
            pl.BlockSpec((1, 1, HIDDEN), lambda i, be: (be[i], 0, 0)),
        ],
        out_specs=pl.BlockSpec((BM, HIDDEN), lambda i, be: (i, 0)),
    )
    return pl.pallas_call(
        _ffn_body,
        grid_spec=grid_spec,
        out_shape=jax.ShapeDtypeStruct((N_PAD, HIDDEN), jnp.float32),
    )(block_expert, xs, W1, b1.reshape(E, 1, HIDDEN), W2,
      b2.reshape(E, 1, HIDDEN))


def _combine_body(sel_ref, meta_ref, out_ref):
    s = sel_ref[...]
    m = meta_ref[...]
    out_ref[...] = m[:, 0:1] * s[0] + m[:, 1:2] * s[1]


def _combine(sel3, meta):
    return pl.pallas_call(
        _combine_body,
        grid=(T // BC,),
        in_specs=[
            pl.BlockSpec((K, BC, HIDDEN), lambda i: (0, i, 0)),
            pl.BlockSpec((BC, LANES), lambda i: (i, 0)),
        ],
        out_specs=pl.BlockSpec((BC, HIDDEN), lambda i: (i, 0)),
        out_shape=jax.ShapeDtypeStruct((T, HIDDEN), jnp.float32),
    )(sel3, meta)


def kernel(x, Wr, br, W1, b1, W2, b2):
    B, S, d = x.shape
    x_flat = x.reshape(T, d)

    logits_p, meta, slotc, be_row = _router(x_flat, Wr, br)
    slot_flat = slotc.reshape(T * K)
    block_expert = be_row[0, :NBLK]

    xs = _sc_scatter_rows(x_flat, slot_flat)
    out_sorted = _ffn(xs, W1, b1, W2, b2, block_expert)
    sel = _sc_gather_rows(out_sorted, slot_flat)
    combined = _combine(sel.reshape(K, T, HIDDEN), meta)

    return (combined.reshape(B, S, d), logits_p[:, :E].reshape(B, S, E))

# --- scband reference (transcript-rebuilt; emitter-appended) ---
"""Pipeline reference for scband-mo-elayer-18476949307966 (READ-ONLY COPY).

The authoritative reference and input builder live on the scoring server;
editing this copy changes nothing except your own understanding.
"""

import jax, jax.numpy as jnp
import numpy as np

HIDDEN = 1024
E = 8
K = 2
TEMP = 1.0


def setup_inputs(seed: int = 0) -> dict:
    key = jax.random.key(seed)
    ks = jax.random.split(key, 8)
    d = HIDDEN
    x = jax.random.normal(ks[0], (2, 2048, d), dtype=jnp.float32)
    Wr = jax.random.normal(ks[1], (d, E), dtype=jnp.float32) * (1.0 / np.sqrt(d))
    br = jnp.zeros((E,), dtype=jnp.float32)
    W1 = jax.random.normal(ks[2], (E, d, d), dtype=jnp.float32) * (1.0 / np.sqrt(d))
    b1 = jnp.zeros((E, d), dtype=jnp.float32)
    W2 = jax.random.normal(ks[3], (E, d, d), dtype=jnp.float32) * (1.0 / np.sqrt(d))
    b2 = jnp.zeros((E, d), dtype=jnp.float32)
    return {"x": x, "Wr": Wr, "br": br, "W1": W1, "b1": b1, "W2": W2, "b2": b2}


def reference(x, Wr, br, W1, b1, W2, b2):
    B, S, d = x.shape
    # Router: linear -> temperature softmax -> top-k -> renormalize
    logits = jnp.einsum('bsd,de->bse', x, Wr) + br
    probs = jax.nn.softmax(logits / TEMP, axis=-1)
    topk_probs, topk_idx = jax.lax.top_k(probs, K)
    topk_probs = topk_probs / (jnp.sum(topk_probs, axis=-1, keepdims=True) + 1e-9)
    xf = x.reshape(-1, d)
    idx = topk_idx.reshape(-1, K)
    w = topk_probs.reshape(-1, K).astype(xf.dtype)
    # Dense evaluation of every expert on every token (faithful to torch.stack over experts)
    h = jax.nn.relu(jnp.einsum('td,edh->eth', xf, W1) + b1[:, None, :])
    eo = jnp.einsum('eth,eho->eto', h, W2) + b2[:, None, :]
    eo = jnp.transpose(eo, (1, 0, 2))  # [T, E, d]
    sel = jnp.take_along_axis(eo, idx[:, :, None], axis=1)  # gather selected experts
    combined = jnp.sum(sel * w[:, :, None], axis=1).reshape(B, S, d)
    return (combined, logits)

if __name__ == "__main__":
    import jax
    _d = setup_inputs()
    print(jax.jit(kernel)(*tuple(_d.values())))

</pallas_src>

<mosaic_0001>
#map = affine_map<(d0, d1) -> (0, 0)>
#map1 = affine_map<(d0, d1) -> (0, 0, 0)>
module attributes {stable_mosaic.version = 14 : i64} {
  func.func @k(%arg0: i32, %arg1: i32, %arg2: memref<12288x1024xf32, #tpu.memory_space<hbm>>, %arg3: memref<32x8x32xi32, #tpu.memory_space<hbm>>, %arg4: memref<8192x1024xf32, #tpu.memory_space<hbm>>, %arg5: memref<8x32xi32, #tpu.memory_space<vmem>>, %arg6: memref<3x32x1024xf32, #tpu.memory_space<vmem>>, %arg7: memref<!tpu.dma_semaphore, #tpu.memory_space<semaphore_mem>>, %arg8: memref<!tpu.dma_semaphore, #tpu.memory_space<semaphore_mem>>, %arg9: memref<!tpu.dma_semaphore, #tpu.memory_space<semaphore_mem>>, %arg10: memref<!tpu.dma_semaphore, #tpu.memory_space<semaphore_mem>>, %arg11: memref<!tpu.dma_semaphore, #tpu.memory_space<semaphore_mem>>, %arg12: memref<!tpu.dma_semaphore, #tpu.memory_space<semaphore_mem>>) attributes {dimension_semantics = [#tpu.dimension_semantics<core_parallel>, #tpu.dimension_semantics<subcore_parallel>], iteration_bounds = array<i64: 2, 16>, scalar_prefetch = 0 : i64, scratch_operands = 8 : i64, tpu.core_type = #tpu.core_type<sc_vector_subcore>, window_params = [{transform_indices = #map}, {transform_indices = #map1}, {transform_indices = #map}]} {
    %mul3A = arith.constant 2 : i32
    %mul3A_0 = arith.muli %arg1, %mul3A : i32
    %add3A = arith.addi %mul3A_0, %arg0 : i32
    %mul3A_1 = arith.constant 256 : i32
    %mul3A_2 = arith.muli %add3A, %mul3A_1 : i32
    "tpu.region"() ({
      %run_scoped3A = tpu.sem_alloc : memref<!tpu.dma_semaphore, #tpu.memory_space<semaphore_mem>>
      %dma_start3A_417 = arith.constant 0 : i32
      %dma_start3A_418 = arith.constant 0 : i32
      %dma_start3A_419 = tpu.memref_slice %arg3[%add3A, %dma_start3A_417, %dma_start3A_418] : memref<32x8x32xi32, #tpu.memory_space<hbm>> -> memref<1x8x32xi32, #tpu.memory_space<hbm>>
      %dma_start3A_420 = tpu.memref_squeeze %dma_start3A_419 : memref<1x8x32xi32, #tpu.memory_space<hbm>> -> memref<8x32xi32, #tpu.memory_space<hbm>>
      %dma_start3A_421 = arith.constant 0 : i32
      %dma_start3A_422 = arith.constant 0 : i32
      %dma_start3A_423 = tpu.memref_slice %arg3[%add3A, %dma_start3A_421, %dma_start3A_422] : memref<32x8x32xi32, #tpu.memory_space<hbm>> -> memref<1x8x32xi32, #tpu.memory_space<hbm>>
      %dma_start3A_424 = tpu.memref_squeeze %dma_start3A_423 : memref<1x8x32xi32, #tpu.memory_space<hbm>> -> memref<8x32xi32, #tpu.memory_space<hbm>>
      tpu.enqueue_dma source(%dma_start3A_424 : memref<8x32xi32, #tpu.memory_space<hbm>>) target(%arg5 : memref<8x32xi32, #tpu.memory_space<vmem>>) target_semaphore(%run_scoped3A : memref<!tpu.dma_semaphore, #tpu.memory_space<semaphore_mem>>)
      %dma_wait3A_425 = arith.constant 0 : i32
      %dma_wait3A_426 = arith.constant 0 : i32
      %dma_wait3A_427 = tpu.memref_slice %arg3[%add3A, %dma_wait3A_425, %dma_wait3A_426] : memref<32x8x32xi32, #tpu.memory_space<hbm>> -> memref<1x8x32xi32, #tpu.memory_space<hbm>>
      %dma_wait3A_428 = tpu.memref_squeeze %dma_wait3A_427 : memref<1x8x32xi32, #tpu.memory_space<hbm>> -> memref<8x32xi32, #tpu.memory_space<hbm>>
      %dma_wait3A_429 = arith.constant 0 : i32
      %dma_wait3A_430 = arith.constant 0 : i32
      %dma_wait3A_431 = tpu.memref_slice %arg3[%add3A, %dma_wait3A_429, %dma_wait3A_430] : memref<32x8x32xi32, #tpu.memory_space<hbm>> -> memref<1x8x32xi32, #tpu.memory_space<hbm>>
      %dma_wait3A_432 = tpu.memref_squeeze %dma_wait3A_431 : memref<1x8x32xi32, #tpu.memory_space<hbm>> -> memref<8x32xi32, #tpu.memory_space<hbm>>
      tpu.wait_dma2 semaphore(%run_scoped3A : memref<!tpu.dma_semaphore, #tpu.memory_space<semaphore_mem>>) src(%dma_wait3A_432 : memref<8x32xi32, #tpu.memory_space<hbm>>) dst(%arg5 : memref<8x32xi32, #tpu.memory_space<vmem>>)
      tpu.yield
    }) : () -> ()
    %dma_start3A = arith.constant 0 : i32
    %dma_start3A_3 = arith.constant 0 : i32
    %dma_start3A_4 = arith.constant 0 : i32
    %dma_start3A_5 = arith.constant 0 : i32
    %dma_start3A_6 = tpu.memref_slice %arg6[%dma_start3A_3, %dma_start3A_4, %dma_start3A_5] : memref<3x32x1024xf32, #tpu.memory_space<vmem>> -> memref<1x32x1024xf32, #tpu.memory_space<vmem>>
    %dma_start3A_7 = tpu.memref_squeeze %dma_start3A_6 : memref<1x32x1024xf32, #tpu.memory_space<vmem>> -> memref<32x1024xf32, #tpu.memory_space<vmem>>
    %dma_start3A_8 = arith.constant 0 : i32
    %dma_start3A_9 = tpu.memref_slice %arg5[%dma_start3A, %dma_start3A_8] : memref<8x32xi32, #tpu.memory_space<vmem>> -> memref<1x32xi32, #tpu.memory_space<vmem>>
    %dma_start3A_10 = tpu.memref_squeeze %dma_start3A_9 : memref<1x32xi32, #tpu.memory_space<vmem>> -> memref<32xi32, #tpu.memory_space<vmem>>
    %dma_start3A_11 = arith.constant 0 : i32
    %dma_start3A_12 = arith.constant 0 : i32
    %dma_start3A_13 = tpu.memref_slice %arg2[%dma_start3A_11, %dma_start3A_12] : memref<12288x1024xf32, #tpu.memory_space<hbm>> -> memref<12288x1024xf32, #tpu.memory_space<hbm>>
    tpu.enqueue_indirect_dma source(%dma_start3A_13 : memref<12288x1024xf32, #tpu.memory_space<hbm>>) target(%dma_start3A_7 : memref<32x1024xf32, #tpu.memory_space<vmem>>) offsets(%dma_start3A_10 : memref<32xi32, #tpu.memory_space<vmem>>) semaphore(%arg7 : memref<!tpu.dma_semaphore, #tpu.memory_space<semaphore_mem>>)
    %dma_start3A_14 = arith.constant 1 : i32
    %dma_start3A_15 = arith.constant 1 : i32
    %dma_start3A_16 = arith.constant 0 : i32
    %dma_start3A_17 = arith.constant 0 : i32
    %dma_start3A_18 = tpu.memref_slice %arg6[%dma_start3A_15, %dma_start3A_16, %dma_start3A_17] : memref<3x32x1024xf32, #tpu.memory_space<vmem>> -> memref<1x32x1024xf32, #tpu.memory_space<vmem>>
    %dma_start3A_19 = tpu.memref_squeeze %dma_start3A_18 : memref<1x32x1024xf32, #tpu.memory_space<vmem>> -> memref<32x1024xf32, #tpu.memory_space<vmem>>
    %dma_start3A_20 = arith.constant 0 : i32
    %dma_start3A_21 = tpu.memref_slice %arg5[%dma_start3A_14, %dma_start3A_20] : memref<8x32xi32, #tpu.memory_space<vmem>> -> memref<1x32xi32, #tpu.memory_space<vmem>>
    %dma_start3A_22 = tpu.memref_squeeze %dma_start3A_21 : memref<1x32xi32, #tpu.memory_space<vmem>> -> memref<32xi32, #tpu.memory_space<vmem>>
    %dma_start3A_23 = arith.constant 0 : i32
    %dma_start3A_24 = arith.constant 0 : i32
    %dma_start3A_25 = tpu.memref_slice %arg2[%dma_start3A_23, %dma_start3A_24] : memref<12288x1024xf32, #tpu.memory_space<hbm>> -> memref<12288x1024xf32, #tpu.memory_space<hbm>>
    tpu.enqueue_indirect_dma source(%dma_start3A_25 : memref<12288x1024xf32, #tpu.memory_space<hbm>>) target(%dma_start3A_19 : memref<32x1024xf32, #tpu.memory_space<vmem>>) offsets(%dma_start3A_22 : memref<32xi32, #tpu.memory_space<vmem>>) semaphore(%arg8 : memref<!tpu.dma_semaphore, #tpu.memory_space<semaphore_mem>>)
    %dma_wait3A = arith.constant 0 : i32
    %dma_wait3A_26 = arith.constant 0 : i32
    %dma_wait3A_27 = arith.constant 0 : i32
    %dma_wait3A_28 = arith.constant 0 : i32
    %dma_wait3A_29 = tpu.memref_slice %arg6[%dma_wait3A_26, %dma_wait3A_27, %dma_wait3A_28] : memref<3x32x1024xf32, #tpu.memory_space<vmem>> -> memref<1x32x1024xf32, #tpu.memory_space<vmem>>
    %dma_wait3A_30 = tpu.memref_squeeze %dma_wait3A_29 : memref<1x32x1024xf32, #tpu.memory_space<vmem>> -> memref<32x1024xf32, #tpu.memory_space<vmem>>
    %dma_wait3A_31 = arith.constant 0 : i32
    %dma_wait3A_32 = tpu.memref_slice %arg5[%dma_wait3A, %dma_wait3A_31] : memref<8x32xi32, #tpu.memory_space<vmem>> -> memref<1x32xi32, #tpu.memory_space<vmem>>
    %dma_wait3A_33 = tpu.memref_squeeze %dma_wait3A_32 : memref<1x32xi32, #tpu.memory_space<vmem>> -> memref<32xi32, #tpu.memory_space<vmem>>
    %dma_wait3A_34 = arith.constant 0 : i32
    %dma_wait3A_35 = arith.constant 0 : i32
    %dma_wait3A_36 = tpu.memref_slice %arg2[%dma_wait3A_34, %dma_wait3A_35] : memref<12288x1024xf32, #tpu.memory_space<hbm>> -> memref<12288x1024xf32, #tpu.memory_space<hbm>>
    tpu.wait_indirect_dma semaphore(%arg7 : memref<!tpu.dma_semaphore, #tpu.memory_space<semaphore_mem>>) src(%dma_wait3A_36 : memref<12288x1024xf32, #tpu.memory_space<hbm>>) dst(%dma_wait3A_30 : memref<32x1024xf32, #tpu.memory_space<vmem>>)
    %add3A_37 = arith.constant 0 : i32
    %add3A_38 = arith.addi %mul3A_2, %add3A_37 : i32
    %dma_start3A_39 = arith.constant 0 : i32
    %dma_start3A_40 = arith.constant 0 : i32
    %dma_start3A_41 = arith.constant 0 : i32
    %dma_start3A_42 = tpu.memref_slice %arg6[%dma_start3A_39, %dma_start3A_40, %dma_start3A_41] : memref<3x32x1024xf32, #tpu.memory_space<vmem>> -> memref<1x32x1024xf32, #tpu.memory_space<vmem>>
    %dma_start3A_43 = tpu.memref_squeeze %dma_start3A_42 : memref<1x32x1024xf32, #tpu.memory_space<vmem>> -> memref<32x1024xf32, #tpu.memory_space<vmem>>
    %dma_start3A_44 = arith.constant 0 : i32
    %dma_start3A_45 = tpu.memref_slice %arg4[%add3A_38, %dma_start3A_44] : memref<8192x1024xf32, #tpu.memory_space<hbm>> -> memref<32x1024xf32, #tpu.memory_space<hbm>>
    %dma_start3A_46 = arith.constant 0 : i32
    %dma_start3A_47 = tpu.memref_slice %arg4[%add3A_38, %dma_start3A_46] : memref<8192x1024xf32, #tpu.memory_space<hbm>> -> memref<32x1024xf32, #tpu.memory_space<hbm>>
    %dma_start3A_48 = arith.constant 0 : i32
    %dma_start3A_49 = arith.constant 0 : i32
    %dma_start3A_50 = tpu.memref_slice %arg6[%dma_start3A_39, %dma_start3A_48, %dma_start3A_49] : memref<3x32x1024xf32, #tpu.memory_space<vmem>> -> memref<1x32x1024xf32, #tpu.memory_space<vmem>>
    %dma_start3A_51 = tpu.memref_squeeze %dma_start3A_50 : memref<1x32x1024xf32, #tpu.memory_space<vmem>> -> memref<32x1024xf32, #tpu.memory_space<vmem>>
    tpu.enqueue_dma source(%dma_start3A_51 : memref<32x1024xf32, #tpu.memory_space<vmem>>) target(%dma_start3A_47 : memref<32x1024xf32, #tpu.memory_space<hbm>>) target_semaphore(%arg10 : memref<!tpu.dma_semaphore, #tpu.memory_space<semaphore_mem>>)
    %dma_start3A_52 = arith.constant 2 : i32
    %dma_start3A_53 = arith.constant 2 : i32
    %dma_start3A_54 = arith.constant 0 : i32
    %dma_start3A_55 = arith.constant 0 : i32
    %dma_start3A_56 = tpu.memref_slice %arg6[%dma_start3A_53, %dma_start3A_54, %dma_start3A_55] : memref<3x32x1024xf32, #tpu.memory_space<vmem>> -> memref<1x32x1024xf32, #tpu.memory_space<vmem>>
    %dma_start3A_57 = tpu.memref_squeeze %dma_start3A_56 : memref<1x32x1024xf32, #tpu.memory_space<vmem>> -> memref<32x1024xf32, #tpu.memory_space<vmem>>
    %dma_start3A_58 = arith.constant 0 : i32
    %dma_start3A_59 = tpu.memref_slice %arg5[%dma_start3A_52, %dma_start3A_58] : memref<8x32xi32, #tpu.memory_space<vmem>> -> memref<1x32xi32, #tpu.memory_space<vmem>>
    %dma_start3A_60 = tpu.memref_squeeze %dma_start3A_59 : memref<1x32xi32, #tpu.memory_space<vmem>> -> memref<32xi32, #tpu.memory_space<vmem>>
    %dma_start3A_61 = arith.constant 0 : i32
    %dma_start3A_62 = arith.constant 0 : i32
    %dma_start3A_63 = tpu.memref_slice %arg2[%dma_start3A_61, %dma_start3A_62] : memref<12288x1024xf32, #tpu.memory_space<hbm>> -> memref<12288x1024xf32, #tpu.memory_space<hbm>>
    tpu.enqueue_indirect_dma source(%dma_start3A_63 : memref<12288x1024xf32, #tpu.memory_space<hbm>>) target(%dma_start3A_57 : memref<32x1024xf32, #tpu.memory_space<vmem>>) offsets(%dma_start3A_60 : memref<32xi32, #tpu.memory_space<vmem>>) semaphore(%arg9 : memref<!tpu.dma_semaphore, #tpu.memory_space<semaphore_mem>>)
    %dma_wait3A_64 = arith.constant 1 : i32
    %dma_wait3A_65 = arith.constant 1 : i32
    %dma_wait3A_66 = arith.constant 0 : i32
    %dma_wait3A_67 = arith.constant 0 : i32
    %dma_wait3A_68 = tpu.memref_slice %arg6[%dma_wait3A_65, %dma_wait3A_66, %dma_wait3A_67] : memref<3x32x1024xf32, #tpu.memory_space<vmem>> -> memref<1x32x1024xf32, #tpu.memory_space<vmem>>
    %dma_wait3A_69 = tpu.memref_squeeze %dma_wait3A_68 : memref<1x32x1024xf32, #tpu.memory_space<vmem>> -> memref<32x1024xf32, #tpu.memory_space<vmem>>
    %dma_wait3A_70 = arith.constant 0 : i32
    %dma_wait3A_71 = tpu.memref_slice %arg5[%dma_wait3A_64, %dma_wait3A_70] : memref<8x32xi32, #tpu.memory_space<vmem>> -> memref<1x32xi32, #tpu.memory_space<vmem>>
    %dma_wait3A_72 = tpu.memref_squeeze %dma_wait3A_71 : memref<1x32xi32, #tpu.memory_space<vmem>> -> memref<32xi32, #tpu.memory_space<vmem>>
    %dma_wait3A_73 = arith.constant 0 : i32
    %dma_wait3A_74 = arith.constant 0 : i32
    %dma_wait3A_75 = tpu.memref_slice %arg2[%dma_wait3A_73, %dma_wait3A_74] : memref<12288x1024xf32, #tpu.memory_space<hbm>> -> memref<12288x1024xf32, #tpu.memory_space<hbm>>
    tpu.wait_indirect_dma semaphore(%arg8 : memref<!tpu.dma_semaphore, #tpu.memory_space<semaphore_mem>>) src(%dma_wait3A_75 : memref<12288x1024xf32, #tpu.memory_space<hbm>>) dst(%dma_wait3A_69 : memref<32x1024xf32, #tpu.memory_space<vmem>>)
    %add3A_76 = arith.constant 32 : i32
    %add3A_77 = arith.addi %mul3A_2, %add3A_76 : i32
    %dma_start3A_78 = arith.constant 1 : i32
    %dma_start3A_79 = arith.constant 0 : i32
    %dma_start3A_80 = arith.constant 0 : i32
    %dma_start3A_81 = tpu.memref_slice %arg6[%dma_start3A_78, %dma_start3A_79, %dma_start3A_80] : memref<3x32x1024xf32, #tpu.memory_space<vmem>> -> memref<1x32x1024xf32, #tpu.memory_space<vmem>>
    %dma_start3A_82 = tpu.memref_squeeze %dma_start3A_81 : memref<1x32x1024xf32, #tpu.memory_space<vmem>> -> memref<32x1024xf32, #tpu.memory_space<vmem>>
    %dma_start3A_83 = arith.constant 0 : i32
    %dma_start3A_84 = tpu.memref_slice %arg4[%add3A_77, %dma_start3A_83] : memref<8192x1024xf32, #tpu.memory_space<hbm>> -> memref<32x1024xf32, #tpu.memory_space<hbm>>
    %dma_start3A_85 = arith.constant 0 : i32
    %dma_start3A_86 = tpu.memref_slice %arg4[%add3A_77, %dma_start3A_85] : memref<8192x1024xf32, #tpu.memory_space<hbm>> -> memref<32x1024xf32, #tpu.memory_space<hbm>>
    %dma_start3A_87 = arith.constant 0 : i32
    %dma_start3A_88 = arith.constant 0 : i32
    %dma_start3A_89 = tpu.memref_slice %arg6[%dma_start3A_78, %dma_start3A_87, %dma_start3A_88] : memref<3x32x1024xf32, #tpu.memory_space<vmem>> -> memref<1x32x1024xf32, #tpu.memory_space<vmem>>
    %dma_start3A_90 = tpu.memref_squeeze %dma_start3A_89 : memref<1x32x1024xf32, #tpu.memory_space<vmem>> -> memref<32x1024xf32, #tpu.memory_space<vmem>>
    tpu.enqueue_dma source(%dma_start3A_90 : memref<32x1024xf32, #tpu.memory_space<vmem>>) target(%dma_start3A_86 : memref<32x1024xf32, #tpu.memory_space<hbm>>) target_semaphore(%arg11 : memref<!tpu.dma_semaphore, #tpu.memory_space<semaphore_mem>>)
    %dma_wait3A_91 = arith.constant 0 : i32
    %dma_wait3A_92 = arith.constant 0 : i32
    %dma_wait3A_93 = arith.constant 0 : i32
    %dma_wait3A_94 = tpu.memref_slice %arg6[%dma_wait3A_91, %dma_wait3A_92, %dma_wait3A_93] : memref<3x32x1024xf32, #tpu.memory_space<vmem>> -> memref<1x32x1024xf32, #tpu.memory_space<vmem>>
    %dma_wait3A_95 = tpu.memref_squeeze %dma_wait3A_94 : memref<1x32x1024xf32, #tpu.memory_space<vmem>> -> memref<32x1024xf32, #tpu.memory_space<vmem>>
    %dma_wait3A_96 = arith.constant 0 : i32
    %dma_wait3A_97 = tpu.memref_slice %arg4[%add3A_38, %dma_wait3A_96] : memref<8192x1024xf32, #tpu.memory_space<hbm>> -> memref<32x1024xf32, #tpu.memory_space<hbm>>
    %dma_wait3A_98 = arith.constant 0 : i32
    %dma_wait3A_99 = tpu.memref_slice %arg4[%add3A_38, %dma_wait3A_98] : memref<8192x1024xf32, #tpu.memory_space<hbm>> -> memref<32x1024xf32, #tpu.memory_space<hbm>>
    %dma_wait3A_100 = arith.constant 0 : i32
    %dma_wait3A_101 = arith.constant 0 : i32
    %dma_wait3A_102 = tpu.memref_slice %arg6[%dma_wait3A_91, %dma_wait3A_100, %dma_wait3A_101] : memref<3x32x1024xf32, #tpu.memory_space<vmem>> -> memref<1x32x1024xf32, #tpu.memory_space<vmem>>
    %dma_wait3A_103 = tpu.memref_squeeze %dma_wait3A_102 : memref<1x32x1024xf32, #tpu.memory_space<vmem>> -> memref<32x1024xf32, #tpu.memory_space<vmem>>
    tpu.wait_dma2 semaphore(%arg10 : memref<!tpu.dma_semaphore, #tpu.memory_space<semaphore_mem>>) src(%dma_wait3A_103 : memref<32x1024xf32, #tpu.memory_space<vmem>>) dst(%dma_wait3A_99 : memref<32x1024xf32, #tpu.memory_space<hbm>>)
    %dma_start3A_104 = arith.constant 3 : i32
    %dma_start3A_105 = arith.constant 0 : i32
    %dma_start3A_106 = arith.constant 0 : i32
    %dma_start3A_107 = arith.constant 0 : i32
    %dma_start3A_108 = tpu.memref_slice %arg6[%dma_start3A_105, %dma_start3A_106, %dma_start3A_107] : memref<3x32x1024xf32, #tpu.memory_space<vmem>> -> memref<1x32x1024xf32, #tpu.memory_space<vmem>>
    %dma_start3A_109 = tpu.memref_squeeze %dma_start3A_108 : memref<1x32x1024xf32, #tpu.memory_space<vmem>> -> memref<32x1024xf32, #tpu.memory_space<vmem>>
    %dma_start3A_110 = arith.constant 0 : i32
    %dma_start3A_111 = tpu.memref_slice %arg5[%dma_start3A_104, %dma_start3A_110] : memref<8x32xi32, #tpu.memory_space<vmem>> -> memref<1x32xi32, #tpu.memory_space<vmem>>
    %dma_start3A_112 = tpu.memref_squeeze %dma_start3A_111 : memref<1x32xi32, #tpu.memory_space<vmem>> -> memref<32xi32, #tpu.memory_space<vmem>>
    %dma_start3A_113 = arith.constant 0 : i32
    %dma_start3A_114 = arith.constant 0 : i32
    %dma_start3A_115 = tpu.memref_slice %arg2[%dma_start3A_113, %dma_start3A_114] : memref<12288x1024xf32, #tpu.memory_space<hbm>> -> memref<12288x1024xf32, #tpu.memory_space<hbm>>
    tpu.enqueue_indirect_dma source(%dma_start3A_115 : memref<12288x1024xf32, #tpu.memory_space<hbm>>) target(%dma_start3A_109 : memref<32x1024xf32, #tpu.memory_space<vmem>>) offsets(%dma_start3A_112 : memref<32xi32, #tpu.memory_space<vmem>>) semaphore(%arg7 : memref<!tpu.dma_semaphore, #tpu.memory_space<semaphore_mem>>)
    %dma_wait3A_116 = arith.constant 2 : i32
    %dma_wait3A_117 = arith.constant 2 : i32
    %dma_wait3A_118 = arith.constant 0 : i32
    %dma_wait3A_119 = arith.constant 0 : i32
    %dma_wait3A_120 = tpu.memref_slice %arg6[%dma_wait3A_117, %dma_wait3A_118, %dma_wait3A_119] : memref<3x32x1024xf32, #tpu.memory_space<vmem>> -> memref<1x32x1024xf32, #tpu.memory_space<vmem>>
    %dma_wait3A_121 = tpu.memref_squeeze %dma_wait3A_120 : memref<1x32x1024xf32, #tpu.memory_space<vmem>> -> memref<32x1024xf32, #tpu.memory_space<vmem>>
    %dma_wait3A_122 = arith.constant 0 : i32
    %dma_wait3A_123 = tpu.memref_slice %arg5[%dma_wait3A_116, %dma_wait3A_122] : memref<8x32xi32, #tpu.memory_space<vmem>> -> memref<1x32xi32, #tpu.memory_space<vmem>>
    %dma_wait3A_124 = tpu.memref_squeeze %dma_wait3A_123 : memref<1x32xi32, #tpu.memory_space<vmem>> -> memref<32xi32, #tpu.memory_space<vmem>>
    %dma_wait3A_125 = arith.constant 0 : i32
    %dma_wait3A_126 = arith.constant 0 : i32
    %dma_wait3A_127 = tpu.memref_slice %arg2[%dma_wait3A_125, %dma_wait3A_126] : memref<12288x1024xf32, #tpu.memory_space<hbm>> -> memref<12288x1024xf32, #tpu.memory_space<hbm>>
    tpu.wait_indirect_dma semaphore(%arg9 : memref<!tpu.dma_semaphore, #tpu.memory_space<semaphore_mem>>) src(%dma_wait3A_127 : memref<12288x1024xf32, #tpu.memory_space<hbm>>) dst(%dma_wait3A_121 : memref<32x1024xf32, #tpu.memory_space<vmem>>)
    %add3A_128 = arith.constant 64 : i32
    %add3A_129 = arith.addi %mul3A_2, %add3A_128 : i32
    %dma_start3A_130 = arith.constant 2 : i32
    %dma_start3A_131 = arith.constant 0 : i32
    %dma_start3A_132 = arith.constant 0 : i32
    %dma_start3A_133 = tpu.memref_slice %arg6[%dma_start3A_130, %dma_start3A_131, %dma_start3A_132] : memref<3x32x1024xf32, #tpu.memory_space<vmem>> -> memref<1x32x1024xf32, #tpu.memory_space<vmem>>
    %dma_start3A_134 = tpu.memref_squeeze %dma_start3A_133 : memref<1x32x1024xf32, #tpu.memory_space<vmem>> -> memref<32x1024xf32, #tpu.memory_space<vmem>>
    %dma_start3A_135 = arith.constant 0 : i32
    %dma_start3A_136 = tpu.memref_slice %arg4[%add3A_129, %dma_start3A_135] : memref<8192x1024xf32, #tpu.memory_space<hbm>> -> memref<32x1024xf32, #tpu.memory_space<hbm>>
    %dma_start3A_137 = arith.constant 0 : i32
    %dma_start3A_138 = tpu.memref_slice %arg4[%add3A_129, %dma_start3A_137] : memref<8192x1024xf32, #tpu.memory_space<hbm>> -> memref<32x1024xf32, #tpu.memory_space<hbm>>
    %dma_start3A_139 = arith.constant 0 : i32
    %dma_start3A_140 = arith.constant 0 : i32
    %dma_start3A_141 = tpu.memref_slice %arg6[%dma_start3A_130, %dma_start3A_139, %dma_start3A_140] : memref<3x32x1024xf32, #tpu.memory_space<vmem>> -> memref<1x32x1024xf32, #tpu.memory_space<vmem>>
    %dma_start3A_142 = tpu.memref_squeeze %dma_start3A_141 : memref<1x32x1024xf32, #tpu.memory_space<vmem>> -> memref<32x1024xf32, #tpu.memory_space<vmem>>
    tpu.enqueue_dma source(%dma_start3A_142 : memref<32x1024xf32, #tpu.memory_space<vmem>>) target(%dma_start3A_138 : memref<32x1024xf32, #tpu.memory_space<hbm>>) target_semaphore(%arg12 : memref<!tpu.dma_semaphore, #tpu.memory_space<semaphore_mem>>)
    %dma_wait3A_143 = arith.constant 1 : i32
    %dma_wait3A_144 = arith.constant 0 : i32
    %dma_wait3A_145 = arith.constant 0 : i32
    %dma_wait3A_146 = tpu.memref_slice %arg6[%dma_wait3A_143, %dma_wait3A_144, %dma_wait3A_145] : memref<3x32x1024xf32, #tpu.memory_space<vmem>> -> memref<1x32x1024xf32, #tpu.memory_space<vmem>>
    %dma_wait3A_147 = tpu.memref_squeeze %dma_wait3A_146 : memref<1x32x1024xf32, #tpu.memory_space<vmem>> -> memref<32x1024xf32, #tpu.memory_space<vmem>>
    %dma_wait3A_148 = arith.constant 0 : i32
    %dma_wait3A_149 = tpu.memref_slice %arg4[%add3A_77, %dma_wait3A_148] : memref<8192x1024xf32, #tpu.memory_space<hbm>> -> memref<32x1024xf32, #tpu.memory_space<hbm>>
    %dma_wait3A_150 = arith.constant 0 : i32
    %dma_wait3A_151 = tpu.memref_slice %arg4[%add3A_77, %dma_wait3A_150] : memref<8192x1024xf32, #tpu.memory_space<hbm>> -> memref<32x1024xf32, #tpu.memory_space<hbm>>
    %dma_wait3A_152 = arith.constant 0 : i32
    %dma_wait3A_153 = arith.constant 0 : i32
    %dma_wait3A_154 = tpu.memref_slice %arg6[%dma_wait3A_143, %dma_wait3A_152, %dma_wait3A_153] : memref<3x32x1024xf32, #tpu.memory_space<vmem>> -> memref<1x32x1024xf32, #tpu.memory_space<vmem>>
    %dma_wait3A_155 = tpu.memref_squeeze %dma_wait3A_154 : memref<1x32x1024xf32, #tpu.memory_space<vmem>> -> memref<32x1024xf32, #tpu.memory_space<vmem>>
    tpu.wait_dma2 semaphore(%arg11 : memref<!tpu.dma_semaphore, #tpu.memory_space<semaphore_mem>>) src(%dma_wait3A_155 : memref<32x1024xf32, #tpu.memory_space<vmem>>) dst(%dma_wait3A_151 : memref<32x1024xf32, #tpu.memory_space<hbm>>)
    %dma_start3A_156 = arith.constant 4 : i32
    %dma_start3A_157 = arith.constant 1 : i32
    %dma_start3A_158 = arith.constant 0 : i32
    %dma_start3A_159 = arith.constant 0 : i32
    %dma_start3A_160 = tpu.memref_slice %arg6[%dma_start3A_157, %dma_start3A_158, %dma_start3A_159] : memref<3x32x1024xf32, #tpu.memory_space<vmem>> -> memref<1x32x1024xf32, #tpu.memory_space<vmem>>
    %dma_start3A_161 = tpu.memref_squeeze %dma_start3A_160 : memref<1x32x1024xf32, #tpu.memory_space<vmem>> -> memref<32x1024xf32, #tpu.memory_space<vmem>>
    %dma_start3A_162 = arith.constant 0 : i32
    %dma_start3A_163 = tpu.memref_slice %arg5[%dma_start3A_156, %dma_start3A_162] : memref<8x32xi32, #tpu.memory_space<vmem>> -> memref<1x32xi32, #tpu.memory_space<vmem>>
    %dma_start3A_164 = tpu.memref_squeeze %dma_start3A_163 : memref<1x32xi32, #tpu.memory_space<vmem>> -> memref<32xi32, #tpu.memory_space<vmem>>
    %dma_start3A_165 = arith.constant 0 : i32
    %dma_start3A_166 = arith.constant 0 : i32
    %dma_start3A_167 = tpu.memref_slice %arg2[%dma_start3A_165, %dma_start3A_166] : memref<12288x1024xf32, #tpu.memory_space<hbm>> -> memref<12288x1024xf32, #tpu.memory_space<hbm>>
    tpu.enqueue_indirect_dma source(%dma_start3A_167 : memref<12288x1024xf32, #tpu.memory_space<hbm>>) target(%dma_start3A_161 : memref<32x1024xf32, #tpu.memory_space<vmem>>) offsets(%dma_start3A_164 : memref<32xi32, #tpu.memory_space<vmem>>) semaphore(%arg8 : memref<!tpu.dma_semaphore, #tpu.memory_space<semaphore_mem>>)
    %dma_wait3A_168 = arith.constant 3 : i32
    %dma_wait3A_169 = arith.constant 0 : i32
    %dma_wait3A_170 = arith.constant 0 : i32
    %dma_wait3A_171 = arith.constant 0 : i32
    %dma_wait3A_172 = tpu.memref_slice %arg6[%dma_wait3A_169, %dma_wait3A_170, %dma_wait3A_171] : memref<3x32x1024xf32, #tpu.memory_space<vmem>> -> memref<1x32x1024xf32, #tpu.memory_space<vmem>>
    %dma_wait3A_173 = tpu.memref_squeeze %dma_wait3A_172 : memref<1x32x1024xf32, #tpu.memory_space<vmem>> -> memref<32x1024xf32, #tpu.memory_space<vmem>>
    %dma_wait3A_174 = arith.constant 0 : i32
    %dma_wait3A_175 = tpu.memref_slice %arg5[%dma_wait3A_168, %dma_wait3A_174] : memref<8x32xi32, #tpu.memory_space<vmem>> -> memref<1x32xi32, #tpu.memory_space<vmem>>
    %dma_wait3A_176 = tpu.memref_squeeze %dma_wait3A_175 : memref<1x32xi32, #tpu.memory_space<vmem>> -> memref<32xi32, #tpu.memory_space<vmem>>
    %dma_wait3A_177 = arith.constant 0 : i32
    %dma_wait3A_178 = arith.constant 0 : i32
    %dma_wait3A_179 = tpu.memref_slice %arg2[%dma_wait3A_177, %dma_wait3A_178] : memref<12288x1024xf32, #tpu.memory_space<hbm>> -> memref<12288x1024xf32, #tpu.memory_space<hbm>>
    tpu.wait_indirect_dma semaphore(%arg7 : memref<!tpu.dma_semaphore, #tpu.memory_space<semaphore_mem>>) src(%dma_wait3A_179 : memref<12288x1024xf32, #tpu.memory_space<hbm>>) dst(%dma_wait3A_173 : memref<32x1024xf32, #tpu.memory_space<vmem>>)
    %add3A_180 = arith.constant 96 : i32
    %add3A_181 = arith.addi %mul3A_2, %add3A_180 : i32
    %dma_start3A_182 = arith.constant 0 : i32
    %dma_start3A_183 = arith.constant 0 : i32
    %dma_start3A_184 = arith.constant 0 : i32
    %dma_start3A_185 = tpu.memref_slice %arg6[%dma_start3A_182, %dma_start3A_183, %dma_start3A_184] : memref<3x32x1024xf32, #tpu.memory_space<vmem>> -> memref<1x32x1024xf32, #tpu.memory_space<vmem>>
    %dma_start3A_186 = tpu.memref_squeeze %dma_start3A_185 : memref<1x32x1024xf32, #tpu.memory_space<vmem>> -> memref<32x1024xf32, #tpu.memory_space<vmem>>
    %dma_start3A_187 = arith.constant 0 : i32
    %dma_start3A_188 = tpu.memref_slice %arg4[%add3A_181, %dma_start3A_187] : memref<8192x1024xf32, #tpu.memory_space<hbm>> -> memref<32x1024xf32, #tpu.memory_space<hbm>>
    %dma_start3A_189 = arith.constant 0 : i32
    %dma_start3A_190 = tpu.memref_slice %arg4[%add3A_181, %dma_start3A_189] : memref<8192x1024xf32, #tpu.memory_space<hbm>> -> memref<32x1024xf32, #tpu.memory_space<hbm>>
    %dma_start3A_191 = arith.constant 0 : i32
    %dma_start3A_192 = arith.constant 0 : i32
    %dma_start3A_193 = tpu.memref_slice %arg6[%dma_start3A_182, %dma_start3A_191, %dma_start3A_192] : memref<3x32x1024xf32, #tpu.memory_space<vmem>> -> memref<1x32x1024xf32, #tpu.memory_space<vmem>>
    %dma_start3A_194 = tpu.memref_squeeze %dma_start3A_193 : memref<1x32x1024xf32, #tpu.memory_space<vmem>> -> memref<32x1024xf32, #tpu.memory_space<vmem>>
    tpu.enqueue_dma source(%dma_start3A_194 : memref<32x1024xf32, #tpu.memory_space<vmem>>) target(%dma_start3A_190 : memref<32x1024xf32, #tpu.memory_space<hbm>>) target_semaphore(%arg10 : memref<!tpu.dma_semaphore, #tpu.memory_space<semaphore_mem>>)
    %dma_wait3A_195 = arith.constant 2 : i32
    %dma_wait3A_196 = arith.constant 0 : i32
    %dma_wait3A_197 = arith.constant 0 : i32
    %dma_wait3A_198 = tpu.memref_slice %arg6[%dma_wait3A_195, %dma_wait3A_196, %dma_wait3A_197] : memref<3x32x1024xf32, #tpu.memory_space<vmem>> -> memref<1x32x1024xf32, #tpu.memory_space<vmem>>
    %dma_wait3A_199 = tpu.memref_squeeze %dma_wait3A_198 : memref<1x32x1024xf32, #tpu.memory_space<vmem>> -> memref<32x1024xf32, #tpu.memory_space<vmem>>
    %dma_wait3A_200 = arith.constant 0 : i32
    %dma_wait3A_201 = tpu.memref_slice %arg4[%add3A_129, %dma_wait3A_200] : memref<8192x1024xf32, #tpu.memory_space<hbm>> -> memref<32x1024xf32, #tpu.memory_space<hbm>>
    %dma_wait3A_202 = arith.constant 0 : i32
    %dma_wait3A_203 = tpu.memref_slice %arg4[%add3A_129, %dma_wait3A_202] : memref<8192x1024xf32, #tpu.memory_space<hbm>> -> memref<32x1024xf32, #tpu.memory_space<hbm>>
    %dma_wait3A_204 = arith.constant 0 : i32
    %dma_wait3A_205 = arith.constant 0 : i32
    %dma_wait3A_206 = tpu.memref_slice %arg6[%dma_wait3A_195, %dma_wait3A_204, %dma_wait3A_205] : memref<3x32x1024xf32, #tpu.memory_space<vmem>> -> memref<1x32x1024xf32, #tpu.memory_space<vmem>>
    %dma_wait3A_207 = tpu.memref_squeeze %dma_wait3A_206 : memref<1x32x1024xf32, #tpu.memory_space<vmem>> -> memref<32x1024xf32, #tpu.memory_space<vmem>>
    tpu.wait_dma2 semaphore(%arg12 : memref<!tpu.dma_semaphore, #tpu.memory_space<semaphore_mem>>) src(%dma_wait3A_207 : memref<32x1024xf32, #tpu.memory_space<vmem>>) dst(%dma_wait3A_203 : memref<32x1024xf32, #tpu.memory_space<hbm>>)
    %dma_start3A_208 = arith.constant 5 : i32
    %dma_start3A_209 = arith.constant 2 : i32
    %dma_start3A_210 = arith.constant 0 : i32
    %dma_start3A_211 = arith.constant 0 : i32
    %dma_start3A_212 = tpu.memref_slice %arg6[%dma_start3A_209, %dma_start3A_210, %dma_start3A_211] : memref<3x32x1024xf32, #tpu.memory_space<vmem>> -> memref<1x32x1024xf32, #tpu.memory_space<vmem>>
    %dma_start3A_213 = tpu.memref_squeeze %dma_start3A_212 : memref<1x32x1024xf32, #tpu.memory_space<vmem>> -> memref<32x1024xf32, #tpu.memory_space<vmem>>
    %dma_start3A_214 = arith.constant 0 : i32
    %dma_start3A_215 = tpu.memref_slice %arg5[%dma_start3A_208, %dma_start3A_214] : memref<8x32xi32, #tpu.memory_space<vmem>> -> memref<1x32xi32, #tpu.memory_space<vmem>>
    %dma_start3A_216 = tpu.memref_squeeze %dma_start3A_215 : memref<1x32xi32, #tpu.memory_space<vmem>> -> memref<32xi32, #tpu.memory_space<vmem>>
    %dma_start3A_217 = arith.constant 0 : i32
    %dma_start3A_218 = arith.constant 0 : i32
    %dma_start3A_219 = tpu.memref_slice %arg2[%dma_start3A_217, %dma_start3A_218] : memref<12288x1024xf32, #tpu.memory_space<hbm>> -> memref<12288x1024xf32, #tpu.memory_space<hbm>>
    tpu.enqueue_indirect_dma source(%dma_start3A_219 : memref<12288x1024xf32, #tpu.memory_space<hbm>>) target(%dma_start3A_213 : memref<32x1024xf32, #tpu.memory_space<vmem>>) offsets(%dma_start3A_216 : memref<32xi32, #tpu.memory_space<vmem>>) semaphore(%arg9 : memref<!tpu.dma_semaphore, #tpu.memory_space<semaphore_mem>>)
    %dma_wait3A_220 = arith.constant 4 : i32
    %dma_wait3A_221 = arith.constant 1 : i32
    %dma_wait3A_222 = arith.constant 0 : i32
    %dma_wait3A_223 = arith.constant 0 : i32
    %dma_wait3A_224 = tpu.memref_slice %arg6[%dma_wait3A_221, %dma_wait3A_222, %dma_wait3A_223] : memref<3x32x1024xf32, #tpu.memory_space<vmem>> -> memref<1x32x1024xf32, #tpu.memory_space<vmem>>
    %dma_wait3A_225 = tpu.memref_squeeze %dma_wait3A_224 : memref<1x32x1024xf32, #tpu.memory_space<vmem>> -> memref<32x1024xf32, #tpu.memory_space<vmem>>
    %dma_wait3A_226 = arith.constant 0 : i32
    %dma_wait3A_227 = tpu.memref_slice %arg5[%dma_wait3A_220, %dma_wait3A_226] : memref<8x32xi32, #tpu.memory_space<vmem>> -> memref<1x32xi32, #tpu.memory_space<vmem>>
    %dma_wait3A_228 = tpu.memref_squeeze %dma_wait3A_227 : memref<1x32xi32, #tpu.memory_space<vmem>> -> memref<32xi32, #tpu.memory_space<vmem>>
    %dma_wait3A_229 = arith.constant 0 : i32
    %dma_wait3A_230 = arith.constant 0 : i32
    %dma_wait3A_231 = tpu.memref_slice %arg2[%dma_wait3A_229, %dma_wait3A_230] : memref<12288x1024xf32, #tpu.memory_space<hbm>> -> memref<12288x1024xf32, #tpu.memory_space<hbm>>
    tpu.wait_indirect_dma semaphore(%arg8 : memref<!tpu.dma_semaphore, #tpu.memory_space<semaphore_mem>>) src(%dma_wait3A_231 : memref<12288x1024xf32, #tpu.memory_space<hbm>>) dst(%dma_wait3A_225 : memref<32x1024xf32, #tpu.memory_space<vmem>>)
    %add3A_232 = arith.constant 128 : i32
    %add3A_233 = arith.addi %mul3A_2, %add3A_232 : i32
    %dma_start3A_234 = arith.constant 1 : i32
    %dma_start3A_235 = arith.constant 0 : i32
    %dma_start3A_236 = arith.constant 0 : i32
    %dma_start3A_237 = tpu.memref_slice %arg6[%dma_start3A_234, %dma_start3A_235, %dma_start3A_236] : memref<3x32x1024xf32, #tpu.memory_space<vmem>> -> memref<1x32x1024xf32, #tpu.memory_space<vmem>>
    %dma_start3A_238 = tpu.memref_squeeze %dma_start3A_237 : memref<1x32x1024xf32, #tpu.memory_space<vmem>> -> memref<32x1024xf32, #tpu.memory_space<vmem>>
    %dma_start3A_239 = arith.constant 0 : i32
    %dma_start3A_240 = tpu.memref_slice %arg4[%add3A_233, %dma_start3A_239] : memref<8192x1024xf32, #tpu.memory_space<hbm>> -> memref<32x1024xf32, #tpu.memory_space<hbm>>
    %dma_start3A_241 = arith.constant 0 : i32
    %dma_start3A_242 = tpu.memref_slice %arg4[%add3A_233, %dma_start3A_241] : memref<8192x1024xf32, #tpu.memory_space<hbm>> -> memref<32x1024xf32, #tpu.memory_space<hbm>>
    %dma_start3A_243 = arith.constant 0 : i32
    %dma_start3A_244 = arith.constant 0 : i32
    %dma_start3A_245 = tpu.memref_slice %arg6[%dma_start3A_234, %dma_start3A_243, %dma_start3A_244] : memref<3x32x1024xf32, #tpu.memory_space<vmem>> -> memref<1x32x1024xf32, #tpu.memory_space<vmem>>
    %dma_start3A_246 = tpu.memref_squeeze %dma_start3A_245 : memref<1x32x1024xf32, #tpu.memory_space<vmem>> -> memref<32x1024xf32, #tpu.memory_space<vmem>>
    tpu.enqueue_dma source(%dma_start3A_246 : memref<32x1024xf32, #tpu.memory_space<vmem>>) target(%dma_start3A_242 : memref<32x1024xf32, #tpu.memory_space<hbm>>) target_semaphore(%arg11 : memref<!tpu.dma_semaphore, #tpu.memory_space<semaphore_mem>>)
    %dma_wait3A_247 = arith.constant 0 : i32
    %dma_wait3A_248 = arith.constant 0 : i32
    %dma_wait3A_249 = arith.constant 0 : i32
    %dma_wait3A_250 = tpu.memref_slice %arg6[%dma_wait3A_247, %dma_wait3A_248, %dma_wait3A_249] : memref<3x32x1024xf32, #tpu.memory_space<vmem>> -> memref<1x32x1024xf32, #tpu.memory_space<vmem>>
    %dma_wait3A_251 = tpu.memref_squeeze %dma_wait3A_250 : memref<1x32x1024xf32, #tpu.memory_space<vmem>> -> memref<32x1024xf32, #tpu.memory_space<vmem>>
    %dma_wait3A_252 = arith.constant 0 : i32
    %dma_wait3A_253 = tpu.memref_slice %arg4[%add3A_181, %dma_wait3A_252] : memref<8192x1024xf32, #tpu.memory_space<hbm>> -> memref<32x1024xf32, #tpu.memory_space<hbm>>
    %dma_wait3A_254 = arith.constant 0 : i32
    %dma_wait3A_255 = tpu.memref_slice %arg4[%add3A_181, %dma_wait3A_254] : memref<8192x1024xf32, #tpu.memory_space<hbm>> -> memref<32x1024xf32, #tpu.memory_space<hbm>>
    %dma_wait3A_256 = arith.constant 0 : i32
    %dma_wait3A_257 = arith.constant 0 : i32
    %dma_wait3A_258 = tpu.memref_slice %arg6[%dma_wait3A_247, %dma_wait3A_256, %dma_wait3A_257] : memref<3x32x1024xf32, #tpu.memory_space<vmem>> -> memref<1x32x1024xf32, #tpu.memory_space<vmem>>
    %dma_wait3A_259 = tpu.memref_squeeze %dma_wait3A_258 : memref<1x32x1024xf32, #tpu.memory_space<vmem>> -> memref<32x1024xf32, #tpu.memory_space<vmem>>
    tpu.wait_dma2 semaphore(%arg10 : memref<!tpu.dma_semaphore, #tpu.memory_space<semaphore_mem>>) src(%dma_wait3A_259 : memref<32x1024xf32, #tpu.memory_space<vmem>>) dst(%dma_wait3A_255 : memref<32x1024xf32, #tpu.memory_space<hbm>>)
    %dma_start3A_260 = arith.constant 6 : i32
    %dma_start3A_261 = arith.constant 0 : i32
    %dma_start3A_262 = arith.constant 0 : i32
    %dma_start3A_263 = arith.constant 0 : i32
    %dma_start3A_264 = tpu.memref_slice %arg6[%dma_start3A_261, %dma_start3A_262, %dma_start3A_263] : memref<3x32x1024xf32, #tpu.memory_space<vmem>> -> memref<1x32x1024xf32, #tpu.memory_space<vmem>>
    %dma_start3A_265 = tpu.memref_squeeze %dma_start3A_264 : memref<1x32x1024xf32, #tpu.memory_space<vmem>> -> memref<32x1024xf32, #tpu.memory_space<vmem>>
    %dma_start3A_266 = arith.constant 0 : i32
    %dma_start3A_267 = tpu.memref_slice %arg5[%dma_start3A_260, %dma_start3A_266] : memref<8x32xi32, #tpu.memory_space<vmem>> -> memref<1x32xi32, #tpu.memory_space<vmem>>
    %dma_start3A_268 = tpu.memref_squeeze %dma_start3A_267 : memref<1x32xi32, #tpu.memory_space<vmem>> -> memref<32xi32, #tpu.memory_space<vmem>>
    %dma_start3A_269 = arith.constant 0 : i32
    %dma_start3A_270 = arith.constant 0 : i32
    %dma_start3A_271 = tpu.memref_slice %arg2[%dma_start3A_269, %dma_start3A_270] : memref<12288x1024xf32, #tpu.memory_space<hbm>> -> memref<12288x1024xf32, #tpu.memory_space<hbm>>
    tpu.enqueue_indirect_dma source(%dma_start3A_271 : memref<12288x1024xf32, #tpu.memory_space<hbm>>) target(%dma_start3A_265 : memref<32x1024xf32, #tpu.memory_space<vmem>>) offsets(%dma_start3A_268 : memref<32xi32, #tpu.memory_space<vmem>>) semaphore(%arg7 : memref<!tpu.dma_semaphore, #tpu.memory_space<semaphore_mem>>)
    %dma_wait3A_272 = arith.constant 5 : i32
    %dma_wait3A_273 = arith.constant 2 : i32
    %dma_wait3A_274 = arith.constant 0 : i32
    %dma_wait3A_275 = arith.constant 0 : i32
    %dma_wait3A_276 = tpu.memref_slice %arg6[%dma_wait3A_273, %dma_wait3A_274, %dma_wait3A_275] : memref<3x32x1024xf32, #tpu.memory_space<vmem>> -> memref<1x32x1024xf32, #tpu.memory_space<vmem>>
    %dma_wait3A_277 = tpu.memref_squeeze %dma_wait3A_276 : memref<1x32x1024xf32, #tpu.memory_space<vmem>> -> memref<32x1024xf32, #tpu.memory_space<vmem>>
    %dma_wait3A_278 = arith.constant 0 : i32
    %dma_wait3A_279 = tpu.memref_slice %arg5[%dma_wait3A_272, %dma_wait3A_278] : memref<8x32xi32, #tpu.memory_space<vmem>> -> memref<1x32xi32, #tpu.memory_space<vmem>>
    %dma_wait3A_280 = tpu.memref_squeeze %dma_wait3A_279 : memref<1x32xi32, #tpu.memory_space<vmem>> -> memref<32xi32, #tpu.memory_space<vmem>>
    %dma_wait3A_281 = arith.constant 0 : i32
    %dma_wait3A_282 = arith.constant 0 : i32
    %dma_wait3A_283 = tpu.memref_slice %arg2[%dma_wait3A_281, %dma_wait3A_282] : memref<12288x1024xf32, #tpu.memory_space<hbm>> -> memref<12288x1024xf32, #tpu.memory_space<hbm>>
    tpu.wait_indirect_dma semaphore(%arg9 : memref<!tpu.dma_semaphore, #tpu.memory_space<semaphore_mem>>) src(%dma_wait3A_283 : memref<12288x1024xf32, #tpu.memory_space<hbm>>) dst(%dma_wait3A_277 : memref<32x1024xf32, #tpu.memory_space<vmem>>)
    %add3A_284 = arith.constant 160 : i32
    %add3A_285 = arith.addi %mul3A_2, %add3A_284 : i32
    %dma_start3A_286 = arith.constant 2 : i32
    %dma_start3A_287 = arith.constant 0 : i32
    %dma_start3A_288 = arith.constant 0 : i32
    %dma_start3A_289 = tpu.memref_slice %arg6[%dma_start3A_286, %dma_start3A_287, %dma_start3A_288] : memref<3x32x1024xf32, #tpu.memory_space<vmem>> -> memref<1x32x1024xf32, #tpu.memory_space<vmem>>
    %dma_start3A_290 = tpu.memref_squeeze %dma_start3A_289 : memref<1x32x1024xf32, #tpu.memory_space<vmem>> -> memref<32x1024xf32, #tpu.memory_space<vmem>>
    %dma_start3A_291 = arith.constant 0 : i32
    %dma_start3A_292 = tpu.memref_slice %arg4[%add3A_285, %dma_start3A_291] : memref<8192x1024xf32, #tpu.memory_space<hbm>> -> memref<32x1024xf32, #tpu.memory_space<hbm>>
    %dma_start3A_293 = arith.constant 0 : i32
    %dma_start3A_294 = tpu.memref_slice %arg4[%add3A_285, %dma_start3A_293] : memref<8192x1024xf32, #tpu.memory_space<hbm>> -> memref<32x1024xf32, #tpu.memory_space<hbm>>
    %dma_start3A_295 = arith.constant 0 : i32
    %dma_start3A_296 = arith.constant 0 : i32
    %dma_start3A_297 = tpu.memref_slice %arg6[%dma_start3A_286, %dma_start3A_295, %dma_start3A_296] : memref<3x32x1024xf32, #tpu.memory_space<vmem>> -> memref<1x32x1024xf32, #tpu.memory_space<vmem>>
    %dma_start3A_298 = tpu.memref_squeeze %dma_start3A_297 : memref<1x32x1024xf32, #tpu.memory_space<vmem>> -> memref<32x1024xf32, #tpu.memory_space<vmem>>
    tpu.enqueue_dma source(%dma_start3A_298 : memref<32x1024xf32, #tpu.memory_space<vmem>>) target(%dma_start3A_294 : memref<32x1024xf32, #tpu.memory_space<hbm>>) target_semaphore(%arg12 : memref<!tpu.dma_semaphore, #tpu.memory_space<semaphore_mem>>)
    %dma_wait3A_299 = arith.constant 1 : i32
    %dma_wait3A_300 = arith.constant 0 : i32
    %dma_wait3A_301 = arith.constant 0 : i32
    %dma_wait3A_302 = tpu.memref_slice %arg6[%dma_wait3A_299, %dma_wait3A_300, %dma_wait3A_301] : memref<3x32x1024xf32, #tpu.memory_space<vmem>> -> memref<1x32x1024xf32, #tpu.memory_space<vmem>>
    %dma_wait3A_303 = tpu.memref_squeeze %dma_wait3A_302 : memref<1x32x1024xf32, #tpu.memory_space<vmem>> -> memref<32x1024xf32, #tpu.memory_space<vmem>>
    %dma_wait3A_304 = arith.constant 0 : i32
    %dma_wait3A_305 = tpu.memref_slice %arg4[%add3A_233, %dma_wait3A_304] : memref<8192x1024xf32, #tpu.memory_space<hbm>> -> memref<32x1024xf32, #tpu.memory_space<hbm>>
    %dma_wait3A_306 = arith.constant 0 : i32
    %dma_wait3A_307 = tpu.memref_slice %arg4[%add3A_233, %dma_wait3A_306] : memref<8192x1024xf32, #tpu.memory_space<hbm>> -> memref<32x1024xf32, #tpu.memory_space<hbm>>
    %dma_wait3A_308 = arith.constant 0 : i32
    %dma_wait3A_309 = arith.constant 0 : i32
    %dma_wait3A_310 = tpu.memref_slice %arg6[%dma_wait3A_299, %dma_wait3A_308, %dma_wait3A_309] : memref<3x32x1024xf32, #tpu.memory_space<vmem>> -> memref<1x32x1024xf32, #tpu.memory_space<vmem>>
    %dma_wait3A_311 = tpu.memref_squeeze %dma_wait3A_310 : memref<1x32x1024xf32, #tpu.memory_space<vmem>> -> memref<32x1024xf32, #tpu.memory_space<vmem>>
    tpu.wait_dma2 semaphore(%arg11 : memref<!tpu.dma_semaphore, #tpu.memory_space<semaphore_mem>>) src(%dma_wait3A_311 : memref<32x1024xf32, #tpu.memory_space<vmem>>) dst(%dma_wait3A_307 : memref<32x1024xf32, #tpu.memory_space<hbm>>)
    %dma_start3A_312 = arith.constant 7 : i32
    %dma_start3A_313 = arith.constant 1 : i32
    %dma_start3A_314 = arith.constant 0 : i32
    %dma_start3A_315 = arith.constant 0 : i32
    %dma_start3A_316 = tpu.memref_slice %arg6[%dma_start3A_313, %dma_start3A_314, %dma_start3A_315] : memref<3x32x1024xf32, #tpu.memory_space<vmem>> -> memref<1x32x1024xf32, #tpu.memory_space<vmem>>
    %dma_start3A_317 = tpu.memref_squeeze %dma_start3A_316 : memref<1x32x1024xf32, #tpu.memory_space<vmem>> -> memref<32x1024xf32, #tpu.memory_space<vmem>>
    %dma_start3A_318 = arith.constant 0 : i32
    %dma_start3A_319 = tpu.memref_slice %arg5[%dma_start3A_312, %dma_start3A_318] : memref<8x32xi32, #tpu.memory_space<vmem>> -> memref<1x32xi32, #tpu.memory_space<vmem>>
    %dma_start3A_320 = tpu.memref_squeeze %dma_start3A_319 : memref<1x32xi32, #tpu.memory_space<vmem>> -> memref<32xi32, #tpu.memory_space<vmem>>
    %dma_start3A_321 = arith.constant 0 : i32
    %dma_start3A_322 = arith.constant 0 : i32
    %dma_start3A_323 = tpu.memref_slice %arg2[%dma_start3A_321, %dma_start3A_322] : memref<12288x1024xf32, #tpu.memory_space<hbm>> -> memref<12288x1024xf32, #tpu.memory_space<hbm>>
    tpu.enqueue_indirect_dma source(%dma_start3A_323 : memref<12288x1024xf32, #tpu.memory_space<hbm>>) target(%dma_start3A_317 : memref<32x1024xf32, #tpu.memory_space<vmem>>) offsets(%dma_start3A_320 : memref<32xi32, #tpu.memory_space<vmem>>) semaphore(%arg8 : memref<!tpu.dma_semaphore, #tpu.memory_space<semaphore_mem>>)
    %dma_wait3A_324 = arith.constant 6 : i32
    %dma_wait3A_325 = arith.constant 0 : i32
    %dma_wait3A_326 = arith.constant 0 : i32
    %dma_wait3A_327 = arith.constant 0 : i32
    %dma_wait3A_328 = tpu.memref_slice %arg6[%dma_wait3A_325, %dma_wait3A_326, %dma_wait3A_327] : memref<3x32x1024xf32, #tpu.memory_space<vmem>> -> memref<1x32x1024xf32, #tpu.memory_space<vmem>>
    %dma_wait3A_329 = tpu.memref_squeeze %dma_wait3A_328 : memref<1x32x1024xf32, #tpu.memory_space<vmem>> -> memref<32x1024xf32, #tpu.memory_space<vmem>>
    %dma_wait3A_330 = arith.constant 0 : i32
    %dma_wait3A_331 = tpu.memref_slice %arg5[%dma_wait3A_324, %dma_wait3A_330] : memref<8x32xi32, #tpu.memory_space<vmem>> -> memref<1x32xi32, #tpu.memory_space<vmem>>
    %dma_wait3A_332 = tpu.memref_squeeze %dma_wait3A_331 : memref<1x32xi32, #tpu.memory_space<vmem>> -> memref<32xi32, #tpu.memory_space<vmem>>
    %dma_wait3A_333 = arith.constant 0 : i32
    %dma_wait3A_334 = arith.constant 0 : i32
    %dma_wait3A_335 = tpu.memref_slice %arg2[%dma_wait3A_333, %dma_wait3A_334] : memref<12288x1024xf32, #tpu.memory_space<hbm>> -> memref<12288x1024xf32, #tpu.memory_space<hbm>>
    tpu.wait_indirect_dma semaphore(%arg7 : memref<!tpu.dma_semaphore, #tpu.memory_space<semaphore_mem>>) src(%dma_wait3A_335 : memref<12288x1024xf32, #tpu.memory_space<hbm>>) dst(%dma_wait3A_329 : memref<32x1024xf32, #tpu.memory_space<vmem>>)
    %add3A_336 = arith.constant 192 : i32
    %add3A_337 = arith.addi %mul3A_2, %add3A_336 : i32
    %dma_start3A_338 = arith.constant 0 : i32
    %dma_start3A_339 = arith.constant 0 : i32
    %dma_start3A_340 = arith.constant 0 : i32
    %dma_start3A_341 = tpu.memref_slice %arg6[%dma_start3A_338, %dma_start3A_339, %dma_start3A_340] : memref<3x32x1024xf32, #tpu.memory_space<vmem>> -> memref<1x32x1024xf32, #tpu.memory_space<vmem>>
    %dma_start3A_342 = tpu.memref_squeeze %dma_start3A_341 : memref<1x32x1024xf32, #tpu.memory_space<vmem>> -> memref<32x1024xf32, #tpu.memory_space<vmem>>
    %dma_start3A_343 = arith.constant 0 : i32
    %dma_start3A_344 = tpu.memref_slice %arg4[%add3A_337, %dma_start3A_343] : memref<8192x1024xf32, #tpu.memory_space<hbm>> -> memref<32x1024xf32, #tpu.memory_space<hbm>>
    %dma_start3A_345 = arith.constant 0 : i32
    %dma_start3A_346 = tpu.memref_slice %arg4[%add3A_337, %dma_start3A_345] : memref<8192x1024xf32, #tpu.memory_space<hbm>> -> memref<32x1024xf32, #tpu.memory_space<hbm>>
    %dma_start3A_347 = arith.constant 0 : i32
    %dma_start3A_348 = arith.constant 0 : i32
    %dma_start3A_349 = tpu.memref_slice %arg6[%dma_start3A_338, %dma_start3A_347, %dma_start3A_348] : memref<3x32x1024xf32, #tpu.memory_space<vmem>> -> memref<1x32x1024xf32, #tpu.memory_space<vmem>>
    %dma_start3A_350 = tpu.memref_squeeze %dma_start3A_349 : memref<1x32x1024xf32, #tpu.memory_space<vmem>> -> memref<32x1024xf32, #tpu.memory_space<vmem>>
    tpu.enqueue_dma source(%dma_start3A_350 : memref<32x1024xf32, #tpu.memory_space<vmem>>) target(%dma_start3A_346 : memref<32x1024xf32, #tpu.memory_space<hbm>>) target_semaphore(%arg10 : memref<!tpu.dma_semaphore, #tpu.memory_space<semaphore_mem>>)
    %dma_wait3A_351 = arith.constant 7 : i32
    %dma_wait3A_352 = arith.constant 1 : i32
    %dma_wait3A_353 = arith.constant 0 : i32
    %dma_wait3A_354 = arith.constant 0 : i32
    %dma_wait3A_355 = tpu.memref_slice %arg6[%dma_wait3A_352, %dma_wait3A_353, %dma_wait3A_354] : memref<3x32x1024xf32, #tpu.memory_space<vmem>> -> memref<1x32x1024xf32, #tpu.memory_space<vmem>>
    %dma_wait3A_356 = tpu.memref_squeeze %dma_wait3A_355 : memref<1x32x1024xf32, #tpu.memory_space<vmem>> -> memref<32x1024xf32, #tpu.memory_space<vmem>>
    %dma_wait3A_357 = arith.constant 0 : i32
    %dma_wait3A_358 = tpu.memref_slice %arg5[%dma_wait3A_351, %dma_wait3A_357] : memref<8x32xi32, #tpu.memory_space<vmem>> -> memref<1x32xi32, #tpu.memory_space<vmem>>
    %dma_wait3A_359 = tpu.memref_squeeze %dma_wait3A_358 : memref<1x32xi32, #tpu.memory_space<vmem>> -> memref<32xi32, #tpu.memory_space<vmem>>
    %dma_wait3A_360 = arith.constant 0 : i32
    %dma_wait3A_361 = arith.constant 0 : i32
    %dma_wait3A_362 = tpu.memref_slice %arg2[%dma_wait3A_360, %dma_wait3A_361] : memref<12288x1024xf32, #tpu.memory_space<hbm>> -> memref<12288x1024xf32, #tpu.memory_space<hbm>>
    tpu.wait_indirect_dma semaphore(%arg8 : memref<!tpu.dma_semaphore, #tpu.memory_space<semaphore_mem>>) src(%dma_wait3A_362 : memref<12288x1024xf32, #tpu.memory_space<hbm>>) dst(%dma_wait3A_356 : memref<32x1024xf32, #tpu.memory_space<vmem>>)
    %add3A_363 = arith.constant 224 : i32
    %add3A_364 = arith.addi %mul3A_2, %add3A_363 : i32
    %dma_start3A_365 = arith.constant 1 : i32
    %dma_start3A_366 = arith.constant 0 : i32
    %dma_start3A_367 = arith.constant 0 : i32
    %dma_start3A_368 = tpu.memref_slice %arg6[%dma_start3A_365, %dma_start3A_366, %dma_start3A_367] : memref<3x32x1024xf32, #tpu.memory_space<vmem>> -> memref<1x32x1024xf32, #tpu.memory_space<vmem>>
    %dma_start3A_369 = tpu.memref_squeeze %dma_start3A_368 : memref<1x32x1024xf32, #tpu.memory_space<vmem>> -> memref<32x1024xf32, #tpu.memory_space<vmem>>
    %dma_start3A_370 = arith.constant 0 : i32
    %dma_start3A_371 = tpu.memref_slice %arg4[%add3A_364, %dma_start3A_370] : memref<8192x1024xf32, #tpu.memory_space<hbm>> -> memref<32x1024xf32, #tpu.memory_space<hbm>>
    %dma_start3A_372 = arith.constant 0 : i32
    %dma_start3A_373 = tpu.memref_slice %arg4[%add3A_364, %dma_start3A_372] : memref<8192x1024xf32, #tpu.memory_space<hbm>> -> memref<32x1024xf32, #tpu.memory_space<hbm>>
    %dma_start3A_374 = arith.constant 0 : i32
    %dma_start3A_375 = arith.constant 0 : i32
    %dma_start3A_376 = tpu.memref_slice %arg6[%dma_start3A_365, %dma_start3A_374, %dma_start3A_375] : memref<3x32x1024xf32, #tpu.memory_space<vmem>> -> memref<1x32x1024xf32, #tpu.memory_space<vmem>>
    %dma_start3A_377 = tpu.memref_squeeze %dma_start3A_376 : memref<1x32x1024xf32, #tpu.memory_space<vmem>> -> memref<32x1024xf32, #tpu.memory_space<vmem>>
    tpu.enqueue_dma source(%dma_start3A_377 : memref<32x1024xf32, #tpu.memory_space<vmem>>) target(%dma_start3A_373 : memref<32x1024xf32, #tpu.memory_space<hbm>>) target_semaphore(%arg11 : memref<!tpu.dma_semaphore, #tpu.memory_space<semaphore_mem>>)
    %dma_wait3A_378 = arith.constant 2 : i32
    %dma_wait3A_379 = arith.constant 0 : i32
    %dma_wait3A_380 = arith.constant 0 : i32
    %dma_wait3A_381 = tpu.memref_slice %arg6[%dma_wait3A_378, %dma_wait3A_379, %dma_wait3A_380] : memref<3x32x1024xf32, #tpu.memory_space<vmem>> -> memref<1x32x1024xf32, #tpu.memory_space<vmem>>
    %dma_wait3A_382 = tpu.memref_squeeze %dma_wait3A_381 : memref<1x32x1024xf32, #tpu.memory_space<vmem>> -> memref<32x1024xf32, #tpu.memory_space<vmem>>
    %dma_wait3A_383 = arith.constant 0 : i32
    %dma_wait3A_384 = tpu.memref_slice %arg4[%add3A_285, %dma_wait3A_383] : memref<8192x1024xf32, #tpu.memory_space<hbm>> -> memref<32x1024xf32, #tpu.memory_space<hbm>>
    %dma_wait3A_385 = arith.constant 0 : i32
    %dma_wait3A_386 = tpu.memref_slice %arg4[%add3A_285, %dma_wait3A_385] : memref<8192x1024xf32, #tpu.memory_space<hbm>> -> memref<32x1024xf32, #tpu.memory_space<hbm>>
    %dma_wait3A_387 = arith.constant 0 : i32
    %dma_wait3A_388 = arith.constant 0 : i32
    %dma_wait3A_389 = tpu.memref_slice %arg6[%dma_wait3A_378, %dma_wait3A_387, %dma_wait3A_388] : memref<3x32x1024xf32, #tpu.memory_space<vmem>> -> memref<1x32x1024xf32, #tpu.memory_space<vmem>>
    %dma_wait3A_390 = tpu.memref_squeeze %dma_wait3A_389 : memref<1x32x1024xf32, #tpu.memory_space<vmem>> -> memref<32x1024xf32, #tpu.memory_space<vmem>>
    tpu.wait_dma2 semaphore(%arg12 : memref<!tpu.dma_semaphore, #tpu.memory_space<semaphore_mem>>) src(%dma_wait3A_390 : memref<32x1024xf32, #tpu.memory_space<vmem>>) dst(%dma_wait3A_386 : memref<32x1024xf32, #tpu.memory_space<hbm>>)
    %dma_wait3A_391 = arith.constant 0 : i32
    %dma_wait3A_392 = arith.constant 0 : i32
    %dma_wait3A_393 = arith.constant 0 : i32
    %dma_wait3A_394 = tpu.memref_slice %arg6[%dma_wait3A_391, %dma_wait3A_392, %dma_wait3A_393] : memref<3x32x1024xf32, #tpu.memory_space<vmem>> -> memref<1x32x1024xf32, #tpu.memory_space<vmem>>
    %dma_wait3A_395 = tpu.memref_squeeze %dma_wait3A_394 : memref<1x32x1024xf32, #tpu.memory_space<vmem>> -> memref<32x1024xf32, #tpu.memory_space<vmem>>
    %dma_wait3A_396 = arith.constant 0 : i32
    %dma_wait3A_397 = tpu.memref_slice %arg4[%add3A_337, %dma_wait3A_396] : memref<8192x1024xf32, #tpu.memory_space<hbm>> -> memref<32x1024xf32, #tpu.memory_space<hbm>>
    %dma_wait3A_398 = arith.constant 0 : i32
    %dma_wait3A_399 = tpu.memref_slice %arg4[%add3A_337, %dma_wait3A_398] : memref<8192x1024xf32, #tpu.memory_space<hbm>> -> memref<32x1024xf32, #tpu.memory_space<hbm>>
    %dma_wait3A_400 = arith.constant 0 : i32
    %dma_wait3A_401 = arith.constant 0 : i32
    %dma_wait3A_402 = tpu.memref_slice %arg6[%dma_wait3A_391, %dma_wait3A_400, %dma_wait3A_401] : memref<3x32x1024xf32, #tpu.memory_space<vmem>> -> memref<1x32x1024xf32, #tpu.memory_space<vmem>>
    %dma_wait3A_403 = tpu.memref_squeeze %dma_wait3A_402 : memref<1x32x1024xf32, #tpu.memory_space<vmem>> -> memref<32x1024xf32, #tpu.memory_space<vmem>>
    tpu.wait_dma2 semaphore(%arg10 : memref<!tpu.dma_semaphore, #tpu.memory_space<semaphore_mem>>) src(%dma_wait3A_403 : memref<32x1024xf32, #tpu.memory_space<vmem>>) dst(%dma_wait3A_399 : memref<32x1024xf32, #tpu.memory_space<hbm>>)
    %dma_wait3A_404 = arith.constant 1 : i32
    %dma_wait3A_405 = arith.constant 0 : i32
    %dma_wait3A_406 = arith.constant 0 : i32
    %dma_wait3A_407 = tpu.memref_slice %arg6[%dma_wait3A_404, %dma_wait3A_405, %dma_wait3A_406] : memref<3x32x1024xf32, #tpu.memory_space<vmem>> -> memref<1x32x1024xf32, #tpu.memory_space<vmem>>
    %dma_wait3A_408 = tpu.memref_squeeze %dma_wait3A_407 : memref<1x32x1024xf32, #tpu.memory_space<vmem>> -> memref<32x1024xf32, #tpu.memory_space<vmem>>
    %dma_wait3A_409 = arith.constant 0 : i32
    %dma_wait3A_410 = tpu.memref_slice %arg4[%add3A_364, %dma_wait3A_409] : memref<8192x1024xf32, #tpu.memory_space<hbm>> -> memref<32x1024xf32, #tpu.memory_space<hbm>>
    %dma_wait3A_411 = arith.constant 0 : i32
    %dma_wait3A_412 = tpu.memref_slice %arg4[%add3A_364, %dma_wait3A_411] : memref<8192x1024xf32, #tpu.memory_space<hbm>> -> memref<32x1024xf32, #tpu.memory_space<hbm>>
    %dma_wait3A_413 = arith.constant 0 : i32
    %dma_wait3A_414 = arith.constant 0 : i32
    %dma_wait3A_415 = tpu.memref_slice %arg6[%dma_wait3A_404, %dma_wait3A_413, %dma_wait3A_414] : memref<3x32x1024xf32, #tpu.memory_space<vmem>> -> memref<1x32x1024xf32, #tpu.memory_space<vmem>>
    %dma_wait3A_416 = tpu.memref_squeeze %dma_wait3A_415 : memref<1x32x1024xf32, #tpu.memory_space<vmem>> -> memref<32x1024xf32, #tpu.memory_space<vmem>>
    tpu.wait_dma2 semaphore(%arg11 : memref<!tpu.dma_semaphore, #tpu.memory_space<semaphore_mem>>) src(%dma_wait3A_416 : memref<32x1024xf32, #tpu.memory_space<vmem>>) dst(%dma_wait3A_412 : memref<32x1024xf32, #tpu.memory_space<hbm>>)
    return
  }
}

#map = affine_map<(d0, d1) -> (0, 0)>
#map1 = affine_map<(d0, d1) -> (0, 0, 0)>
module attributes {stable_mosaic.version = 14 : i64} {
  func.func @k(%arg0: i32, %arg1: i32, %arg2: memref<4096x1024xf32, #tpu.memory_space<hbm>>, %arg3: memref<32x8x32xi32, #tpu.memory_space<hbm>>, %arg4: memref<12288x1024xf32, #tpu.memory_space<hbm>>, %arg5: memref<8x32xi32, #tpu.memory_space<vmem>>, %arg6: memref<3x32x1024xf32, #tpu.memory_space<vmem>>, %arg7: memref<!tpu.dma_semaphore, #tpu.memory_space<semaphore_mem>>, %arg8: memref<!tpu.dma_semaphore, #tpu.memory_space<semaphore_mem>>, %arg9: memref<!tpu.dma_semaphore, #tpu.memory_space<semaphore_mem>>, %arg10: memref<!tpu.dma_semaphore, #tpu.memory_space<semaphore_mem>>, %arg11: memref<!tpu.dma_semaphore, #tpu.memory_space<semaphore_mem>>, %arg12: memref<!tpu.dma_semaphore, #tpu.memory_space<semaphore_mem>>) attributes {dimension_semantics = [#tpu.dimension_semantics<core_parallel>, #tpu.dimension_semantics<subcore_parallel>], iteration_bounds = array<i64: 2, 16>, scalar_prefetch = 0 : i64, scratch_operands = 8 : i64, tpu.core_type = #tpu.core_type<sc_vector_subcore>, window_params = [{transform_indices = #map}, {transform_indices = #map1}, {transform_indices = #map}]} {
    %mul3A = arith.constant 2 : i32
    %mul3A_0 = arith.muli %arg1, %mul3A : i32
    %add3A = arith.addi %mul3A_0, %arg0 : i32
    %mul3A_1 = arith.constant 256 : i32
    %mul3A_2 = arith.muli %add3A, %mul3A_1 : i32
    %jit3A = arith.constant 4096 : i32
    %eq3A = arith.constant 0 : i32
    %eq3A_3 = arith.cmpi eq, %jit3A, %eq3A : i32
    %jit3A_4 = arith.constant 1 : i32
    %select_n3A = arith.select %eq3A_3, %jit3A_4, %jit3A : i32
    %rem3A = arith.remsi %mul3A_2, %select_n3A : i32
    %ne3A = arith.constant 0 : i32
    %ne3A_5 = arith.cmpi ne, %rem3A, %ne3A : i32
    %lt3A = arith.constant 0 : i32
    %lt3A_6 = arith.cmpi slt, %rem3A, %lt3A : i32
    %lt3A_7 = arith.constant 0 : i32
    %lt3A_8 = arith.cmpi slt, %select_n3A, %lt3A_7 : i32
    %ne3A_9 = arith.xori %lt3A_6, %lt3A_8 : i1
    %and3A = arith.andi %ne3A_9, %ne3A_5 : i1
    %add3A_10 = arith.addi %rem3A, %select_n3A : i32
    %select_n3A_11 = arith.select %and3A, %add3A_10, %rem3A : i32
    "tpu.region"() ({
      %run_scoped3A = tpu.sem_alloc : memref<!tpu.dma_semaphore, #tpu.memory_space<semaphore_mem>>
      %dma_start3A_426 = arith.constant 0 : i32
      %dma_start3A_427 = arith.constant 0 : i32
      %dma_start3A_428 = tpu.memref_slice %arg3[%add3A, %dma_start3A_426, %dma_start3A_427] : memref<32x8x32xi32, #tpu.memory_space<hbm>> -> memref<1x8x32xi32, #tpu.memory_space<hbm>>
      %dma_start3A_429 = tpu.memref_squeeze %dma_start3A_428 : memref<1x8x32xi32, #tpu.memory_space<hbm>> -> memref<8x32xi32, #tpu.memory_space<hbm>>
      %dma_start3A_430 = arith.constant 0 : i32
      %dma_start3A_431 = arith.constant 0 : i32
      %dma_start3A_432 = tpu.memref_slice %arg3[%add3A, %dma_start3A_430, %dma_start3A_431] : memref<32x8x32xi32, #tpu.memory_space<hbm>> -> memref<1x8x32xi32, #tpu.memory_space<hbm>>
      %dma_start3A_433 = tpu.memref_squeeze %dma_start3A_432 : memref<1x8x32xi32, #tpu.memory_space<hbm>> -> memref<8x32xi32, #tpu.memory_space<hbm>>
      tpu.enqueue_dma source(%dma_start3A_433 : memref<8x32xi32, #tpu.memory_space<hbm>>) target(%arg5 : memref<8x32xi32, #tpu.memory_space<vmem>>) target_semaphore(%run_scoped3A : memref<!tpu.dma_semaphore, #tpu.memory_space<semaphore_mem>>)
      %dma_wait3A_434 = arith.constant 0 : i32
      %dma_wait3A_435 = arith.constant 0 : i32
      %dma_wait3A_436 = tpu.memref_slice %arg3[%add3A, %dma_wait3A_434, %dma_wait3A_435] : memref<32x8x32xi32, #tpu.memory_space<hbm>> -> memref<1x8x32xi32, #tpu.memory_space<hbm>>
      %dma_wait3A_437 = tpu.memref_squeeze %dma_wait3A_436 : memref<1x8x32xi32, #tpu.memory_space<hbm>> -> memref<8x32xi32, #tpu.memory_space<hbm>>
      %dma_wait3A_438 = arith.constant 0 : i32
      %dma_wait3A_439 = arith.constant 0 : i32
      %dma_wait3A_440 = tpu.memref_slice %arg3[%add3A, %dma_wait3A_438, %dma_wait3A_439] : memref<32x8x32xi32, #tpu.memory_space<hbm>> -> memref<1x8x32xi32, #tpu.memory_space<hbm>>
      %dma_wait3A_441 = tpu.memref_squeeze %dma_wait3A_440 : memref<1x8x32xi32, #tpu.memory_space<hbm>> -> memref<8x32xi32, #tpu.memory_space<hbm>>
      tpu.wait_dma2 semaphore(%run_scoped3A : memref<!tpu.dma_semaphore, #tpu.memory_space<semaphore_mem>>) src(%dma_wait3A_441 : memref<8x32xi32, #tpu.memory_space<hbm>>) dst(%arg5 : memref<8x32xi32, #tpu.memory_space<vmem>>)
      tpu.yield
    }) : () -> ()
    %add3A_12 = arith.constant 0 : i32
    %add3A_13 = arith.addi %select_n3A_11, %add3A_12 : i32
    %dma_start3A = arith.constant 0 : i32
    %dma_start3A_14 = arith.constant 0 : i32
    %dma_start3A_15 = arith.constant 0 : i32
    %dma_start3A_16 = tpu.memref_slice %arg6[%dma_start3A, %dma_start3A_14, %dma_start3A_15] : memref<3x32x1024xf32, #tpu.memory_space<vmem>> -> memref<1x32x1024xf32, #tpu.memory_space<vmem>>
    %dma_start3A_17 = tpu.memref_squeeze %dma_start3A_16 : memref<1x32x1024xf32, #tpu.memory_space<vmem>> -> memref<32x1024xf32, #tpu.memory_space<vmem>>
    %dma_start3A_18 = arith.constant 0 : i32
    %dma_start3A_19 = tpu.memref_slice %arg2[%add3A_13, %dma_start3A_18] : memref<4096x1024xf32, #tpu.memory_space<hbm>> -> memref<32x1024xf32, #tpu.memory_space<hbm>>
    %dma_start3A_20 = arith.constant 0 : i32
    %dma_start3A_21 = arith.constant 0 : i32
    %dma_start3A_22 = tpu.memref_slice %arg6[%dma_start3A, %dma_start3A_20, %dma_start3A_21] : memref<3x32x1024xf32, #tpu.memory_space<vmem>> -> memref<1x32x1024xf32, #tpu.memory_space<vmem>>
    %dma_start3A_23 = tpu.memref_squeeze %dma_start3A_22 : memref<1x32x1024xf32, #tpu.memory_space<vmem>> -> memref<32x1024xf32, #tpu.memory_space<vmem>>
    %dma_start3A_24 = arith.constant 0 : i32
    %dma_start3A_25 = tpu.memref_slice %arg2[%add3A_13, %dma_start3A_24] : memref<4096x1024xf32, #tpu.memory_space<hbm>> -> memref<32x1024xf32, #tpu.memory_space<hbm>>
    tpu.enqueue_dma source(%dma_start3A_25 : memref<32x1024xf32, #tpu.memory_space<hbm>>) target(%dma_start3A_23 : memref<32x1024xf32, #tpu.memory_space<vmem>>) target_semaphore(%arg7 : memref<!tpu.dma_semaphore, #tpu.memory_space<semaphore_mem>>)
    %add3A_26 = arith.constant 32 : i32
    %add3A_27 = arith.addi %select_n3A_11, %add3A_26 : i32
    %dma_start3A_28 = arith.constant 1 : i32
    %dma_start3A_29 = arith.constant 0 : i32
    %dma_start3A_30 = arith.constant 0 : i32
    %dma_start3A_31 = tpu.memref_slice %arg6[%dma_start3A_28, %dma_start3A_29, %dma_start3A_30] : memref<3x32x1024xf32, #tpu.memory_space<vmem>> -> memref<1x32x1024xf32, #tpu.memory_space<vmem>>
    %dma_start3A_32 = tpu.memref_squeeze %dma_start3A_31 : memref<1x32x1024xf32, #tpu.memory_space<vmem>> -> memref<32x1024xf32, #tpu.memory_space<vmem>>
    %dma_start3A_33 = arith.constant 0 : i32
    %dma_start3A_34 = tpu.memref_slice %arg2[%add3A_27, %dma_start3A_33] : memref<4096x1024xf32, #tpu.memory_space<hbm>> -> memref<32x1024xf32, #tpu.memory_space<hbm>>
    %dma_start3A_35 = arith.constant 0 : i32
    %dma_start3A_36 = arith.constant 0 : i32
    %dma_start3A_37 = tpu.memref_slice %arg6[%dma_start3A_28, %dma_start3A_35, %dma_start3A_36] : memref<3x32x1024xf32, #tpu.memory_space<vmem>> -> memref<1x32x1024xf32, #tpu.memory_space<vmem>>
    %dma_start3A_38 = tpu.memref_squeeze %dma_start3A_37 : memref<1x32x1024xf32, #tpu.memory_space<vmem>> -> memref<32x1024xf32, #tpu.memory_space<vmem>>
    %dma_start3A_39 = arith.constant 0 : i32
    %dma_start3A_40 = tpu.memref_slice %arg2[%add3A_27, %dma_start3A_39] : memref<4096x1024xf32, #tpu.memory_space<hbm>> -> memref<32x1024xf32, #tpu.memory_space<hbm>>
    tpu.enqueue_dma source(%dma_start3A_40 : memref<32x1024xf32, #tpu.memory_space<hbm>>) target(%dma_start3A_38 : memref<32x1024xf32, #tpu.memory_space<vmem>>) target_semaphore(%arg8 : memref<!tpu.dma_semaphore, #tpu.memory_space<semaphore_mem>>)
    %dma_wait3A = arith.constant 0 : i32
    %dma_wait3A_41 = arith.constant 0 : i32
    %dma_wait3A_42 = arith.constant 0 : i32
    %dma_wait3A_43 = tpu.memref_slice %arg6[%dma_wait3A, %dma_wait3A_41, %dma_wait3A_42] : memref<3x32x1024xf32, #tpu.memory_space<vmem>> -> memref<1x32x1024xf32, #tpu.memory_space<vmem>>
    %dma_wait3A_44 = tpu.memref_squeeze %dma_wait3A_43 : memref<1x32x1024xf32, #tpu.memory_space<vmem>> -> memref<32x1024xf32, #tpu.memory_space<vmem>>
    %dma_wait3A_45 = arith.constant 0 : i32
    %dma_wait3A_46 = tpu.memref_slice %arg2[%add3A_13, %dma_wait3A_45] : memref<4096x1024xf32, #tpu.memory_space<hbm>> -> memref<32x1024xf32, #tpu.memory_space<hbm>>
    %dma_wait3A_47 = arith.constant 0 : i32
    %dma_wait3A_48 = arith.constant 0 : i32
    %dma_wait3A_49 = tpu.memref_slice %arg6[%dma_wait3A, %dma_wait3A_47, %dma_wait3A_48] : memref<3x32x1024xf32, #tpu.memory_space<vmem>> -> memref<1x32x1024xf32, #tpu.memory_space<vmem>>
    %dma_wait3A_50 = tpu.memref_squeeze %dma_wait3A_49 : memref<1x32x1024xf32, #tpu.memory_space<vmem>> -> memref<32x1024xf32, #tpu.memory_space<vmem>>
    %dma_wait3A_51 = arith.constant 0 : i32
    %dma_wait3A_52 = tpu.memref_slice %arg2[%add3A_13, %dma_wait3A_51] : memref<4096x1024xf32, #tpu.memory_space<hbm>> -> memref<32x1024xf32, #tpu.memory_space<hbm>>
    tpu.wait_dma2 semaphore(%arg7 : memref<!tpu.dma_semaphore, #tpu.memory_space<semaphore_mem>>) src(%dma_wait3A_52 : memref<32x1024xf32, #tpu.memory_space<hbm>>) dst(%dma_wait3A_50 : memref<32x1024xf32, #tpu.memory_space<vmem>>)
    %dma_start3A_53 = arith.constant 0 : i32
    %dma_start3A_54 = arith.constant 0 : i32
    %dma_start3A_55 = arith.constant 0 : i32
    %dma_start3A_56 = arith.constant 0 : i32
    %dma_start3A_57 = tpu.memref_slice %arg6[%dma_start3A_53, %dma_start3A_55, %dma_start3A_56] : memref<3x32x1024xf32, #tpu.memory_space<vmem>> -> memref<1x32x1024xf32, #tpu.memory_space<vmem>>
    %dma_start3A_58 = tpu.memref_squeeze %dma_start3A_57 : memref<1x32x1024xf32, #tpu.memory_space<vmem>> -> memref<32x1024xf32, #tpu.memory_space<vmem>>
    %dma_start3A_59 = arith.constant 0 : i32
    %dma_start3A_60 = tpu.memref_slice %arg5[%dma_start3A_54, %dma_start3A_59] : memref<8x32xi32, #tpu.memory_space<vmem>> -> memref<1x32xi32, #tpu.memory_space<vmem>>
    %dma_start3A_61 = tpu.memref_squeeze %dma_start3A_60 : memref<1x32xi32, #tpu.memory_space<vmem>> -> memref<32xi32, #tpu.memory_space<vmem>>
    %dma_start3A_62 = arith.constant 0 : i32
    %dma_start3A_63 = arith.constant 0 : i32
    %dma_start3A_64 = tpu.memref_slice %arg4[%dma_start3A_62, %dma_start3A_63] : memref<12288x1024xf32, #tpu.memory_space<hbm>> -> memref<12288x1024xf32, #tpu.memory_space<hbm>>
    tpu.enqueue_indirect_dma source(%dma_start3A_58 : memref<32x1024xf32, #tpu.memory_space<vmem>>) target(%dma_start3A_64 : memref<12288x1024xf32, #tpu.memory_space<hbm>>) offsets(%dma_start3A_61 : memref<32xi32, #tpu.memory_space<vmem>>) semaphore(%arg10 : memref<!tpu.dma_semaphore, #tpu.memory_space<semaphore_mem>>)
    %add3A_65 = arith.constant 64 : i32
    %add3A_66 = arith.addi %select_n3A_11, %add3A_65 : i32
    %dma_start3A_67 = arith.constant 2 : i32
    %dma_start3A_68 = arith.constant 0 : i32
    %dma_start3A_69 = arith.constant 0 : i32
    %dma_start3A_70 = tpu.memref_slice %arg6[%dma_start3A_67, %dma_start3A_68, %dma_start3A_69] : memref<3x32x1024xf32, #tpu.memory_space<vmem>> -> memref<1x32x1024xf32, #tpu.memory_space<vmem>>
    %dma_start3A_71 = tpu.memref_squeeze %dma_start3A_70 : memref<1x32x1024xf32, #tpu.memory_space<vmem>> -> memref<32x1024xf32, #tpu.memory_space<vmem>>
    %dma_start3A_72 = arith.constant 0 : i32
    %dma_start3A_73 = tpu.memref_slice %arg2[%add3A_66, %dma_start3A_72] : memref<4096x1024xf32, #tpu.memory_space<hbm>> -> memref<32x1024xf32, #tpu.memory_space<hbm>>
    %dma_start3A_74 = arith.constant 0 : i32
    %dma_start3A_75 = arith.constant 0 : i32
    %dma_start3A_76 = tpu.memref_slice %arg6[%dma_start3A_67, %dma_start3A_74, %dma_start3A_75] : memref<3x32x1024xf32, #tpu.memory_space<vmem>> -> memref<1x32x1024xf32, #tpu.memory_space<vmem>>
    %dma_start3A_77 = tpu.memref_squeeze %dma_start3A_76 : memref<1x32x1024xf32, #tpu.memory_space<vmem>> -> memref<32x1024xf32, #tpu.memory_space<vmem>>
    %dma_start3A_78 = arith.constant 0 : i32
    %dma_start3A_79 = tpu.memref_slice %arg2[%add3A_66, %dma_start3A_78] : memref<4096x1024xf32, #tpu.memory_space<hbm>> -> memref<32x1024xf32, #tpu.memory_space<hbm>>
    tpu.enqueue_dma source(%dma_start3A_79 : memref<32x1024xf32, #tpu.memory_space<hbm>>) target(%dma_start3A_77 : memref<32x1024xf32, #tpu.memory_space<vmem>>) target_semaphore(%arg9 : memref<!tpu.dma_semaphore, #tpu.memory_space<semaphore_mem>>)
    %dma_wait3A_80 = arith.constant 1 : i32
    %dma_wait3A_81 = arith.constant 0 : i32
    %dma_wait3A_82 = arith.constant 0 : i32
    %dma_wait3A_83 = tpu.memref_slice %arg6[%dma_wait3A_80, %dma_wait3A_81, %dma_wait3A_82] : memref<3x32x1024xf32, #tpu.memory_space<vmem>> -> memref<1x32x1024xf32, #tpu.memory_space<vmem>>
    %dma_wait3A_84 = tpu.memref_squeeze %dma_wait3A_83 : memref<1x32x1024xf32, #tpu.memory_space<vmem>> -> memref<32x1024xf32, #tpu.memory_space<vmem>>
    %dma_wait3A_85 = arith.constant 0 : i32
    %dma_wait3A_86 = tpu.memref_slice %arg2[%add3A_27, %dma_wait3A_85] : memref<4096x1024xf32, #tpu.memory_space<hbm>> -> memref<32x1024xf32, #tpu.memory_space<hbm>>
    %dma_wait3A_87 = arith.constant 0 : i32
    %dma_wait3A_88 = arith.constant 0 : i32
    %dma_wait3A_89 = tpu.memref_slice %arg6[%dma_wait3A_80, %dma_wait3A_87, %dma_wait3A_88] : memref<3x32x1024xf32, #tpu.memory_space<vmem>> -> memref<1x32x1024xf32, #tpu.memory_space<vmem>>
    %dma_wait3A_90 = tpu.memref_squeeze %dma_wait3A_89 : memref<1x32x1024xf32, #tpu.memory_space<vmem>> -> memref<32x1024xf32, #tpu.memory_space<vmem>>
    %dma_wait3A_91 = arith.constant 0 : i32
    %dma_wait3A_92 = tpu.memref_slice %arg2[%add3A_27, %dma_wait3A_91] : memref<4096x1024xf32, #tpu.memory_space<hbm>> -> memref<32x1024xf32, #tpu.memory_space<hbm>>
    tpu.wait_dma2 semaphore(%arg8 : memref<!tpu.dma_semaphore, #tpu.memory_space<semaphore_mem>>) src(%dma_wait3A_92 : memref<32x1024xf32, #tpu.memory_space<hbm>>) dst(%dma_wait3A_90 : memref<32x1024xf32, #tpu.memory_space<vmem>>)
    %dma_start3A_93 = arith.constant 1 : i32
    %dma_start3A_94 = arith.constant 1 : i32
    %dma_start3A_95 = arith.constant 0 : i32
    %dma_start3A_96 = arith.constant 0 : i32
    %dma_start3A_97 = tpu.memref_slice %arg6[%dma_start3A_93, %dma_start3A_95, %dma_start3A_96] : memref<3x32x1024xf32, #tpu.memory_space<vmem>> -> memref<1x32x1024xf32, #tpu.memory_space<vmem>>
    %dma_start3A_98 = tpu.memref_squeeze %dma_start3A_97 : memref<1x32x1024xf32, #tpu.memory_space<vmem>> -> memref<32x1024xf32, #tpu.memory_space<vmem>>
    %dma_start3A_99 = arith.constant 0 : i32
    %dma_start3A_100 = tpu.memref_slice %arg5[%dma_start3A_94, %dma_start3A_99] : memref<8x32xi32, #tpu.memory_space<vmem>> -> memref<1x32xi32, #tpu.memory_space<vmem>>
    %dma_start3A_101 = tpu.memref_squeeze %dma_start3A_100 : memref<1x32xi32, #tpu.memory_space<vmem>> -> memref<32xi32, #tpu.memory_space<vmem>>
    %dma_start3A_102 = arith.constant 0 : i32
    %dma_start3A_103 = arith.constant 0 : i32
    %dma_start3A_104 = tpu.memref_slice %arg4[%dma_start3A_102, %dma_start3A_103] : memref<12288x1024xf32, #tpu.memory_space<hbm>> -> memref<12288x1024xf32, #tpu.memory_space<hbm>>
    tpu.enqueue_indirect_dma source(%dma_start3A_98 : memref<32x1024xf32, #tpu.memory_space<vmem>>) target(%dma_start3A_104 : memref<12288x1024xf32, #tpu.memory_space<hbm>>) offsets(%dma_start3A_101 : memref<32xi32, #tpu.memory_space<vmem>>) semaphore(%arg11 : memref<!tpu.dma_semaphore, #tpu.memory_space<semaphore_mem>>)
    %dma_wait3A_105 = arith.constant 0 : i32
    %dma_wait3A_106 = arith.constant 0 : i32
    %dma_wait3A_107 = arith.constant 0 : i32
    %dma_wait3A_108 = arith.constant 0 : i32
    %dma_wait3A_109 = tpu.memref_slice %arg6[%dma_wait3A_105, %dma_wait3A_107, %dma_wait3A_108] : memref<3x32x1024xf32, #tpu.memory_space<vmem>> -> memref<1x32x1024xf32, #tpu.memory_space<vmem>>
    %dma_wait3A_110 = tpu.memref_squeeze %dma_wait3A_109 : memref<1x32x1024xf32, #tpu.memory_space<vmem>> -> memref<32x1024xf32, #tpu.memory_space<vmem>>
    %dma_wait3A_111 = arith.constant 0 : i32
    %dma_wait3A_112 = tpu.memref_slice %arg5[%dma_wait3A_106, %dma_wait3A_111] : memref<8x32xi32, #tpu.memory_space<vmem>> -> memref<1x32xi32, #tpu.memory_space<vmem>>
    %dma_wait3A_113 = tpu.memref_squeeze %dma_wait3A_112 : memref<1x32xi32, #tpu.memory_space<vmem>> -> memref<32xi32, #tpu.memory_space<vmem>>
    %dma_wait3A_114 = arith.constant 0 : i32
    %dma_wait3A_115 = arith.constant 0 : i32
    %dma_wait3A_116 = tpu.memref_slice %arg4[%dma_wait3A_114, %dma_wait3A_115] : memref<12288x1024xf32, #tpu.memory_space<hbm>> -> memref<12288x1024xf32, #tpu.memory_space<hbm>>
    tpu.wait_indirect_dma semaphore(%arg10 : memref<!tpu.dma_semaphore, #tpu.memory_space<semaphore_mem>>) src(%dma_wait3A_110 : memref<32x1024xf32, #tpu.memory_space<vmem>>) dst(%dma_wait3A_116 : memref<12288x1024xf32, #tpu.memory_space<hbm>>)
    %add3A_117 = arith.constant 96 : i32
    %add3A_118 = arith.addi %select_n3A_11, %add3A_117 : i32
    %dma_start3A_119 = arith.constant 0 : i32
    %dma_start3A_120 = arith.constant 0 : i32
    %dma_start3A_121 = arith.constant 0 : i32
    %dma_start3A_122 = tpu.memref_slice %arg6[%dma_start3A_119, %dma_start3A_120, %dma_start3A_121] : memref<3x32x1024xf32, #tpu.memory_space<vmem>> -> memref<1x32x1024xf32, #tpu.memory_space<vmem>>
    %dma_start3A_123 = tpu.memref_squeeze %dma_start3A_122 : memref<1x32x1024xf32, #tpu.memory_space<vmem>> -> memref<32x1024xf32, #tpu.memory_space<vmem>>
    %dma_start3A_124 = arith.constant 0 : i32
    %dma_start3A_125 = tpu.memref_slice %arg2[%add3A_118, %dma_start3A_124] : memref<4096x1024xf32, #tpu.memory_space<hbm>> -> memref<32x1024xf32, #tpu.memory_space<hbm>>
    %dma_start3A_126 = arith.constant 0 : i32
    %dma_start3A_127 = arith.constant 0 : i32
    %dma_start3A_128 = tpu.memref_slice %arg6[%dma_start3A_119, %dma_start3A_126, %dma_start3A_127] : memref<3x32x1024xf32, #tpu.memory_space<vmem>> -> memref<1x32x1024xf32, #tpu.memory_space<vmem>>
    %dma_start3A_129 = tpu.memref_squeeze %dma_start3A_128 : memref<1x32x1024xf32, #tpu.memory_space<vmem>> -> memref<32x1024xf32, #tpu.memory_space<vmem>>
    %dma_start3A_130 = arith.constant 0 : i32
    %dma_start3A_131 = tpu.memref_slice %arg2[%add3A_118, %dma_start3A_130] : memref<4096x1024xf32, #tpu.memory_space<hbm>> -> memref<32x1024xf32, #tpu.memory_space<hbm>>
    tpu.enqueue_dma source(%dma_start3A_131 : memref<32x1024xf32, #tpu.memory_space<hbm>>) target(%dma_start3A_129 : memref<32x1024xf32, #tpu.memory_space<vmem>>) target_semaphore(%arg7 : memref<!tpu.dma_semaphore, #tpu.memory_space<semaphore_mem>>)
    %dma_wait3A_132 = arith.constant 2 : i32
    %dma_wait3A_133 = arith.constant 0 : i32
    %dma_wait3A_134 = arith.constant 0 : i32
    %dma_wait3A_135 = tpu.memref_slice %arg6[%dma_wait3A_132, %dma_wait3A_133, %dma_wait3A_134] : memref<3x32x1024xf32, #tpu.memory_space<vmem>> -> memref<1x32x1024xf32, #tpu.memory_space<vmem>>
    %dma_wait3A_136 = tpu.memref_squeeze %dma_wait3A_135 : memref<1x32x1024xf32, #tpu.memory_space<vmem>> -> memref<32x1024xf32, #tpu.memory_space<vmem>>
    %dma_wait3A_137 = arith.constant 0 : i32
    %dma_wait3A_138 = tpu.memref_slice %arg2[%add3A_66, %dma_wait3A_137] : memref<4096x1024xf32, #tpu.memory_space<hbm>> -> memref<32x1024xf32, #tpu.memory_space<hbm>>
    %dma_wait3A_139 = arith.constant 0 : i32
    %dma_wait3A_140 = arith.constant 0 : i32
    %dma_wait3A_141 = tpu.memref_slice %arg6[%dma_wait3A_132, %dma_wait3A_139, %dma_wait3A_140] : memref<3x32x1024xf32, #tpu.memory_space<vmem>> -> memref<1x32x1024xf32, #tpu.memory_space<vmem>>
    %dma_wait3A_142 = tpu.memref_squeeze %dma_wait3A_141 : memref<1x32x1024xf32, #tpu.memory_space<vmem>> -> memref<32x1024xf32, #tpu.memory_space<vmem>>
    %dma_wait3A_143 = arith.constant 0 : i32
    %dma_wait3A_144 = tpu.memref_slice %arg2[%add3A_66, %dma_wait3A_143] : memref<4096x1024xf32, #tpu.memory_space<hbm>> -> memref<32x1024xf32, #tpu.memory_space<hbm>>
    tpu.wait_dma2 semaphore(%arg9 : memref<!tpu.dma_semaphore, #tpu.memory_space<semaphore_mem>>) src(%dma_wait3A_144 : memref<32x1024xf32, #tpu.memory_space<hbm>>) dst(%dma_wait3A_142 : memref<32x1024xf32, #tpu.memory_space<vmem>>)
    %dma_start3A_145 = arith.constant 2 : i32
    %dma_start3A_146 = arith.constant 2 : i32
    %dma_start3A_147 = arith.constant 0 : i32
    %dma_start3A_148 = arith.constant 0 : i32
    %dma_start3A_149 = tpu.memref_slice %arg6[%dma_start3A_145, %dma_start3A_147, %dma_start3A_148] : memref<3x32x1024xf32, #tpu.memory_space<vmem>> -> memref<1x32x1024xf32, #tpu.memory_space<vmem>>
    %dma_start3A_150 = tpu.memref_squeeze %dma_start3A_149 : memref<1x32x1024xf32, #tpu.memory_space<vmem>> -> memref<32x1024xf32, #tpu.memory_space<vmem>>
    %dma_start3A_151 = arith.constant 0 : i32
    %dma_start3A_152 = tpu.memref_slice %arg5[%dma_start3A_146, %dma_start3A_151] : memref<8x32xi32, #tpu.memory_space<vmem>> -> memref<1x32xi32, #tpu.memory_space<vmem>>
    %dma_start3A_153 = tpu.memref_squeeze %dma_start3A_152 : memref<1x32xi32, #tpu.memory_space<vmem>> -> memref<32xi32, #tpu.memory_space<vmem>>
    %dma_start3A_154 = arith.constant 0 : i32
    %dma_start3A_155 = arith.constant 0 : i32
    %dma_start3A_156 = tpu.memref_slice %arg4[%dma_start3A_154, %dma_start3A_155] : memref<12288x1024xf32, #tpu.memory_space<hbm>> -> memref<12288x1024xf32, #tpu.memory_space<hbm>>
    tpu.enqueue_indirect_dma source(%dma_start3A_150 : memref<32x1024xf32, #tpu.memory_space<vmem>>) target(%dma_start3A_156 : memref<12288x1024xf32, #tpu.memory_space<hbm>>) offsets(%dma_start3A_153 : memref<32xi32, #tpu.memory_space<vmem>>) semaphore(%arg12 : memref<!tpu.dma_semaphore, #tpu.memory_space<semaphore_mem>>)
    %dma_wait3A_157 = arith.constant 1 : i32
    %dma_wait3A_158 = arith.constant 1 : i32
    %dma_wait3A_159 = arith.constant 0 : i32
    %dma_wait3A_160 = arith.constant 0 : i32
    %dma_wait3A_161 = tpu.memref_slice %arg6[%dma_wait3A_157, %dma_wait3A_159, %dma_wait3A_160] : memref<3x32x1024xf32, #tpu.memory_space<vmem>> -> memref<1x32x1024xf32, #tpu.memory_space<vmem>>
    %dma_wait3A_162 = tpu.memref_squeeze %dma_wait3A_161 : memref<1x32x1024xf32, #tpu.memory_space<vmem>> -> memref<32x1024xf32, #tpu.memory_space<vmem>>
    %dma_wait3A_163 = arith.constant 0 : i32
    %dma_wait3A_164 = tpu.memref_slice %arg5[%dma_wait3A_158, %dma_wait3A_163] : memref<8x32xi32, #tpu.memory_space<vmem>> -> memref<1x32xi32, #tpu.memory_space<vmem>>
    %dma_wait3A_165 = tpu.memref_squeeze %dma_wait3A_164 : memref<1x32xi32, #tpu.memory_space<vmem>> -> memref<32xi32, #tpu.memory_space<vmem>>
    %dma_wait3A_166 = arith.constant 0 : i32
    %dma_wait3A_167 = arith.constant 0 : i32
    %dma_wait3A_168 = tpu.memref_slice %arg4[%dma_wait3A_166, %dma_wait3A_167] : memref<12288x1024xf32, #tpu.memory_space<hbm>> -> memref<12288x1024xf32, #tpu.memory_space<hbm>>
    tpu.wait_indirect_dma semaphore(%arg11 : memref<!tpu.dma_semaphore, #tpu.memory_space<semaphore_mem>>) src(%dma_wait3A_162 : memref<32x1024xf32, #tpu.memory_space<vmem>>) dst(%dma_wait3A_168 : memref<12288x1024xf32, #tpu.memory_space<hbm>>)
    %add3A_169 = arith.constant 128 : i32
    %add3A_170 = arith.addi %select_n3A_11, %add3A_169 : i32
    %dma_start3A_171 = arith.constant 1 : i32
    %dma_start3A_172 = arith.constant 0 : i32
    %dma_start3A_173 = arith.constant 0 : i32
    %dma_start3A_174 = tpu.memref_slice %arg6[%dma_start3A_171, %dma_start3A_172, %dma_start3A_173] : memref<3x32x1024xf32, #tpu.memory_space<vmem>> -> memref<1x32x1024xf32, #tpu.memory_space<vmem>>
    %dma_start3A_175 = tpu.memref_squeeze %dma_start3A_174 : memref<1x32x1024xf32, #tpu.memory_space<vmem>> -> memref<32x1024xf32, #tpu.memory_space<vmem>>
    %dma_start3A_176 = arith.constant 0 : i32
    %dma_start3A_177 = tpu.memref_slice %arg2[%add3A_170, %dma_start3A_176] : memref<4096x1024xf32, #tpu.memory_space<hbm>> -> memref<32x1024xf32, #tpu.memory_space<hbm>>
    %dma_start3A_178 = arith.constant 0 : i32
    %dma_start3A_179 = arith.constant 0 : i32
    %dma_start3A_180 = tpu.memref_slice %arg6[%dma_start3A_171, %dma_start3A_178, %dma_start3A_179] : memref<3x32x1024xf32, #tpu.memory_space<vmem>> -> memref<1x32x1024xf32, #tpu.memory_space<vmem>>
    %dma_start3A_181 = tpu.memref_squeeze %dma_start3A_180 : memref<1x32x1024xf32, #tpu.memory_space<vmem>> -> memref<32x1024xf32, #tpu.memory_space<vmem>>
    %dma_start3A_182 = arith.constant 0 : i32
    %dma_start3A_183 = tpu.memref_slice %arg2[%add3A_170, %dma_start3A_182] : memref<4096x1024xf32, #tpu.memory_space<hbm>> -> memref<32x1024xf32, #tpu.memory_space<hbm>>
    tpu.enqueue_dma source(%dma_start3A_183 : memref<32x1024xf32, #tpu.memory_space<hbm>>) target(%dma_start3A_181 : memref<32x1024xf32, #tpu.memory_space<vmem>>) target_semaphore(%arg8 : memref<!tpu.dma_semaphore, #tpu.memory_space<semaphore_mem>>)
    %dma_wait3A_184 = arith.constant 0 : i32
    %dma_wait3A_185 = arith.constant 0 : i32
    %dma_wait3A_186 = arith.constant 0 : i32
    %dma_wait3A_187 = tpu.memref_slice %arg6[%dma_wait3A_184, %dma_wait3A_185, %dma_wait3A_186] : memref<3x32x1024xf32, #tpu.memory_space<vmem>> -> memref<1x32x1024xf32, #tpu.memory_space<vmem>>
    %dma_wait3A_188 = tpu.memref_squeeze %dma_wait3A_187 : memref<1x32x1024xf32, #tpu.memory_space<vmem>> -> memref<32x1024xf32, #tpu.memory_space<vmem>>
    %dma_wait3A_189 = arith.constant 0 : i32
    %dma_wait3A_190 = tpu.memref_slice %arg2[%add3A_118, %dma_wait3A_189] : memref<4096x1024xf32, #tpu.memory_space<hbm>> -> memref<32x1024xf32, #tpu.memory_space<hbm>>
    %dma_wait3A_191 = arith.constant 0 : i32
    %dma_wait3A_192 = arith.constant 0 : i32
    %dma_wait3A_193 = tpu.memref_slice %arg6[%dma_wait3A_184, %dma_wait3A_191, %dma_wait3A_192] : memref<3x32x1024xf32, #tpu.memory_space<vmem>> -> memref<1x32x1024xf32, #tpu.memory_space<vmem>>
    %dma_wait3A_194 = tpu.memref_squeeze %dma_wait3A_193 : memref<1x32x1024xf32, #tpu.memory_space<vmem>> -> memref<32x1024xf32, #tpu.memory_space<vmem>>
    %dma_wait3A_195 = arith.constant 0 : i32
    %dma_wait3A_196 = tpu.memref_slice %arg2[%add3A_118, %dma_wait3A_195] : memref<4096x1024xf32, #tpu.memory_space<hbm>> -> memref<32x1024xf32, #tpu.memory_space<hbm>>
    tpu.wait_dma2 semaphore(%arg7 : memref<!tpu.dma_semaphore, #tpu.memory_space<semaphore_mem>>) src(%dma_wait3A_196 : memref<32x1024xf32, #tpu.memory_space<hbm>>) dst(%dma_wait3A_194 : memref<32x1024xf32, #tpu.memory_space<vmem>>)
    %dma_start3A_197 = arith.constant 0 : i32
    %dma_start3A_198 = arith.constant 3 : i32
    %dma_start3A_199 = arith.constant 0 : i32
    %dma_start3A_200 = arith.constant 0 : i32
    %dma_start3A_201 = tpu.memref_slice %arg6[%dma_start3A_197, %dma_start3A_199, %dma_start3A_200] : memref<3x32x1024xf32, #tpu.memory_space<vmem>> -> memref<1x32x1024xf32, #tpu.memory_space<vmem>>
    %dma_start3A_202 = tpu.memref_squeeze %dma_start3A_201 : memref<1x32x1024xf32, #tpu.memory_space<vmem>> -> memref<32x1024xf32, #tpu.memory_space<vmem>>
    %dma_start3A_203 = arith.constant 0 : i32
    %dma_start3A_204 = tpu.memref_slice %arg5[%dma_start3A_198, %dma_start3A_203] : memref<8x32xi32, #tpu.memory_space<vmem>> -> memref<1x32xi32, #tpu.memory_space<vmem>>
    %dma_start3A_205 = tpu.memref_squeeze %dma_start3A_204 : memref<1x32xi32, #tpu.memory_space<vmem>> -> memref<32xi32, #tpu.memory_space<vmem>>
    %dma_start3A_206 = arith.constant 0 : i32
    %dma_start3A_207 = arith.constant 0 : i32
    %dma_start3A_208 = tpu.memref_slice %arg4[%dma_start3A_206, %dma_start3A_207] : memref<12288x1024xf32, #tpu.memory_space<hbm>> -> memref<12288x1024xf32, #tpu.memory_space<hbm>>
    tpu.enqueue_indirect_dma source(%dma_start3A_202 : memref<32x1024xf32, #tpu.memory_space<vmem>>) target(%dma_start3A_208 : memref<12288x1024xf32, #tpu.memory_space<hbm>>) offsets(%dma_start3A_205 : memref<32xi32, #tpu.memory_space<vmem>>) semaphore(%arg10 : memref<!tpu.dma_semaphore, #tpu.memory_space<semaphore_mem>>)
    %dma_wait3A_209 = arith.constant 2 : i32
    %dma_wait3A_210 = arith.constant 2 : i32
    %dma_wait3A_211 = arith.constant 0 : i32
    %dma_wait3A_212 = arith.constant 0 : i32
    %dma_wait3A_213 = tpu.memref_slice %arg6[%dma_wait3A_209, %dma_wait3A_211, %dma_wait3A_212] : memref<3x32x1024xf32, #tpu.memory_space<vmem>> -> memref<1x32x1024xf32, #tpu.memory_space<vmem>>
    %dma_wait3A_214 = tpu.memref_squeeze %dma_wait3A_213 : memref<1x32x1024xf32, #tpu.memory_space<vmem>> -> memref<32x1024xf32, #tpu.memory_space<vmem>>
    %dma_wait3A_215 = arith.constant 0 : i32
    %dma_wait3A_216 = tpu.memref_slice %arg5[%dma_wait3A_210, %dma_wait3A_215] : memref<8x32xi32, #tpu.memory_space<vmem>> -> memref<1x32xi32, #tpu.memory_space<vmem>>
    %dma_wait3A_217 = tpu.memref_squeeze %dma_wait3A_216 : memref<1x32xi32, #tpu.memory_space<vmem>> -> memref<32xi32, #tpu.memory_space<vmem>>
    %dma_wait3A_218 = arith.constant 0 : i32
    %dma_wait3A_219 = arith.constant 0 : i32
    %dma_wait3A_220 = tpu.memref_slice %arg4[%dma_wait3A_218, %dma_wait3A_219] : memref<12288x1024xf32, #tpu.memory_space<hbm>> -> memref<12288x1024xf32, #tpu.memory_space<hbm>>
    tpu.wait_indirect_dma semaphore(%arg12 : memref<!tpu.dma_semaphore, #tpu.memory_space<semaphore_mem>>) src(%dma_wait3A_214 : memref<32x1024xf32, #tpu.memory_space<vmem>>) dst(%dma_wait3A_220 : memref<12288x1024xf32, #tpu.memory_space<hbm>>)
    %add3A_221 = arith.constant 160 : i32
    %add3A_222 = arith.addi %select_n3A_11, %add3A_221 : i32
    %dma_start3A_223 = arith.constant 2 : i32
    %dma_start3A_224 = arith.constant 0 : i32
    %dma_start3A_225 = arith.constant 0 : i32
    %dma_start3A_226 = tpu.memref_slice %arg6[%dma_start3A_223, %dma_start3A_224, %dma_start3A_225] : memref<3x32x1024xf32, #tpu.memory_space<vmem>> -> memref<1x32x1024xf32, #tpu.memory_space<vmem>>
    %dma_start3A_227 = tpu.memref_squeeze %dma_start3A_226 : memref<1x32x1024xf32, #tpu.memory_space<vmem>> -> memref<32x1024xf32, #tpu.memory_space<vmem>>
    %dma_start3A_228 = arith.constant 0 : i32
    %dma_start3A_229 = tpu.memref_slice %arg2[%add3A_222, %dma_start3A_228] : memref<4096x1024xf32, #tpu.memory_space<hbm>> -> memref<32x1024xf32, #tpu.memory_space<hbm>>
    %dma_start3A_230 = arith.constant 0 : i32
    %dma_start3A_231 = arith.constant 0 : i32
    %dma_start3A_232 = tpu.memref_slice %arg6[%dma_start3A_223, %dma_start3A_230, %dma_start3A_231] : memref<3x32x1024xf32, #tpu.memory_space<vmem>> -> memref<1x32x1024xf32, #tpu.memory_space<vmem>>
    %dma_start3A_233 = tpu.memref_squeeze %dma_start3A_232 : memref<1x32x1024xf32, #tpu.memory_space<vmem>> -> memref<32x1024xf32, #tpu.memory_space<vmem>>
    %dma_start3A_234 = arith.constant 0 : i32
    %dma_start3A_235 = tpu.memref_slice %arg2[%add3A_222, %dma_start3A_234] : memref<4096x1024xf32, #tpu.memory_space<hbm>> -> memref<32x1024xf32, #tpu.memory_space<hbm>>
    tpu.enqueue_dma source(%dma_start3A_235 : memref<32x1024xf32, #tpu.memory_space<hbm>>) target(%dma_start3A_233 : memref<32x1024xf32, #tpu.memory_space<vmem>>) target_semaphore(%arg9 : memref<!tpu.dma_semaphore, #tpu.memory_space<semaphore_mem>>)
    %dma_wait3A_236 = arith.constant 1 : i32
    %dma_wait3A_237 = arith.constant 0 : i32
    %dma_wait3A_238 = arith.constant 0 : i32
    %dma_wait3A_239 = tpu.memref_slice %arg6[%dma_wait3A_236, %dma_wait3A_237, %dma_wait3A_238] : memref<3x32x1024xf32, #tpu.memory_space<vmem>> -> memref<1x32x1024xf32, #tpu.memory_space<vmem>>
    %dma_wait3A_240 = tpu.memref_squeeze %dma_wait3A_239 : memref<1x32x1024xf32, #tpu.memory_space<vmem>> -> memref<32x1024xf32, #tpu.memory_space<vmem>>
    %dma_wait3A_241 = arith.constant 0 : i32
    %dma_wait3A_242 = tpu.memref_slice %arg2[%add3A_170, %dma_wait3A_241] : memref<4096x1024xf32, #tpu.memory_space<hbm>> -> memref<32x1024xf32, #tpu.memory_space<hbm>>
    %dma_wait3A_243 = arith.constant 0 : i32
    %dma_wait3A_244 = arith.constant 0 : i32
    %dma_wait3A_245 = tpu.memref_slice %arg6[%dma_wait3A_236, %dma_wait3A_243, %dma_wait3A_244] : memref<3x32x1024xf32, #tpu.memory_space<vmem>> -> memref<1x32x1024xf32, #tpu.memory_space<vmem>>
    %dma_wait3A_246 = tpu.memref_squeeze %dma_wait3A_245 : memref<1x32x1024xf32, #tpu.memory_space<vmem>> -> memref<32x1024xf32, #tpu.memory_space<vmem>>
    %dma_wait3A_247 = arith.constant 0 : i32
    %dma_wait3A_248 = tpu.memref_slice %arg2[%add3A_170, %dma_wait3A_247] : memref<4096x1024xf32, #tpu.memory_space<hbm>> -> memref<32x1024xf32, #tpu.memory_space<hbm>>
    tpu.wait_dma2 semaphore(%arg8 : memref<!tpu.dma_semaphore, #tpu.memory_space<semaphore_mem>>) src(%dma_wait3A_248 : memref<32x1024xf32, #tpu.memory_space<hbm>>) dst(%dma_wait3A_246 : memref<32x1024xf32, #tpu.memory_space<vmem>>)
    %dma_start3A_249 = arith.constant 1 : i32
    %dma_start3A_250 = arith.constant 4 : i32
    %dma_start3A_251 = arith.constant 0 : i32
    %dma_start3A_252 = arith.constant 0 : i32
    %dma_start3A_253 = tpu.memref_slice %arg6[%dma_start3A_249, %dma_start3A_251, %dma_start3A_252] : memref<3x32x1024xf32, #tpu.memory_space<vmem>> -> memref<1x32x1024xf32, #tpu.memory_space<vmem>>
    %dma_start3A_254 = tpu.memref_squeeze %dma_start3A_253 : memref<1x32x1024xf32, #tpu.memory_space<vmem>> -> memref<32x1024xf32, #tpu.memory_space<vmem>>
    %dma_start3A_255 = arith.constant 0 : i32
    %dma_start3A_256 = tpu.memref_slice %arg5[%dma_start3A_250, %dma_start3A_255] : memref<8x32xi32, #tpu.memory_space<vmem>> -> memref<1x32xi32, #tpu.memory_space<vmem>>
    %dma_start3A_257 = tpu.memref_squeeze %dma_start3A_256 : memref<1x32xi32, #tpu.memory_space<vmem>> -> memref<32xi32, #tpu.memory_space<vmem>>
    %dma_start3A_258 = arith.constant 0 : i32
    %dma_start3A_259 = arith.constant 0 : i32
    %dma_start3A_260 = tpu.memref_slice %arg4[%dma_start3A_258, %dma_start3A_259] : memref<12288x1024xf32, #tpu.memory_space<hbm>> -> memref<12288x1024xf32, #tpu.memory_space<hbm>>
    tpu.enqueue_indirect_dma source(%dma_start3A_254 : memref<32x1024xf32, #tpu.memory_space<vmem>>) target(%dma_start3A_260 : memref<12288x1024xf32, #tpu.memory_space<hbm>>) offsets(%dma_start3A_257 : memref<32xi32, #tpu.memory_space<vmem>>) semaphore(%arg11 : memref<!tpu.dma_semaphore, #tpu.memory_space<semaphore_mem>>)
    %dma_wait3A_261 = arith.constant 0 : i32
    %dma_wait3A_262 = arith.constant 3 : i32
    %dma_wait3A_263 = arith.constant 0 : i32
    %dma_wait3A_264 = arith.constant 0 : i32
    %dma_wait3A_265 = tpu.memref_slice %arg6[%dma_wait3A_261, %dma_wait3A_263, %dma_wait3A_264] : memref<3x32x1024xf32, #tpu.memory_space<vmem>> -> memref<1x32x1024xf32, #tpu.memory_space<vmem>>
    %dma_wait3A_266 = tpu.memref_squeeze %dma_wait3A_265 : memref<1x32x1024xf32, #tpu.memory_space<vmem>> -> memref<32x1024xf32, #tpu.memory_space<vmem>>
    %dma_wait3A_267 = arith.constant 0 : i32
    %dma_wait3A_268 = tpu.memref_slice %arg5[%dma_wait3A_262, %dma_wait3A_267] : memref<8x32xi32, #tpu.memory_space<vmem>> -> memref<1x32xi32, #tpu.memory_space<vmem>>
    %dma_wait3A_269 = tpu.memref_squeeze %dma_wait3A_268 : memref<1x32xi32, #tpu.memory_space<vmem>> -> memref<32xi32, #tpu.memory_space<vmem>>
    %dma_wait3A_270 = arith.constant 0 : i32
    %dma_wait3A_271 = arith.constant 0 : i32
    %dma_wait3A_272 = tpu.memref_slice %arg4[%dma_wait3A_270, %dma_wait3A_271] : memref<12288x1024xf32, #tpu.memory_space<hbm>> -> memref<12288x1024xf32, #tpu.memory_space<hbm>>
    tpu.wait_indirect_dma semaphore(%arg10 : memref<!tpu.dma_semaphore, #tpu.memory_space<semaphore_mem>>) src(%dma_wait3A_266 : memref<32x1024xf32, #tpu.memory_space<vmem>>) dst(%dma_wait3A_272 : memref<12288x1024xf32, #tpu.memory_space<hbm>>)
    %add3A_273 = arith.constant 192 : i32
    %add3A_274 = arith.addi %select_n3A_11, %add3A_273 : i32
    %dma_start3A_275 = arith.constant 0 : i32
    %dma_start3A_276 = arith.constant 0 : i32
    %dma_start3A_277 = arith.constant 0 : i32
    %dma_start3A_278 = tpu.memref_slice %arg6[%dma_start3A_275, %dma_start3A_276, %dma_start3A_277] : memref<3x32x1024xf32, #tpu.memory_space<vmem>> -> memref<1x32x1024xf32, #tpu.memory_space<vmem>>
    %dma_start3A_279 = tpu.memref_squeeze %dma_start3A_278 : memref<1x32x1024xf32, #tpu.memory_space<vmem>> -> memref<32x1024xf32, #tpu.memory_space<vmem>>
    %dma_start3A_280 = arith.constant 0 : i32
    %dma_start3A_281 = tpu.memref_slice %arg2[%add3A_274, %dma_start3A_280] : memref<4096x1024xf32, #tpu.memory_space<hbm>> -> memref<32x1024xf32, #tpu.memory_space<hbm>>
    %dma_start3A_282 = arith.constant 0 : i32
    %dma_start3A_283 = arith.constant 0 : i32
    %dma_start3A_284 = tpu.memref_slice %arg6[%dma_start3A_275, %dma_start3A_282, %dma_start3A_283] : memref<3x32x1024xf32, #tpu.memory_space<vmem>> -> memref<1x32x1024xf32, #tpu.memory_space<vmem>>
    %dma_start3A_285 = tpu.memref_squeeze %dma_start3A_284 : memref<1x32x1024xf32, #tpu.memory_space<vmem>> -> memref<32x1024xf32, #tpu.memory_space<vmem>>
    %dma_start3A_286 = arith.constant 0 : i32
    %dma_start3A_287 = tpu.memref_slice %arg2[%add3A_274, %dma_start3A_286] : memref<4096x1024xf32, #tpu.memory_space<hbm>> -> memref<32x1024xf32, #tpu.memory_space<hbm>>
    tpu.enqueue_dma source(%dma_start3A_287 : memref<32x1024xf32, #tpu.memory_space<hbm>>) target(%dma_start3A_285 : memref<32x1024xf32, #tpu.memory_space<vmem>>) target_semaphore(%arg7 : memref<!tpu.dma_semaphore, #tpu.memory_space<semaphore_mem>>)
    %dma_wait3A_288 = arith.constant 2 : i32
    %dma_wait3A_289 = arith.constant 0 : i32
    %dma_wait3A_290 = arith.constant 0 : i32
    %dma_wait3A_291 = tpu.memref_slice %arg6[%dma_wait3A_288, %dma_wait3A_289, %dma_wait3A_290] : memref<3x32x1024xf32, #tpu.memory_space<vmem>> -> memref<1x32x1024xf32, #tpu.memory_space<vmem>>
    %dma_wait3A_292 = tpu.memref_squeeze %dma_wait3A_291 : memref<1x32x1024xf32, #tpu.memory_space<vmem>> -> memref<32x1024xf32, #tpu.memory_space<vmem>>
    %dma_wait3A_293 = arith.constant 0 : i32
    %dma_wait3A_294 = tpu.memref_slice %arg2[%add3A_222, %dma_wait3A_293] : memref<4096x1024xf32, #tpu.memory_space<hbm>> -> memref<32x1024xf32, #tpu.memory_space<hbm>>
    %dma_wait3A_295 = arith.constant 0 : i32
    %dma_wait3A_296 = arith.constant 0 : i32
    %dma_wait3A_297 = tpu.memref_slice %arg6[%dma_wait3A_288, %dma_wait3A_295, %dma_wait3A_296] : memref<3x32x1024xf32, #tpu.memory_space<vmem>> -> memref<1x32x1024xf32, #tpu.memory_space<vmem>>
    %dma_wait3A_298 = tpu.memref_squeeze %dma_wait3A_297 : memref<1x32x1024xf32, #tpu.memory_space<vmem>> -> memref<32x1024xf32, #tpu.memory_space<vmem>>
    %dma_wait3A_299 = arith.constant 0 : i32
    %dma_wait3A_300 = tpu.memref_slice %arg2[%add3A_222, %dma_wait3A_299] : memref<4096x1024xf32, #tpu.memory_space<hbm>> -> memref<32x1024xf32, #tpu.memory_space<hbm>>
    tpu.wait_dma2 semaphore(%arg9 : memref<!tpu.dma_semaphore, #tpu.memory_space<semaphore_mem>>) src(%dma_wait3A_300 : memref<32x1024xf32, #tpu.memory_space<hbm>>) dst(%dma_wait3A_298 : memref<32x1024xf32, #tpu.memory_space<vmem>>)
    %dma_start3A_301 = arith.constant 2 : i32
    %dma_start3A_302 = arith.constant 5 : i32
    %dma_start3A_303 = arith.constant 0 : i32
    %dma_start3A_304 = arith.constant 0 : i32
    %dma_start3A_305 = tpu.memref_slice %arg6[%dma_start3A_301, %dma_start3A_303, %dma_start3A_304] : memref<3x32x1024xf32, #tpu.memory_space<vmem>> -> memref<1x32x1024xf32, #tpu.memory_space<vmem>>
    %dma_start3A_306 = tpu.memref_squeeze %dma_start3A_305 : memref<1x32x1024xf32, #tpu.memory_space<vmem>> -> memref<32x1024xf32, #tpu.memory_space<vmem>>
    %dma_start3A_307 = arith.constant 0 : i32
    %dma_start3A_308 = tpu.memref_slice %arg5[%dma_start3A_302, %dma_start3A_307] : memref<8x32xi32, #tpu.memory_space<vmem>> -> memref<1x32xi32, #tpu.memory_space<vmem>>
    %dma_start3A_309 = tpu.memref_squeeze %dma_start3A_308 : memref<1x32xi32, #tpu.memory_space<vmem>> -> memref<32xi32, #tpu.memory_space<vmem>>
    %dma_start3A_310 = arith.constant 0 : i32
    %dma_start3A_311 = arith.constant 0 : i32
    %dma_start3A_312 = tpu.memref_slice %arg4[%dma_start3A_310, %dma_start3A_311] : memref<12288x1024xf32, #tpu.memory_space<hbm>> -> memref<12288x1024xf32, #tpu.memory_space<hbm>>
    tpu.enqueue_indirect_dma source(%dma_start3A_306 : memref<32x1024xf32, #tpu.memory_space<vmem>>) target(%dma_start3A_312 : memref<12288x1024xf32, #tpu.memory_space<hbm>>) offsets(%dma_start3A_309 : memref<32xi32, #tpu.memory_space<vmem>>) semaphore(%arg12 : memref<!tpu.dma_semaphore, #tpu.memory_space<semaphore_mem>>)
    %dma_wait3A_313 = arith.constant 1 : i32
    %dma_wait3A_314 = arith.constant 4 : i32
    %dma_wait3A_315 = arith.constant 0 : i32
    %dma_wait3A_316 = arith.constant 0 : i32
    %dma_wait3A_317 = tpu.memref_slice %arg6[%dma_wait3A_313, %dma_wait3A_315, %dma_wait3A_316] : memref<3x32x1024xf32, #tpu.memory_space<vmem>> -> memref<1x32x1024xf32, #tpu.memory_space<vmem>>
    %dma_wait3A_318 = tpu.memref_squeeze %dma_wait3A_317 : memref<1x32x1024xf32, #tpu.memory_space<vmem>> -> memref<32x1024xf32, #tpu.memory_space<vmem>>
    %dma_wait3A_319 = arith.constant 0 : i32
    %dma_wait3A_320 = tpu.memref_slice %arg5[%dma_wait3A_314, %dma_wait3A_319] : memref<8x32xi32, #tpu.memory_space<vmem>> -> memref<1x32xi32, #tpu.memory_space<vmem>>
    %dma_wait3A_321 = tpu.memref_squeeze %dma_wait3A_320 : memref<1x32xi32, #tpu.memory_space<vmem>> -> memref<32xi32, #tpu.memory_space<vmem>>
    %dma_wait3A_322 = arith.constant 0 : i32
    %dma_wait3A_323 = arith.constant 0 : i32
    %dma_wait3A_324 = tpu.memref_slice %arg4[%dma_wait3A_322, %dma_wait3A_323] : memref<12288x1024xf32, #tpu.memory_space<hbm>> -> memref<12288x1024xf32, #tpu.memory_space<hbm>>
    tpu.wait_indirect_dma semaphore(%arg11 : memref<!tpu.dma_semaphore, #tpu.memory_space<semaphore_mem>>) src(%dma_wait3A_318 : memref<32x1024xf32, #tpu.memory_space<vmem>>) dst(%dma_wait3A_324 : memref<12288x1024xf32, #tpu.memory_space<hbm>>)
    %add3A_325 = arith.constant 224 : i32
    %add3A_326 = arith.addi %select_n3A_11, %add3A_325 : i32
    %dma_start3A_327 = arith.constant 1 : i32
    %dma_start3A_328 = arith.constant 0 : i32
    %dma_start3A_329 = arith.constant 0 : i32
    %dma_start3A_330 = tpu.memref_slice %arg6[%dma_start3A_327, %dma_start3A_328, %dma_start3A_329] : memref<3x32x1024xf32, #tpu.memory_space<vmem>> -> memref<1x32x1024xf32, #tpu.memory_space<vmem>>
    %dma_start3A_331 = tpu.memref_squeeze %dma_start3A_330 : memref<1x32x1024xf32, #tpu.memory_space<vmem>> -> memref<32x1024xf32, #tpu.memory_space<vmem>>
    %dma_start3A_332 = arith.constant 0 : i32
    %dma_start3A_333 = tpu.memref_slice %arg2[%add3A_326, %dma_start3A_332] : memref<4096x1024xf32, #tpu.memory_space<hbm>> -> memref<32x1024xf32, #tpu.memory_space<hbm>>
    %dma_start3A_334 = arith.constant 0 : i32
    %dma_start3A_335 = arith.constant 0 : i32
    %dma_start3A_336 = tpu.memref_slice %arg6[%dma_start3A_327, %dma_start3A_334, %dma_start3A_335] : memref<3x32x1024xf32, #tpu.memory_space<vmem>> -> memref<1x32x1024xf32, #tpu.memory_space<vmem>>
    %dma_start3A_337 = tpu.memref_squeeze %dma_start3A_336 : memref<1x32x1024xf32, #tpu.memory_space<vmem>> -> memref<32x1024xf32, #tpu.memory_space<vmem>>
    %dma_start3A_338 = arith.constant 0 : i32
    %dma_start3A_339 = tpu.memref_slice %arg2[%add3A_326, %dma_start3A_338] : memref<4096x1024xf32, #tpu.memory_space<hbm>> -> memref<32x1024xf32, #tpu.memory_space<hbm>>
    tpu.enqueue_dma source(%dma_start3A_339 : memref<32x1024xf32, #tpu.memory_space<hbm>>) target(%dma_start3A_337 : memref<32x1024xf32, #tpu.memory_space<vmem>>) target_semaphore(%arg8 : memref<!tpu.dma_semaphore, #tpu.memory_space<semaphore_mem>>)
    %dma_wait3A_340 = arith.constant 0 : i32
    %dma_wait3A_341 = arith.constant 0 : i32
    %dma_wait3A_342 = arith.constant 0 : i32
    %dma_wait3A_343 = tpu.memref_slice %arg6[%dma_wait3A_340, %dma_wait3A_341, %dma_wait3A_342] : memref<3x32x1024xf32, #tpu.memory_space<vmem>> -> memref<1x32x1024xf32, #tpu.memory_space<vmem>>
    %dma_wait3A_344 = tpu.memref_squeeze %dma_wait3A_343 : memref<1x32x1024xf32, #tpu.memory_space<vmem>> -> memref<32x1024xf32, #tpu.memory_space<vmem>>
    %dma_wait3A_345 = arith.constant 0 : i32
    %dma_wait3A_346 = tpu.memref_slice %arg2[%add3A_274, %dma_wait3A_345] : memref<4096x1024xf32, #tpu.memory_space<hbm>> -> memref<32x1024xf32, #tpu.memory_space<hbm>>
    %dma_wait3A_347 = arith.constant 0 : i32
    %dma_wait3A_348 = arith.constant 0 : i32
    %dma_wait3A_349 = tpu.memref_slice %arg6[%dma_wait3A_340, %dma_wait3A_347, %dma_wait3A_348] : memref<3x32x1024xf32, #tpu.memory_space<vmem>> -> memref<1x32x1024xf32, #tpu.memory_space<vmem>>
    %dma_wait3A_350 = tpu.memref_squeeze %dma_wait3A_349 : memref<1x32x1024xf32, #tpu.memory_space<vmem>> -> memref<32x1024xf32, #tpu.memory_space<vmem>>
    %dma_wait3A_351 = arith.constant 0 : i32
    %dma_wait3A_352 = tpu.memref_slice %arg2[%add3A_274, %dma_wait3A_351] : memref<4096x1024xf32, #tpu.memory_space<hbm>> -> memref<32x1024xf32, #tpu.memory_space<hbm>>
    tpu.wait_dma2 semaphore(%arg7 : memref<!tpu.dma_semaphore, #tpu.memory_space<semaphore_mem>>) src(%dma_wait3A_352 : memref<32x1024xf32, #tpu.memory_space<hbm>>) dst(%dma_wait3A_350 : memref<32x1024xf32, #tpu.memory_space<vmem>>)
    %dma_start3A_353 = arith.constant 0 : i32
    %dma_start3A_354 = arith.constant 6 : i32
    %dma_start3A_355 = arith.constant 0 : i32
    %dma_start3A_356 = arith.constant 0 : i32
    %dma_start3A_357 = tpu.memref_slice %arg6[%dma_start3A_353, %dma_start3A_355, %dma_start3A_356] : memref<3x32x1024xf32, #tpu.memory_space<vmem>> -> memref<1x32x1024xf32, #tpu.memory_space<vmem>>
    %dma_start3A_358 = tpu.memref_squeeze %dma_start3A_357 : memref<1x32x1024xf32, #tpu.memory_space<vmem>> -> memref<32x1024xf32, #tpu.memory_space<vmem>>
    %dma_start3A_359 = arith.constant 0 : i32
    %dma_start3A_360 = tpu.memref_slice %arg5[%dma_start3A_354, %dma_start3A_359] : memref<8x32xi32, #tpu.memory_space<vmem>> -> memref<1x32xi32, #tpu.memory_space<vmem>>
    %dma_start3A_361 = tpu.memref_squeeze %dma_start3A_360 : memref<1x32xi32, #tpu.memory_space<vmem>> -> memref<32xi32, #tpu.memory_space<vmem>>
    %dma_start3A_362 = arith.constant 0 : i32
    %dma_start3A_363 = arith.constant 0 : i32
    %dma_start3A_364 = tpu.memref_slice %arg4[%dma_start3A_362, %dma_start3A_363] : memref<12288x1024xf32, #tpu.memory_space<hbm>> -> memref<12288x1024xf32, #tpu.memory_space<hbm>>
    tpu.enqueue_indirect_dma source(%dma_start3A_358 : memref<32x1024xf32, #tpu.memory_space<vmem>>) target(%dma_start3A_364 : memref<12288x1024xf32, #tpu.memory_space<hbm>>) offsets(%dma_start3A_361 : memref<32xi32, #tpu.memory_space<vmem>>) semaphore(%arg10 : memref<!tpu.dma_semaphore, #tpu.memory_space<semaphore_mem>>)
    %dma_wait3A_365 = arith.constant 1 : i32
    %dma_wait3A_366 = arith.constant 0 : i32
    %dma_wait3A_367 = arith.constant 0 : i32
    %dma_wait3A_368 = tpu.memref_slice %arg6[%dma_wait3A_365, %dma_wait3A_366, %dma_wait3A_367] : memref<3x32x1024xf32, #tpu.memory_space<vmem>> -> memref<1x32x1024xf32, #tpu.memory_space<vmem>>
    %dma_wait3A_369 = tpu.memref_squeeze %dma_wait3A_368 : memref<1x32x1024xf32, #tpu.memory_space<vmem>> -> memref<32x1024xf32, #tpu.memory_space<vmem>>
    %dma_wait3A_370 = arith.constant 0 : i32
    %dma_wait3A_371 = tpu.memref_slice %arg2[%add3A_326, %dma_wait3A_370] : memref<4096x1024xf32, #tpu.memory_space<hbm>> -> memref<32x1024xf32, #tpu.memory_space<hbm>>
    %dma_wait3A_372 = arith.constant 0 : i32
    %dma_wait3A_373 = arith.constant 0 : i32
    %dma_wait3A_374 = tpu.memref_slice %arg6[%dma_wait3A_365, %dma_wait3A_372, %dma_wait3A_373] : memref<3x32x1024xf32, #tpu.memory_space<vmem>> -> memref<1x32x1024xf32, #tpu.memory_space<vmem>>
    %dma_wait3A_375 = tpu.memref_squeeze %dma_wait3A_374 : memref<1x32x1024xf32, #tpu.memory_space<vmem>> -> memref<32x1024xf32, #tpu.memory_space<vmem>>
    %dma_wait3A_376 = arith.constant 0 : i32
    %dma_wait3A_377 = tpu.memref_slice %arg2[%add3A_326, %dma_wait3A_376] : memref<4096x1024xf32, #tpu.memory_space<hbm>> -> memref<32x1024xf32, #tpu.memory_space<hbm>>
    tpu.wait_dma2 semaphore(%arg8 : memref<!tpu.dma_semaphore, #tpu.memory_space<semaphore_mem>>) src(%dma_wait3A_377 : memref<32x1024xf32, #tpu.memory_space<hbm>>) dst(%dma_wait3A_375 : memref<32x1024xf32, #tpu.memory_space<vmem>>)
    %dma_start3A_378 = arith.constant 1 : i32
    %dma_start3A_379 = arith.constant 7 : i32
    %dma_start3A_380 = arith.constant 0 : i32
    %dma_start3A_381 = arith.constant 0 : i32
    %dma_start3A_382 = tpu.memref_slice %arg6[%dma_start3A_378, %dma_start3A_380, %dma_start3A_381] : memref<3x32x1024xf32, #tpu.memory_space<vmem>> -> memref<1x32x1024xf32, #tpu.memory_space<vmem>>
    %dma_start3A_383 = tpu.memref_squeeze %dma_start3A_382 : memref<1x32x1024xf32, #tpu.memory_space<vmem>> -> memref<32x1024xf32, #tpu.memory_space<vmem>>
    %dma_start3A_384 = arith.constant 0 : i32
    %dma_start3A_385 = tpu.memref_slice %arg5[%dma_start3A_379, %dma_start3A_384] : memref<8x32xi32, #tpu.memory_space<vmem>> -> memref<1x32xi32, #tpu.memory_space<vmem>>
    %dma_start3A_386 = tpu.memref_squeeze %dma_start3A_385 : memref<1x32xi32, #tpu.memory_space<vmem>> -> memref<32xi32, #tpu.memory_space<vmem>>
    %dma_start3A_387 = arith.constant 0 : i32
    %dma_start3A_388 = arith.constant 0 : i32
    %dma_start3A_389 = tpu.memref_slice %arg4[%dma_start3A_387, %dma_start3A_388] : memref<12288x1024xf32, #tpu.memory_space<hbm>> -> memref<12288x1024xf32, #tpu.memory_space<hbm>>
    tpu.enqueue_indirect_dma source(%dma_start3A_383 : memref<32x1024xf32, #tpu.memory_space<vmem>>) target(%dma_start3A_389 : memref<12288x1024xf32, #tpu.memory_space<hbm>>) offsets(%dma_start3A_386 : memref<32xi32, #tpu.memory_space<vmem>>) semaphore(%arg11 : memref<!tpu.dma_semaphore, #tpu.memory_space<semaphore_mem>>)
    %dma_wait3A_390 = arith.constant 2 : i32
    %dma_wait3A_391 = arith.constant 5 : i32
    %dma_wait3A_392 = arith.constant 0 : i32
    %dma_wait3A_393 = arith.constant 0 : i32
    %dma_wait3A_394 = tpu.memref_slice %arg6[%dma_wait3A_390, %dma_wait3A_392, %dma_wait3A_393] : memref<3x32x1024xf32, #tpu.memory_space<vmem>> -> memref<1x32x1024xf32, #tpu.memory_space<vmem>>
    %dma_wait3A_395 = tpu.memref_squeeze %dma_wait3A_394 : memref<1x32x1024xf32, #tpu.memory_space<vmem>> -> memref<32x1024xf32, #tpu.memory_space<vmem>>
    %dma_wait3A_396 = arith.constant 0 : i32
    %dma_wait3A_397 = tpu.memref_slice %arg5[%dma_wait3A_391, %dma_wait3A_396] : memref<8x32xi32, #tpu.memory_space<vmem>> -> memref<1x32xi32, #tpu.memory_space<vmem>>
    %dma_wait3A_398 = tpu.memref_squeeze %dma_wait3A_397 : memref<1x32xi32, #tpu.memory_space<vmem>> -> memref<32xi32, #tpu.memory_space<vmem>>
    %dma_wait3A_399 = arith.constant 0 : i32
    %dma_wait3A_400 = arith.constant 0 : i32
    %dma_wait3A_401 = tpu.memref_slice %arg4[%dma_wait3A_399, %dma_wait3A_400] : memref<12288x1024xf32, #tpu.memory_space<hbm>> -> memref<12288x1024xf32, #tpu.memory_space<hbm>>
    tpu.wait_indirect_dma semaphore(%arg12 : memref<!tpu.dma_semaphore, #tpu.memory_space<semaphore_mem>>) src(%dma_wait3A_395 : memref<32x1024xf32, #tpu.memory_space<vmem>>) dst(%dma_wait3A_401 : memref<12288x1024xf32, #tpu.memory_space<hbm>>)
    %dma_wait3A_402 = arith.constant 0 : i32
    %dma_wait3A_403 = arith.constant 6 : i32
    %dma_wait3A_404 = arith.constant 0 : i32
    %dma_wait3A_405 = arith.constant 0 : i32
    %dma_wait3A_406 = tpu.memref_slice %arg6[%dma_wait3A_402, %dma_wait3A_404, %dma_wait3A_405] : memref<3x32x1024xf32, #tpu.memory_space<vmem>> -> memref<1x32x1024xf32, #tpu.memory_space<vmem>>
    %dma_wait3A_407 = tpu.memref_squeeze %dma_wait3A_406 : memref<1x32x1024xf32, #tpu.memory_space<vmem>> -> memref<32x1024xf32, #tpu.memory_space<vmem>>
    %dma_wait3A_408 = arith.constant 0 : i32
    %dma_wait3A_409 = tpu.memref_slice %arg5[%dma_wait3A_403, %dma_wait3A_408] : memref<8x32xi32, #tpu.memory_space<vmem>> -> memref<1x32xi32, #tpu.memory_space<vmem>>
    %dma_wait3A_410 = tpu.memref_squeeze %dma_wait3A_409 : memref<1x32xi32, #tpu.memory_space<vmem>> -> memref<32xi32, #tpu.memory_space<vmem>>
    %dma_wait3A_411 = arith.constant 0 : i32
    %dma_wait3A_412 = arith.constant 0 : i32
    %dma_wait3A_413 = tpu.memref_slice %arg4[%dma_wait3A_411, %dma_wait3A_412] : memref<12288x1024xf32, #tpu.memory_space<hbm>> -> memref<12288x1024xf32, #tpu.memory_space<hbm>>
    tpu.wait_indirect_dma semaphore(%arg10 : memref<!tpu.dma_semaphore, #tpu.memory_space<semaphore_mem>>) src(%dma_wait3A_407 : memref<32x1024xf32, #tpu.memory_space<vmem>>) dst(%dma_wait3A_413 : memref<12288x1024xf32, #tpu.memory_space<hbm>>)
    %dma_wait3A_414 = arith.constant 1 : i32
    %dma_wait3A_415 = arith.constant 7 : i32
    %dma_wait3A_416 = arith.constant 0 : i32
    %dma_wait3A_417 = arith.constant 0 : i32
    %dma_wait3A_418 = tpu.memref_slice %arg6[%dma_wait3A_414, %dma_wait3A_416, %dma_wait3A_417] : memref<3x32x1024xf32, #tpu.memory_space<vmem>> -> memref<1x32x1024xf32, #tpu.memory_space<vmem>>
    %dma_wait3A_419 = tpu.memref_squeeze %dma_wait3A_418 : memref<1x32x1024xf32, #tpu.memory_space<vmem>> -> memref<32x1024xf32, #tpu.memory_space<vmem>>
    %dma_wait3A_420 = arith.constant 0 : i32
    %dma_wait3A_421 = tpu.memref_slice %arg5[%dma_wait3A_415, %dma_wait3A_420] : memref<8x32xi32, #tpu.memory_space<vmem>> -> memref<1x32xi32, #tpu.memory_space<vmem>>
    %dma_wait3A_422 = tpu.memref_squeeze %dma_wait3A_421 : memref<1x32xi32, #tpu.memory_space<vmem>> -> memref<32xi32, #tpu.memory_space<vmem>>
    %dma_wait3A_423 = arith.constant 0 : i32
    %dma_wait3A_424 = arith.constant 0 : i32
    %dma_wait3A_425 = tpu.memref_slice %arg4[%dma_wait3A_423, %dma_wait3A_424] : memref<12288x1024xf32, #tpu.memory_space<hbm>> -> memref<12288x1024xf32, #tpu.memory_space<hbm>>
    tpu.wait_indirect_dma semaphore(%arg11 : memref<!tpu.dma_semaphore, #tpu.memory_space<semaphore_mem>>) src(%dma_wait3A_419 : memref<32x1024xf32, #tpu.memory_space<vmem>>) dst(%dma_wait3A_425 : memref<12288x1024xf32, #tpu.memory_space<hbm>>)
    return
  }
}

module attributes {stable_mosaic.version = 14 : i64} {
  func.func @_ffn_body(%arg0: i32, %arg1: memref<24xi32, #tpu.memory_space<smem>>, %arg2: memref<512x1024xf32, #tpu.memory_space<vmem>>, %arg3: memref<1x1024x1024xf32, #tpu.memory_space<vmem>>, %arg4: memref<1x1x1024xf32, #tpu.memory_space<vmem>>, %arg5: memref<1x1024x1024xf32, #tpu.memory_space<vmem>>, %arg6: memref<1x1x1024xf32, #tpu.memory_space<vmem>>, %arg7: memref<512x1024xf32, #tpu.memory_space<vmem>>) attributes {dimension_semantics = [#tpu.dimension_semantics<arbitrary>], iteration_bounds = array<i64: 24>, scalar_prefetch = 1 : i64, scratch_operands = 0 : i64, tpu.core_type = #tpu.core_type<tc>, window_params = [{transform_indices = @transform_0, window_bounds = array<i64: 512, 1024>}, {transform_indices = @transform_1, window_bounds = array<i64: 1, 1024, 1024>}, {transform_indices = @transform_2, window_bounds = array<i64: 1, 1, 1024>}, {transform_indices = @transform_3, window_bounds = array<i64: 1, 1024, 1024>}, {transform_indices = @transform_4, window_bounds = array<i64: 1, 1, 1024>}, {transform_indices = @transform_5, window_bounds = array<i64: 512, 1024>}]} {
    %get3A = arith.constant 0 : index
    %get3A_0 = arith.constant 0 : index
    %get3A_1 = vector.load %arg2[%get3A, %get3A_0] : memref<512x1024xf32, #tpu.memory_space<vmem>>, vector<512x1024xf32>
    %get3A_2 = arith.constant 0 : index
    %get3A_3 = arith.constant 0 : index
    %get3A_4 = arith.constant 0 : index
    %get3A_5 = vector.load %arg3[%get3A_2, %get3A_3, %get3A_4] : memref<1x1024x1024xf32, #tpu.memory_space<vmem>>, vector<1x1024x1024xf32>
    %get3A_6 = vector.shape_cast %get3A_5 : vector<1x1024x1024xf32> to vector<1024x1024xf32>
    %dot_general3A = arith.constant dense<0.000000e+00> : vector<512x1024xf32>
    %dot_general3A_7 = tpu.matmul %get3A_1, %get3A_6, %dot_general3A {dimension_numbers = #tpu.dot_dimension_numbers<[1], [0], [0], [1], [0, 0, 1, 1], [], []>, transpose_lhs_hint = false} : vector<512x1024xf32>, vector<1024x1024xf32>, vector<512x1024xf32> -> vector<512x1024xf32>
    %get3A_8 = arith.constant 0 : index
    %get3A_9 = arith.constant 0 : index
    %get3A_10 = arith.constant 0 : index
    %get3A_11 = vector.load %arg4[%get3A_8, %get3A_9, %get3A_10] : memref<1x1x1024xf32, #tpu.memory_space<vmem>>, vector<1x1x1024xf32>
    %get3A_12 = vector.shape_cast %get3A_11 : vector<1x1x1024xf32> to vector<1x1024xf32>
    %add3A = vector.broadcast %get3A_12 : vector<1x1024xf32> to vector<512x1024xf32>
    %add3A_13 = arith.addf %dot_general3A_7, %add3A : vector<512x1024xf32>
    %max3A = arith.constant 0.000000e+00 : f32
    %max3A_14 = vector.broadcast %max3A : f32 to vector<512x1024xf32>
    %max3A_15 = arith.maximumf %add3A_13, %max3A_14 : vector<512x1024xf32>
    %get3A_16 = arith.constant 0 : index
    %get3A_17 = arith.constant 0 : index
    %get3A_18 = arith.constant 0 : index
    %get3A_19 = vector.load %arg5[%get3A_16, %get3A_17, %get3A_18] : memref<1x1024x1024xf32, #tpu.memory_space<vmem>>, vector<1x1024x1024xf32>
    %get3A_20 = vector.shape_cast %get3A_19 : vector<1x1024x1024xf32> to vector<1024x1024xf32>
    %dot_general3A_21 = arith.constant dense<0.000000e+00> : vector<512x1024xf32>
    %dot_general3A_22 = tpu.matmul %max3A_15, %get3A_20, %dot_general3A_21 {dimension_numbers = #tpu.dot_dimension_numbers<[1], [0], [0], [1], [0, 0, 1, 1], [], []>, transpose_lhs_hint = false} : vector<512x1024xf32>, vector<1024x1024xf32>, vector<512x1024xf32> -> vector<512x1024xf32>
    %get3A_23 = arith.constant 0 : index
    %get3A_24 = arith.constant 0 : index
    %get3A_25 = arith.constant 0 : index
    %get3A_26 = vector.load %arg6[%get3A_23, %get3A_24, %get3A_25] : memref<1x1x1024xf32, #tpu.memory_space<vmem>>, vector<1x1x1024xf32>
    %get3A_27 = vector.shape_cast %get3A_26 : vector<1x1x1024xf32> to vector<1x1024xf32>
    %add3A_28 = vector.broadcast %get3A_27 : vector<1x1024xf32> to vector<512x1024xf32>
    %add3A_29 = arith.addf %dot_general3A_22, %add3A_28 : vector<512x1024xf32>
    %swap3A = arith.constant 0 : index
    %swap3A_30 = arith.constant 0 : index
    %swap3A_31 = vector.load %arg7[%swap3A, %swap3A_30] : memref<512x1024xf32, #tpu.memory_space<vmem>>, vector<512x1024xf32>
    tpu.vector_store %arg7[%swap3A, %swap3A_30], %add3A_29 {strides = array<i32>} : memref<512x1024xf32, #tpu.memory_space<vmem>>, vector<512x1024xf32>,
    return
  }
  func.func @transform_0(%arg0: i32, %arg1: memref<24xi32, #tpu.memory_space<smem>>) -> (i32, i32) {
    %c0_i32 = arith.constant 0 : i32
    %c0_i32_0 = arith.constant 0 : i32
    return %arg0, %c0_i32 : i32, i32
  }
  func.func @transform_1(%arg0: i32, %arg1: memref<24xi32, #tpu.memory_space<smem>>) -> (i32, i32, i32) {
    %get3A = arith.index_cast %arg0 : i32 to index
    %get3A_0 = memref.load %arg1[%get3A] : memref<24xi32, #tpu.memory_space<smem>>
    %c0_i32 = arith.constant 0 : i32
    %c0_i32_1 = arith.constant 0 : i32
    %c0_i32_2 = arith.constant 0 : i32
    return %get3A_0, %c0_i32, %c0_i32_1 : i32, i32, i32
  }
  func.func @transform_2(%arg0: i32, %arg1: memref<24xi32, #tpu.memory_space<smem>>) -> (i32, i32, i32) {
    %get3A = arith.index_cast %arg0 : i32 to index
    %get3A_0 = memref.load %arg1[%get3A] : memref<24xi32, #tpu.memory_space<smem>>
    %c0_i32 = arith.constant 0 : i32
    %c0_i32_1 = arith.constant 0 : i32
    %c0_i32_2 = arith.constant 0 : i32
    return %get3A_0, %c0_i32, %c0_i32_1 : i32, i32, i32
  }
  func.func @transform_3(%arg0: i32, %arg1: memref<24xi32, #tpu.memory_space<smem>>) -> (i32, i32, i32) {
    %get3A = arith.index_cast %arg0 : i32 to index
    %get3A_0 = memref.load %arg1[%get3A] : memref<24xi32, #tpu.memory_space<smem>>
    %c0_i32 = arith.constant 0 : i32
    %c0_i32_1 = arith.constant 0 : i32
    %c0_i32_2 = arith.constant 0 : i32
    return %get3A_0, %c0_i32, %c0_i32_1 : i32, i32, i32
  }
  func.func @transform_4(%arg0: i32, %arg1: memref<24xi32, #tpu.memory_space<smem>>) -> (i32, i32, i32) {
    %get3A = arith.index_cast %arg0 : i32 to index
    %get3A_0 = memref.load %arg1[%get3A] : memref<24xi32, #tpu.memory_space<smem>>
    %c0_i32 = arith.constant 0 : i32
    %c0_i32_1 = arith.constant 0 : i32
    %c0_i32_2 = arith.constant 0 : i32
    return %get3A_0, %c0_i32, %c0_i32_1 : i32, i32, i32
  }
  func.func @transform_5(%arg0: i32, %arg1: memref<24xi32, #tpu.memory_space<smem>>) -> (i32, i32) {
    %c0_i32 = arith.constant 0 : i32
    %c0_i32_0 = arith.constant 0 : i32
    return %arg0, %c0_i32 : i32, i32
  }
}

module attributes {stable_mosaic.version = 14 : i64} {
  func.func @_router_body(%arg0: i32, %arg1: memref<1024x1024xf32, #tpu.memory_space<vmem>>, %arg2: memref<1024x128xf32, #tpu.memory_space<vmem>>, %arg3: memref<1x128xf32, #tpu.memory_space<vmem>>, %arg4: memref<1024x128xf32, #tpu.memory_space<vmem>>, %arg5: memref<1024x128xf32, #tpu.memory_space<vmem>>, %arg6: memref<64x128xi32, #tpu.memory_space<vmem>>, %arg7: memref<8x128xi32, #tpu.memory_space<vmem>>, %arg8: memref<32x128xi32, #tpu.memory_space<vmem>>, %arg9: memref<32x128xi32, #tpu.memory_space<vmem>>, %arg10: memref<32x128xi32, #tpu.memory_space<vmem>>, %arg11: memref<32x128xi32, #tpu.memory_space<vmem>>, %arg12: memref<8x128xf32, #tpu.memory_space<vmem>>) attributes {dimension_semantics = [#tpu.dimension_semantics<arbitrary>], iteration_bounds = array<i64: 4>, scalar_prefetch = 0 : i64, scratch_operands = 5 : i64, tpu.core_type = #tpu.core_type<tc>, window_params = [{transform_indices = @transform_0, window_bounds = array<i64: 1024, 1024>}, {pipeline_mode = #tpu.pipeline_mode<synchronous>, transform_indices = @transform_1, window_bounds = array<i64: 1024, 128>}, {pipeline_mode = #tpu.pipeline_mode<synchronous>, transform_indices = @transform_2, window_bounds = array<i64: 1, 128>}, {transform_indices = @transform_3, window_bounds = array<i64: 1024, 128>}, {transform_indices = @transform_4, window_bounds = array<i64: 1024, 128>}, {pipeline_mode = #tpu.pipeline_mode<synchronous>, transform_indices = @transform_5, window_bounds = array<i64: 64, 128>}, {pipeline_mode = #tpu.pipeline_mode<synchronous>, transform_indices = @transform_6, window_bounds = array<i64: 8, 128>}]} {
    %eq3A = arith.constant 0 : i32
    %eq3A_0 = arith.cmpi eq, %arg0, %eq3A : i32
    %convert_element_type3A = arith.extui %eq3A_0 : i1 to i32
    %cond3A = arith.constant 0 : i32
    %cond3A_1 = arith.cmpi ne, %convert_element_type3A, %cond3A : i32
    scf.if %cond3A_1 {
      %broadcast_in_dim3A_145 = arith.constant 0.000000e+00 : f32
      %broadcast_in_dim3A_146 = vector.broadcast %broadcast_in_dim3A_145 : f32 to vector<8x128xf32>
      %swap3A_147 = arith.constant 0 : index
      %swap3A_148 = arith.constant 0 : index
      %swap3A_149 = vector.load %arg12[%swap3A_147, %swap3A_148] : memref<8x128xf32, #tpu.memory_space<vmem>>, vector<8x128xf32>
      tpu.vector_store %arg12[%swap3A_147, %swap3A_148], %broadcast_in_dim3A_146 {strides = array<i32>} : memref<8x128xf32, #tpu.memory_space<vmem>>, vector<8x128xf32>,
    } else {
    }
    %get3A = arith.constant 0 : index
    %get3A_2 = arith.constant 0 : index
    %get3A_3 = vector.load %arg1[%get3A, %get3A_2] : memref<1024x1024xf32, #tpu.memory_space<vmem>>, vector<1024x1024xf32>
    %get3A_4 = arith.constant 0 : index
    %get3A_5 = arith.constant 0 : index
    %get3A_6 = vector.load %arg2[%get3A_4, %get3A_5] : memref<1024x128xf32, #tpu.memory_space<vmem>>, vector<1024x128xf32>
    %dot_general3A = arith.constant dense<0.000000e+00> : vector<1024x128xf32>
    %dot_general3A_7 = tpu.matmul %get3A_3, %get3A_6, %dot_general3A {dimension_numbers = #tpu.dot_dimension_numbers<[1], [0], [0], [1], [0, 0, 1, 1], [], []>, transpose_lhs_hint = false} : vector<1024x1024xf32>, vector<1024x128xf32>, vector<1024x128xf32> -> vector<1024x128xf32>
    %get3A_8 = arith.constant 0 : index
    %get3A_9 = arith.constant 0 : index
    %get3A_10 = vector.load %arg3[%get3A_8, %get3A_9] : memref<1x128xf32, #tpu.memory_space<vmem>>, vector<1x128xf32>
    %add3A = vector.broadcast %get3A_10 : vector<1x128xf32> to vector<1024x128xf32>
    %add3A_11 = arith.addf %dot_general3A_7, %add3A : vector<1024x128xf32>
    %swap3A = arith.constant 0 : index
    %swap3A_12 = arith.constant 0 : index
    %swap3A_13 = vector.load %arg4[%swap3A, %swap3A_12] : memref<1024x128xf32, #tpu.memory_space<vmem>>, vector<1024x128xf32>
    tpu.vector_store %arg4[%swap3A, %swap3A_12], %add3A_11 {strides = array<i32>} : memref<1024x128xf32, #tpu.memory_space<vmem>>, vector<1024x128xf32>,
    %iota3A = tpu.iota {dimensions = array<i32: 1>} : vector<1024x128xi32>
    %lt3A = arith.constant 8 : i32
    %lt3A_14 = vector.broadcast %lt3A : i32 to vector<1024x128xi32>
    %lt3A_15 = arith.cmpi slt, %iota3A, %lt3A_14 : vector<1024x128xi32>
    %div3A = arith.constant 1.000000e+00 : f32
    %div3A_16 = vector.broadcast %div3A : f32 to vector<1024x128xf32>
    %div3A_17 = arith.divf %add3A_11, %div3A_16 : vector<1024x128xf32>
    %jit3A = arith.constant -1.000000e+30 : f32
    %broadcast_in_dim3A = vector.broadcast %jit3A : f32 to vector<1024x128xf32>
    %select_n3A = arith.select %lt3A_15, %div3A_17, %broadcast_in_dim3A : vector<1024x128xi1>, vector<1024x128xf32>
    %reduce_max3A = arith.constant dense<0xFF800000> : vector<1024xf32>
    %reduce_max3A_18 = vector.multi_reduction <maximumf>, %select_n3A, %reduce_max3A [1] : vector<1024x128xf32> to vector<1024xf32>
    %broadcast_in_dim3A_19 = vector.shape_cast %reduce_max3A_18 : vector<1024xf32> to vector<1024x1xf32>
    %sub3A = vector.broadcast %broadcast_in_dim3A_19 : vector<1024x1xf32> to vector<1024x128xf32>
    %sub3A_20 = arith.subf %select_n3A, %sub3A : vector<1024x128xf32>
    %exp3A = math.exp %sub3A_20 : vector<1024x128xf32>
    %jit3A_21 = arith.constant 0.000000e+00 : f32
    %broadcast_in_dim3A_22 = vector.broadcast %jit3A_21 : f32 to vector<1024x128xf32>
    %select_n3A_23 = arith.select %lt3A_15, %exp3A, %broadcast_in_dim3A_22 : vector<1024x128xi1>, vector<1024x128xf32>
    %reduce_sum3A = arith.constant dense<0.000000e+00> : vector<1024xf32>
    %reduce_sum3A_24 = vector.multi_reduction <add>, %select_n3A_23, %reduce_sum3A [1] : vector<1024x128xf32> to vector<1024xf32>
    %broadcast_in_dim3A_25 = vector.shape_cast %reduce_sum3A_24 : vector<1024xf32> to vector<1024x1xf32>
    %div3A_26 = vector.broadcast %broadcast_in_dim3A_25 : vector<1024x1xf32> to vector<1024x128xf32>
    %div3A_27 = arith.divf %select_n3A_23, %div3A_26 : vector<1024x128xf32>
    %reduce_max3A_28 = arith.constant dense<0xFF800000> : vector<1024xf32>
    %reduce_max3A_29 = vector.multi_reduction <maximumf>, %div3A_27, %reduce_max3A_28 [1] : vector<1024x128xf32> to vector<1024xf32>
    %broadcast_in_dim3A_30 = vector.shape_cast %reduce_max3A_29 : vector<1024xf32> to vector<1024x1xf32>
    %eq3A_31 = vector.broadcast %broadcast_in_dim3A_30 : vector<1024x1xf32> to vector<1024x128xf32>
    %eq3A_32 = arith.cmpf oeq, %div3A_27, %eq3A_31 : vector<1024x128xf32>
    %and3A = arith.andi %eq3A_32, %lt3A_15 : vector<1024x128xi1>
    %jit3A_33 = arith.constant 9999 : i32
    %broadcast_in_dim3A_34 = vector.broadcast %jit3A_33 : i32 to vector<1024x128xi32>
    %select_n3A_35 = arith.select %and3A, %iota3A, %broadcast_in_dim3A_34 : vector<1024x128xi1>, vector<1024x128xi32>
    %reduce_min3A = arith.constant dense<2147483647> : vector<1024xi32>
    %reduce_min3A_36 = vector.multi_reduction <minsi>, %select_n3A_35, %reduce_min3A [1] : vector<1024x128xi32> to vector<1024xi32>
    %broadcast_in_dim3A_37 = vector.shape_cast %reduce_min3A_36 : vector<1024xi32> to vector<1024x1xi32>
    %eq3A_38 = vector.broadcast %broadcast_in_dim3A_37 : vector<1024x1xi32> to vector<1024x128xi32>
    %eq3A_39 = arith.cmpi eq, %iota3A, %eq3A_38 : vector<1024x128xi32>
    %not3A = arith.constant dense<true> : vector<1024x128xi1>
    %not3A_40 = arith.xori %lt3A_15, %not3A : vector<1024x128xi1>
    %or3A = arith.ori %eq3A_39, %not3A_40 : vector<1024x128xi1>
    %jit3A_41 = arith.constant -1.000000e+00 : f32
    %broadcast_in_dim3A_42 = vector.broadcast %jit3A_41 : f32 to vector<1024x128xf32>
    %select_n3A_43 = arith.select %or3A, %broadcast_in_dim3A_42, %div3A_27 : vector<1024x128xi1>, vector<1024x128xf32>
    %reduce_max3A_44 = arith.constant dense<0xFF800000> : vector<1024xf32>
    %reduce_max3A_45 = vector.multi_reduction <maximumf>, %select_n3A_43, %reduce_max3A_44 [1] : vector<1024x128xf32> to vector<1024xf32>
    %broadcast_in_dim3A_46 = vector.shape_cast %reduce_max3A_45 : vector<1024xf32> to vector<1024x1xf32>
    %eq3A_47 = vector.broadcast %broadcast_in_dim3A_46 : vector<1024x1xf32> to vector<1024x128xf32>
    %eq3A_48 = arith.cmpf oeq, %select_n3A_43, %eq3A_47 : vector<1024x128xf32>
    %jit3A_49 = arith.constant 9999 : i32
    %broadcast_in_dim3A_50 = vector.broadcast %jit3A_49 : i32 to vector<1024x128xi32>
    %select_n3A_51 = arith.select %eq3A_48, %iota3A, %broadcast_in_dim3A_50 : vector<1024x128xi1>, vector<1024x128xi32>
    %reduce_min3A_52 = arith.constant dense<2147483647> : vector<1024xi32>
    %reduce_min3A_53 = vector.multi_reduction <minsi>, %select_n3A_51, %reduce_min3A_52 [1] : vector<1024x128xi32> to vector<1024xi32>
    %broadcast_in_dim3A_54 = vector.shape_cast %reduce_min3A_53 : vector<1024xi32> to vector<1024x1xi32>
    %eq3A_55 = vector.broadcast %broadcast_in_dim3A_54 : vector<1024x1xi32> to vector<1024x128xi32>
    %eq3A_56 = arith.cmpi eq, %iota3A, %eq3A_55 : vector<1024x128xi32>
    %add3A_57 = arith.addf %broadcast_in_dim3A_30, %broadcast_in_dim3A_46 : vector<1024x1xf32>
    %add3A_58 = arith.constant 9.99999971E-10 : f32
    %add3A_59 = vector.broadcast %add3A_58 : f32 to vector<1024x1xf32>
    %add3A_60 = arith.addf %add3A_57, %add3A_59 : vector<1024x1xf32>
    %div3A_61 = arith.divf %broadcast_in_dim3A_30, %add3A_60 : vector<1024x1xf32>
    %div3A_62 = arith.divf %broadcast_in_dim3A_46, %add3A_60 : vector<1024x1xf32>
    %convert_element_type3A_63 = arith.extui %eq3A_39 : vector<1024x128xi1> to vector<1024x128xi32>
    %convert_element_type3A_64 = arith.sitofp %convert_element_type3A_63 : vector<1024x128xi32> to vector<1024x128xf32>
    %convert_element_type3A_65 = arith.extui %eq3A_56 : vector<1024x128xi1> to vector<1024x128xi32>
    %convert_element_type3A_66 = arith.sitofp %convert_element_type3A_65 : vector<1024x128xi32> to vector<1024x128xf32>
    %add3A_67 = arith.addf %convert_element_type3A_64, %convert_element_type3A_66 : vector<1024x128xf32>
    %iota3A_68 = tpu.iota {dimensions = array<i32: 0>} : vector<1024x1024xi32>
    %iota3A_69 = tpu.iota {dimensions = array<i32: 1>} : vector<1024x1024xi32>
    %gt3A = arith.cmpi sgt, %iota3A_68, %iota3A_69 : vector<1024x1024xi32>
    %convert_element_type3A_70 = arith.extui %gt3A : vector<1024x1024xi1> to vector<1024x1024xi32>
    %convert_element_type3A_71 = arith.sitofp %convert_element_type3A_70 : vector<1024x1024xi32> to vector<1024x1024xf32>
    %dot_general3A_72 = arith.constant dense<0.000000e+00> : vector<1024x128xf32>
    %dot_general3A_73 = tpu.matmul %convert_element_type3A_71, %add3A_67, %dot_general3A_72 {dimension_numbers = #tpu.dot_dimension_numbers<[1], [0], [0], [1], [0, 0, 1, 1], [], []>, transpose_lhs_hint = false} : vector<1024x1024xf32>, vector<1024x128xf32>, vector<1024x128xf32> -> vector<1024x128xf32>
    %get3A_74 = arith.constant 0 : index
    %get3A_75 = arith.constant 0 : index
    %get3A_76 = vector.load %arg12[%get3A_74, %get3A_75] : memref<8x128xf32, #tpu.memory_space<vmem>>, vector<1x128xf32>
    %add3A_77 = vector.broadcast %get3A_76 : vector<1x128xf32> to vector<1024x128xf32>
    %add3A_78 = arith.addf %add3A_77, %dot_general3A_73 : vector<1024x128xf32>
    %jit3A_79 = arith.constant 0.000000e+00 : f32
    %broadcast_in_dim3A_80 = vector.broadcast %jit3A_79 : f32 to vector<1024x128xf32>
    %select_n3A_81 = arith.select %eq3A_39, %add3A_78, %broadcast_in_dim3A_80 : vector<1024x128xi1>, vector<1024x128xf32>
    %reduce_sum3A_82 = arith.constant dense<0.000000e+00> : vector<1024xf32>
    %reduce_sum3A_83 = vector.multi_reduction <add>, %select_n3A_81, %reduce_sum3A_82 [1] : vector<1024x128xf32> to vector<1024xf32>
    %broadcast_in_dim3A_84 = vector.shape_cast %reduce_sum3A_83 : vector<1024xf32> to vector<1024x1xf32>
    %add3A_85 = vector.broadcast %get3A_76 : vector<1x128xf32> to vector<1024x128xf32>
    %add3A_86 = arith.addf %add3A_85, %dot_general3A_73 : vector<1024x128xf32>
    %jit3A_87 = arith.constant 0.000000e+00 : f32
    %broadcast_in_dim3A_88 = vector.broadcast %jit3A_87 : f32 to vector<1024x128xf32>
    %select_n3A_89 = arith.select %eq3A_56, %add3A_86, %broadcast_in_dim3A_88 : vector<1024x128xi1>, vector<1024x128xf32>
    %reduce_sum3A_90 = arith.constant dense<0.000000e+00> : vector<1024xf32>
    %reduce_sum3A_91 = vector.multi_reduction <add>, %select_n3A_89, %reduce_sum3A_90 [1] : vector<1024x128xf32> to vector<1024xf32>
    %broadcast_in_dim3A_92 = vector.shape_cast %reduce_sum3A_91 : vector<1024xf32> to vector<1024x1xf32>
    %slice3A = vector.extract_strided_slice %dot_general3A_73 {offsets = [1023, 0], sizes = [1, 128], strides = [1, 1]} : vector<1024x128xf32> to vector<1x128xf32>
    %add3A_93 = arith.addf %get3A_76, %slice3A : vector<1x128xf32>
    %slice3A_94 = vector.extract_strided_slice %add3A_67 {offsets = [1023, 0], sizes = [1, 128], strides = [1, 1]} : vector<1024x128xf32> to vector<1x128xf32>
    %add3A_95 = arith.addf %add3A_93, %slice3A_94 : vector<1x128xf32>
    %swap3A_96 = arith.constant 0 : index
    %swap3A_97 = arith.constant 0 : index
    %swap3A_98 = vector.load %arg12[%swap3A_96, %swap3A_97] : memref<8x128xf32, #tpu.memory_space<vmem>>, vector<1x128xf32>
    tpu.vector_store %arg12[%swap3A_96, %swap3A_97], %add3A_95 {strides = array<i32>} : memref<8x128xf32, #tpu.memory_space<vmem>>, vector<1x128xf32>,
    %eq3A_99 = arith.constant 0 : i32
    %eq3A_100 = vector.broadcast %eq3A_99 : i32 to vector<1024x128xi32>
    %eq3A_101 = arith.cmpi eq, %iota3A, %eq3A_100 : vector<1024x128xi32>
    %eq3A_102 = arith.constant 1 : i32
    %eq3A_103 = vector.broadcast %eq3A_102 : i32 to vector<1024x128xi32>
    %eq3A_104 = arith.cmpi eq, %iota3A, %eq3A_103 : vector<1024x128xi32>
    %jit3A_105 = arith.constant 0.000000e+00 : f32
    %broadcast_in_dim3A_106 = vector.shape_cast %div3A_62 : vector<1024x1xf32> to vector<1024x1xf32>
    %broadcast_in_dim3A_107 = vector.broadcast %broadcast_in_dim3A_106 : vector<1024x1xf32> to vector<1024x128xf32>
    %broadcast_in_dim3A_108 = vector.broadcast %jit3A_105 : f32 to vector<1024x128xf32>
    %select_n3A_109 = arith.select %eq3A_104, %broadcast_in_dim3A_107, %broadcast_in_dim3A_108 : vector<1024x128xi1>, vector<1024x128xf32>
    %broadcast_in_dim3A_110 = vector.shape_cast %div3A_61 : vector<1024x1xf32> to vector<1024x1xf32>
    %broadcast_in_dim3A_111 = vector.broadcast %broadcast_in_dim3A_110 : vector<1024x1xf32> to vector<1024x128xf32>
    %select_n3A_112 = arith.select %eq3A_101, %broadcast_in_dim3A_111, %select_n3A_109 : vector<1024x128xi1>, vector<1024x128xf32>
    %swap3A_113 = arith.constant 0 : index
    %swap3A_114 = arith.constant 0 : index
    %swap3A_115 = vector.load %arg5[%swap3A_113, %swap3A_114] : memref<1024x128xf32, #tpu.memory_space<vmem>>, vector<1024x128xf32>
    tpu.vector_store %arg5[%swap3A_113, %swap3A_114], %select_n3A_112 {strides = array<i32>} : memref<1024x128xf32, #tpu.memory_space<vmem>>, vector<1024x128xf32>,
    %reshape3A = vector.shape_cast %broadcast_in_dim3A_37 : vector<1024x1xi32> to vector<8x128xi32>
    %mul3A = arith.constant 8 : i32
    %mul3A_116 = arith.muli %arg0, %mul3A : i32
    %swap3A_117 = arith.index_cast %mul3A_116 : i32 to index
    %swap3A_118 = arith.constant 0 : index
    %swap3A_119 = vector.load %arg8[%swap3A_117, %swap3A_118] : memref<32x128xi32, #tpu.memory_space<vmem>>, vector<8x128xi32>
    tpu.vector_store %arg8[%swap3A_117, %swap3A_118], %reshape3A {strides = array<i32>} : memref<32x128xi32, #tpu.memory_space<vmem>>, vector<8x128xi32>,
    %reshape3A_120 = vector.shape_cast %broadcast_in_dim3A_54 : vector<1024x1xi32> to vector<8x128xi32>
    %mul3A_121 = arith.constant 8 : i32
    %mul3A_122 = arith.muli %arg0, %mul3A_121 : i32
    %swap3A_123 = arith.index_cast %mul3A_122 : i32 to index
    %swap3A_124 = arith.constant 0 : index
    %swap3A_125 = vector.load %arg9[%swap3A_123, %swap3A_124] : memref<32x128xi32, #tpu.memory_space<vmem>>, vector<8x128xi32>
    tpu.vector_store %arg9[%swap3A_123, %swap3A_124], %reshape3A_120 {strides = array<i32>} : memref<32x128xi32, #tpu.memory_space<vmem>>, vector<8x128xi32>,
    %convert_element_type3A_126 = arith.fptosi %broadcast_in_dim3A_84 : vector<1024x1xf32> to vector<1024x1xi32>
    %reshape3A_127 = vector.shape_cast %convert_element_type3A_126 : vector<1024x1xi32> to vector<8x128xi32>
    %mul3A_128 = arith.constant 8 : i32
    %mul3A_129 = arith.muli %arg0, %mul3A_128 : i32
    %swap3A_130 = arith.index_cast %mul3A_129 : i32 to index
    %swap3A_131 = arith.constant 0 : index
    %swap3A_132 = vector.load %arg10[%swap3A_130, %swap3A_131] : memref<32x128xi32, #tpu.memory_space<vmem>>, vector<8x128xi32>
    tpu.vector_store %arg10[%swap3A_130, %swap3A_131], %reshape3A_127 {strides = array<i32>} : memref<32x128xi32, #tpu.memory_space<vmem>>, vector<8x128xi32>,
    %convert_element_type3A_133 = arith.fptosi %broadcast_in_dim3A_92 : vector<1024x1xf32> to vector<1024x1xi32>
    %reshape3A_134 = vector.shape_cast %convert_element_type3A_133 : vector<1024x1xi32> to vector<8x128xi32>
    %mul3A_135 = arith.constant 8 : i32
    %mul3A_136 = arith.muli %arg0, %mul3A_135 : i32
    %swap3A_137 = arith.index_cast %mul3A_136 : i32 to index
    %swap3A_138 = arith.constant 0 : index
    %swap3A_139 = vector.load %arg11[%swap3A_137, %swap3A_138] : memref<32x128xi32, #tpu.memory_space<vmem>>, vector<8x128xi32>
    tpu.vector_store %arg11[%swap3A_137, %swap3A_138], %reshape3A_134 {strides = array<i32>} : memref<32x128xi32, #tpu.memory_space<vmem>>, vector<8x128xi32>,
    %eq3A_140 = arith.constant 3 : i32
    %eq3A_141 = arith.cmpi eq, %arg0, %eq3A_140 : i32
    %convert_element_type3A_142 = arith.extui %eq3A_141 : i1 to i32
    %cond3A_143 = arith.constant 0 : i32
    %cond3A_144 = arith.cmpi ne, %convert_element_type3A_142, %cond3A_143 : i32
    scf.if %cond3A_144 {
      %convert_element_type3A_145 = arith.fptosi %add3A_95 : vector<1x128xf32> to vector<1x128xi32>
      %add3A_146 = arith.constant 512 : i32
      %add3A_147 = vector.broadcast %add3A_146 : i32 to vector<1x128xi32>
      %add3A_148 = arith.addi %convert_element_type3A_145, %add3A_147 : vector<1x128xi32>
      %sub3A_149 = arith.constant 1 : i32
      %sub3A_150 = vector.broadcast %sub3A_149 : i32 to vector<1x128xi32>
      %sub3A_151 = arith.subi %add3A_148, %sub3A_150 : vector<1x128xi32>
      %jit3A_152 = arith.constant 512 : i32
      %div3A_153 = vector.broadcast %jit3A_152 : i32 to vector<1x128xi32>
      %div3A_154 = arith.divsi %sub3A_151, %div3A_153 : vector<1x128xi32>
      %sign3A = arith.constant 0 : i32
      %sign3A_155 = vector.broadcast %sign3A : i32 to vector<1x128xi32>
      %sign3A_156 = arith.cmpi sgt, %sub3A_151, %sign3A_155 : vector<1x128xi32>
      %sign3A_157 = arith.extui %sign3A_156 : vector<1x128xi1> to vector<1x128xi32>
      %sign3A_158 = arith.constant 0 : i32
      %sign3A_159 = vector.broadcast %sign3A_158 : i32 to vector<1x128xi32>
      %sign3A_160 = arith.cmpi slt, %sub3A_151, %sign3A_159 : vector<1x128xi32>
      %sign3A_161 = arith.extui %sign3A_160 : vector<1x128xi1> to vector<1x128xi32>
      %sign3A_162 = arith.subi %sign3A_157, %sign3A_161 : vector<1x128xi32>
      %sign3A_163 = arith.constant 0 : i32
      %sign3A_164 = arith.cmpi sgt, %jit3A_152, %sign3A_163 : i32
      %sign3A_165 = arith.extui %sign3A_164 : i1 to i32
      %sign3A_166 = arith.constant 0 : i32
      %sign3A_167 = arith.cmpi slt, %jit3A_152, %sign3A_166 : i32
      %sign3A_168 = arith.extui %sign3A_167 : i1 to i32
      %sign3A_169 = arith.subi %sign3A_165, %sign3A_168 : i32
      %ne3A = vector.broadcast %sign3A_169 : i32 to vector<1x128xi32>
      %ne3A_170 = arith.cmpi ne, %sign3A_162, %ne3A : vector<1x128xi32>
      %rem3A = vector.broadcast %jit3A_152 : i32 to vector<1x128xi32>
      %rem3A_171 = arith.remsi %sub3A_151, %rem3A : vector<1x128xi32>
      %ne3A_172 = arith.constant 0 : i32
      %ne3A_173 = vector.broadcast %ne3A_172 : i32 to vector<1x128xi32>
      %ne3A_174 = arith.cmpi ne, %rem3A_171, %ne3A_173 : vector<1x128xi32>
      %and3A_175 = arith.andi %ne3A_170, %ne3A_174 : vector<1x128xi1>
      %sub3A_176 = arith.constant 1 : i32
      %sub3A_177 = vector.broadcast %sub3A_176 : i32 to vector<1x128xi32>
      %sub3A_178 = arith.subi %div3A_154, %sub3A_177 : vector<1x128xi32>
      %select_n3A_179 = arith.select %and3A_175, %sub3A_178, %div3A_154 : vector<1x128xi1>, vector<1x128xi32>
      %mul3A_180 = arith.constant 512 : i32
      %mul3A_181 = vector.broadcast %mul3A_180 : i32 to vector<1x128xi32>
      %mul3A_182 = arith.muli %select_n3A_179, %mul3A_181 : vector<1x128xi32>
      %get3A_183 = arith.constant 0 : index
      %get3A_184 = arith.constant 0 : index
      %get3A_185 = vector.load %arg8[%get3A_183, %get3A_184] : memref<32x128xi32, #tpu.memory_space<vmem>>, vector<32x128xi32>
      %get3A_186 = arith.constant 0 : index
      %get3A_187 = arith.constant 0 : index
      %get3A_188 = vector.load %arg9[%get3A_186, %get3A_187] : memref<32x128xi32, #tpu.memory_space<vmem>>, vector<32x128xi32>
      %broadcast_in_dim3A_189 = arith.constant 0 : i32
      %broadcast_in_dim3A_190 = vector.broadcast %broadcast_in_dim3A_189 : i32 to vector<32x128xi32>
      %broadcast_in_dim3A_191 = arith.constant 0 : i32
      %broadcast_in_dim3A_192 = vector.broadcast %broadcast_in_dim3A_191 : i32 to vector<32x128xi32>
      %broadcast_in_dim3A_193 = arith.constant 0 : i32
      %broadcast_in_dim3A_194 = vector.broadcast %broadcast_in_dim3A_193 : i32 to vector<1x1xi32>
      %broadcast_in_dim3A_195 = arith.constant 0 : i32
      %broadcast_in_dim3A_196 = vector.broadcast %broadcast_in_dim3A_195 : i32 to vector<1x1xi32>
      %iota3A_197 = tpu.iota {dimensions = array<i32: 1>} : vector<1x128xi32>
      %broadcast_in_dim3A_198 = arith.constant 0 : i32
      %broadcast_in_dim3A_199 = vector.broadcast %broadcast_in_dim3A_198 : i32 to vector<1x128xi32>
      %eq3A_200 = arith.constant 0 : i32
      %eq3A_201 = vector.broadcast %eq3A_200 : i32 to vector<32x128xi32>
      %eq3A_202 = arith.cmpi eq, %get3A_185, %eq3A_201 : vector<32x128xi32>
      %broadcast_in_dim3A_203 = vector.shape_cast %broadcast_in_dim3A_194 : vector<1x1xi32> to vector<1x1xi32>
      %broadcast_in_dim3A_204 = vector.broadcast %broadcast_in_dim3A_203 : vector<1x1xi32> to vector<32x128xi32>
      %select_n3A_205 = arith.select %eq3A_202, %broadcast_in_dim3A_204, %broadcast_in_dim3A_190 : vector<32x128xi1>, vector<32x128xi32>
      %eq3A_206 = arith.constant 0 : i32
      %eq3A_207 = vector.broadcast %eq3A_206 : i32 to vector<32x128xi32>
      %eq3A_208 = arith.cmpi eq, %get3A_188, %eq3A_207 : vector<32x128xi32>
      %broadcast_in_dim3A_209 = vector.shape_cast %broadcast_in_dim3A_194 : vector<1x1xi32> to vector<1x1xi32>
      %broadcast_in_dim3A_210 = vector.broadcast %broadcast_in_dim3A_209 : vector<1x1xi32> to vector<32x128xi32>
      %select_n3A_211 = arith.select %eq3A_208, %broadcast_in_dim3A_210, %broadcast_in_dim3A_192 : vector<32x128xi1>, vector<32x128xi32>
      %slice3A_212 = vector.extract_strided_slice %mul3A_182 {offsets = [0, 0], sizes = [1, 1], strides = [1, 1]} : vector<1x128xi32> to vector<1x1xi32>
      %add3A_213 = arith.addi %broadcast_in_dim3A_194, %slice3A_212 : vector<1x1xi32>
      %slice3A_214 = vector.extract_strided_slice %mul3A_182 {offsets = [0, 0], sizes = [1, 1], strides = [1, 1]} : vector<1x128xi32> to vector<1x1xi32>
      %jit3A_215 = arith.constant 512 : i32
      %div3A_216 = vector.broadcast %jit3A_215 : i32 to vector<1x1xi32>
      %div3A_217 = arith.divsi %slice3A_214, %div3A_216 : vector<1x1xi32>
      %sign3A_218 = arith.constant 0 : i32
      %sign3A_219 = vector.broadcast %sign3A_218 : i32 to vector<1x1xi32>
      %sign3A_220 = arith.cmpi sgt, %slice3A_214, %sign3A_219 : vector<1x1xi32>
      %sign3A_221 = arith.extui %sign3A_220 : vector<1x1xi1> to vector<1x1xi32>
      %sign3A_222 = arith.constant 0 : i32
      %sign3A_223 = vector.broadcast %sign3A_222 : i32 to vector<1x1xi32>
      %sign3A_224 = arith.cmpi slt, %slice3A_214, %sign3A_223 : vector<1x1xi32>
      %sign3A_225 = arith.extui %sign3A_224 : vector<1x1xi1> to vector<1x1xi32>
      %sign3A_226 = arith.subi %sign3A_221, %sign3A_225 : vector<1x1xi32>
      %sign3A_227 = arith.constant 0 : i32
      %sign3A_228 = arith.cmpi sgt, %jit3A_215, %sign3A_227 : i32
      %sign3A_229 = arith.extui %sign3A_228 : i1 to i32
      %sign3A_230 = arith.constant 0 : i32
      %sign3A_231 = arith.cmpi slt, %jit3A_215, %sign3A_230 : i32
      %sign3A_232 = arith.extui %sign3A_231 : i1 to i32
      %sign3A_233 = arith.subi %sign3A_229, %sign3A_232 : i32
      %ne3A_234 = vector.broadcast %sign3A_233 : i32 to vector<1x1xi32>
      %ne3A_235 = arith.cmpi ne, %sign3A_226, %ne3A_234 : vector<1x1xi32>
      %rem3A_236 = vector.broadcast %jit3A_215 : i32 to vector<1x1xi32>
      %rem3A_237 = arith.remsi %slice3A_214, %rem3A_236 : vector<1x1xi32>
      %ne3A_238 = arith.constant 0 : i32
      %ne3A_239 = vector.broadcast %ne3A_238 : i32 to vector<1x1xi32>
      %ne3A_240 = arith.cmpi ne, %rem3A_237, %ne3A_239 : vector<1x1xi32>
      %and3A_241 = arith.andi %ne3A_235, %ne3A_240 : vector<1x1xi1>
      %sub3A_242 = arith.constant 1 : i32
      %sub3A_243 = vector.broadcast %sub3A_242 : i32 to vector<1x1xi32>
      %sub3A_244 = arith.subi %div3A_217, %sub3A_243 : vector<1x1xi32>
      %select_n3A_245 = arith.select %and3A_241, %sub3A_244, %div3A_217 : vector<1x1xi1>, vector<1x1xi32>
      %add3A_246 = arith.addi %broadcast_in_dim3A_196, %select_n3A_245 : vector<1x1xi32>
      %ge3A = vector.broadcast %add3A_246 : vector<1x1xi32> to vector<1x128xi32>
      %ge3A_247 = arith.cmpi sge, %iota3A_197, %ge3A : vector<1x128xi32>
      %convert_element_type3A_248 = arith.extui %ge3A_247 : vector<1x128xi1> to vector<1x128xi32>
      %add3A_249 = arith.addi %broadcast_in_dim3A_199, %convert_element_type3A_248 : vector<1x128xi32>
      %eq3A_250 = arith.constant 1 : i32
      %eq3A_251 = vector.broadcast %eq3A_250 : i32 to vector<32x128xi32>
      %eq3A_252 = arith.cmpi eq, %get3A_185, %eq3A_251 : vector<32x128xi32>
      %broadcast_in_dim3A_253 = vector.shape_cast %add3A_213 : vector<1x1xi32> to vector<1x1xi32>
      %broadcast_in_dim3A_254 = vector.broadcast %broadcast_in_dim3A_253 : vector<1x1xi32> to vector<32x128xi32>
      %select_n3A_255 = arith.select %eq3A_252, %broadcast_in_dim3A_254, %select_n3A_205 : vector<32x128xi1>, vector<32x128xi32>
      %eq3A_256 = arith.constant 1 : i32
      %eq3A_257 = vector.broadcast %eq3A_256 : i32 to vector<32x128xi32>
      %eq3A_258 = arith.cmpi eq, %get3A_188, %eq3A_257 : vector<32x128xi32>
      %broadcast_in_dim3A_259 = vector.shape_cast %add3A_213 : vector<1x1xi32> to vector<1x1xi32>
      %broadcast_in_dim3A_260 = vector.broadcast %broadcast_in_dim3A_259 : vector<1x1xi32> to vector<32x128xi32>
      %select_n3A_261 = arith.select %eq3A_258, %broadcast_in_dim3A_260, %select_n3A_211 : vector<32x128xi1>, vector<32x128xi32>
      %slice3A_262 = vector.extract_strided_slice %mul3A_182 {offsets = [0, 1], sizes = [1, 1], strides = [1, 1]} : vector<1x128xi32> to vector<1x1xi32>
      %add3A_263 = arith.addi %add3A_213, %slice3A_262 : vector<1x1xi32>
      %slice3A_264 = vector.extract_strided_slice %mul3A_182 {offsets = [0, 1], sizes = [1, 1], strides = [1, 1]} : vector<1x128xi32> to vector<1x1xi32>
      %jit3A_265 = arith.constant 512 : i32
      %div3A_266 = vector.broadcast %jit3A_265 : i32 to vector<1x1xi32>
      %div3A_267 = arith.divsi %slice3A_264, %div3A_266 : vector<1x1xi32>
      %sign3A_268 = arith.constant 0 : i32
      %sign3A_269 = vector.broadcast %sign3A_268 : i32 to vector<1x1xi32>
      %sign3A_270 = arith.cmpi sgt, %slice3A_264, %sign3A_269 : vector<1x1xi32>
      %sign3A_271 = arith.extui %sign3A_270 : vector<1x1xi1> to vector<1x1xi32>
      %sign3A_272 = arith.constant 0 : i32
      %sign3A_273 = vector.broadcast %sign3A_272 : i32 to vector<1x1xi32>
      %sign3A_274 = arith.cmpi slt, %slice3A_264, %sign3A_273 : vector<1x1xi32>
      %sign3A_275 = arith.extui %sign3A_274 : vector<1x1xi1> to vector<1x1xi32>
      %sign3A_276 = arith.subi %sign3A_271, %sign3A_275 : vector<1x1xi32>
      %sign3A_277 = arith.constant 0 : i32
      %sign3A_278 = arith.cmpi sgt, %jit3A_265, %sign3A_277 : i32
      %sign3A_279 = arith.extui %sign3A_278 : i1 to i32
      %sign3A_280 = arith.constant 0 : i32
      %sign3A_281 = arith.cmpi slt, %jit3A_265, %sign3A_280 : i32
      %sign3A_282 = arith.extui %sign3A_281 : i1 to i32
      %sign3A_283 = arith.subi %sign3A_279, %sign3A_282 : i32
      %ne3A_284 = vector.broadcast %sign3A_283 : i32 to vector<1x1xi32>
      %ne3A_285 = arith.cmpi ne, %sign3A_276, %ne3A_284 : vector<1x1xi32>
      %rem3A_286 = vector.broadcast %jit3A_265 : i32 to vector<1x1xi32>
      %rem3A_287 = arith.remsi %slice3A_264, %rem3A_286 : vector<1x1xi32>
      %ne3A_288 = arith.constant 0 : i32
      %ne3A_289 = vector.broadcast %ne3A_288 : i32 to vector<1x1xi32>
      %ne3A_290 = arith.cmpi ne, %rem3A_287, %ne3A_289 : vector<1x1xi32>
      %and3A_291 = arith.andi %ne3A_285, %ne3A_290 : vector<1x1xi1>
      %sub3A_292 = arith.constant 1 : i32
      %sub3A_293 = vector.broadcast %sub3A_292 : i32 to vector<1x1xi32>
      %sub3A_294 = arith.subi %div3A_267, %sub3A_293 : vector<1x1xi32>
      %select_n3A_295 = arith.select %and3A_291, %sub3A_294, %div3A_267 : vector<1x1xi1>, vector<1x1xi32>
      %add3A_296 = arith.addi %add3A_246, %select_n3A_295 : vector<1x1xi32>
      %ge3A_297 = vector.broadcast %add3A_296 : vector<1x1xi32> to vector<1x128xi32>
      %ge3A_298 = arith.cmpi sge, %iota3A_197, %ge3A_297 : vector<1x128xi32>
      %convert_element_type3A_299 = arith.extui %ge3A_298 : vector<1x128xi1> to vector<1x128xi32>
      %add3A_300 = arith.addi %add3A_249, %convert_element_type3A_299 : vector<1x128xi32>
      %eq3A_301 = arith.constant 2 : i32
      %eq3A_302 = vector.broadcast %eq3A_301 : i32 to vector<32x128xi32>
      %eq3A_303 = arith.cmpi eq, %get3A_185, %eq3A_302 : vector<32x128xi32>
      %broadcast_in_dim3A_304 = vector.shape_cast %add3A_263 : vector<1x1xi32> to vector<1x1xi32>
      %broadcast_in_dim3A_305 = vector.broadcast %broadcast_in_dim3A_304 : vector<1x1xi32> to vector<32x128xi32>
      %select_n3A_306 = arith.select %eq3A_303, %broadcast_in_dim3A_305, %select_n3A_255 : vector<32x128xi1>, vector<32x128xi32>
      %eq3A_307 = arith.constant 2 : i32
      %eq3A_308 = vector.broadcast %eq3A_307 : i32 to vector<32x128xi32>
      %eq3A_309 = arith.cmpi eq, %get3A_188, %eq3A_308 : vector<32x128xi32>
      %broadcast_in_dim3A_310 = vector.shape_cast %add3A_263 : vector<1x1xi32> to vector<1x1xi32>
      %broadcast_in_dim3A_311 = vector.broadcast %broadcast_in_dim3A_310 : vector<1x1xi32> to vector<32x128xi32>
      %select_n3A_312 = arith.select %eq3A_309, %broadcast_in_dim3A_311, %select_n3A_261 : vector<32x128xi1>, vector<32x128xi32>
      %slice3A_313 = vector.extract_strided_slice %mul3A_182 {offsets = [0, 2], sizes = [1, 1], strides = [1, 1]} : vector<1x128xi32> to vector<1x1xi32>
      %add3A_314 = arith.addi %add3A_263, %slice3A_313 : vector<1x1xi32>
      %slice3A_315 = vector.extract_strided_slice %mul3A_182 {offsets = [0, 2], sizes = [1, 1], strides = [1, 1]} : vector<1x128xi32> to vector<1x1xi32>
      %jit3A_316 = arith.constant 512 : i32
      %div3A_317 = vector.broadcast %jit3A_316 : i32 to vector<1x1xi32>
      %div3A_318 = arith.divsi %slice3A_315, %div3A_317 : vector<1x1xi32>
      %sign3A_319 = arith.constant 0 : i32
      %sign3A_320 = vector.broadcast %sign3A_319 : i32 to vector<1x1xi32>
      %sign3A_321 = arith.cmpi sgt, %slice3A_315, %sign3A_320 : vector<1x1xi32>
      %sign3A_322 = arith.extui %sign3A_321 : vector<1x1xi1> to vector<1x1xi32>
      %sign3A_323 = arith.constant 0 : i32
      %sign3A_324 = vector.broadcast %sign3A_323 : i32 to vector<1x1xi32>
      %sign3A_325 = arith.cmpi slt, %slice3A_315, %sign3A_324 : vector<1x1xi32>
      %sign3A_326 = arith.extui %sign3A_325 : vector<1x1xi1> to vector<1x1xi32>
      %sign3A_327 = arith.subi %sign3A_322, %sign3A_326 : vector<1x1xi32>
      %sign3A_328 = arith.constant 0 : i32
      %sign3A_329 = arith.cmpi sgt, %jit3A_316, %sign3A_328 : i32
      %sign3A_330 = arith.extui %sign3A_329 : i1 to i32
      %sign3A_331 = arith.constant 0 : i32
      %sign3A_332 = arith.cmpi slt, %jit3A_316, %sign3A_331 : i32
      %sign3A_333 = arith.extui %sign3A_332 : i1 to i32
      %sign3A_334 = arith.subi %sign3A_330, %sign3A_333 : i32
      %ne3A_335 = vector.broadcast %sign3A_334 : i32 to vector<1x1xi32>
      %ne3A_336 = arith.cmpi ne, %sign3A_327, %ne3A_335 : vector<1x1xi32>
      %rem3A_337 = vector.broadcast %jit3A_316 : i32 to vector<1x1xi32>
      %rem3A_338 = arith.remsi %slice3A_315, %rem3A_337 : vector<1x1xi32>
      %ne3A_339 = arith.constant 0 : i32
      %ne3A_340 = vector.broadcast %ne3A_339 : i32 to vector<1x1xi32>
      %ne3A_341 = arith.cmpi ne, %rem3A_338, %ne3A_340 : vector<1x1xi32>
      %and3A_342 = arith.andi %ne3A_336, %ne3A_341 : vector<1x1xi1>
      %sub3A_343 = arith.constant 1 : i32
      %sub3A_344 = vector.broadcast %sub3A_343 : i32 to vector<1x1xi32>
      %sub3A_345 = arith.subi %div3A_318, %sub3A_344 : vector<1x1xi32>
      %select_n3A_346 = arith.select %and3A_342, %sub3A_345, %div3A_318 : vector<1x1xi1>, vector<1x1xi32>
      %add3A_347 = arith.addi %add3A_296, %select_n3A_346 : vector<1x1xi32>
      %ge3A_348 = vector.broadcast %add3A_347 : vector<1x1xi32> to vector<1x128xi32>
      %ge3A_349 = arith.cmpi sge, %iota3A_197, %ge3A_348 : vector<1x128xi32>
      %convert_element_type3A_350 = arith.extui %ge3A_349 : vector<1x128xi1> to vector<1x128xi32>
      %add3A_351 = arith.addi %add3A_300, %convert_element_type3A_350 : vector<1x128xi32>
      %eq3A_352 = arith.constant 3 : i32
      %eq3A_353 = vector.broadcast %eq3A_352 : i32 to vector<32x128xi32>
      %eq3A_354 = arith.cmpi eq, %get3A_185, %eq3A_353 : vector<32x128xi32>
      %broadcast_in_dim3A_355 = vector.shape_cast %add3A_314 : vector<1x1xi32> to vector<1x1xi32>
      %broadcast_in_dim3A_356 = vector.broadcast %broadcast_in_dim3A_355 : vector<1x1xi32> to vector<32x128xi32>
      %select_n3A_357 = arith.select %eq3A_354, %broadcast_in_dim3A_356, %select_n3A_306 : vector<32x128xi1>, vector<32x128xi32>
      %eq3A_358 = arith.constant 3 : i32
      %eq3A_359 = vector.broadcast %eq3A_358 : i32 to vector<32x128xi32>
      %eq3A_360 = arith.cmpi eq, %get3A_188, %eq3A_359 : vector<32x128xi32>
      %broadcast_in_dim3A_361 = vector.shape_cast %add3A_314 : vector<1x1xi32> to vector<1x1xi32>
      %broadcast_in_dim3A_362 = vector.broadcast %broadcast_in_dim3A_361 : vector<1x1xi32> to vector<32x128xi32>
      %select_n3A_363 = arith.select %eq3A_360, %broadcast_in_dim3A_362, %select_n3A_312 : vector<32x128xi1>, vector<32x128xi32>
      %slice3A_364 = vector.extract_strided_slice %mul3A_182 {offsets = [0, 3], sizes = [1, 1], strides = [1, 1]} : vector<1x128xi32> to vector<1x1xi32>
      %add3A_365 = arith.addi %add3A_314, %slice3A_364 : vector<1x1xi32>
      %slice3A_366 = vector.extract_strided_slice %mul3A_182 {offsets = [0, 3], sizes = [1, 1], strides = [1, 1]} : vector<1x128xi32> to vector<1x1xi32>
      %jit3A_367 = arith.constant 512 : i32
      %div3A_368 = vector.broadcast %jit3A_367 : i32 to vector<1x1xi32>
      %div3A_369 = arith.divsi %slice3A_366, %div3A_368 : vector<1x1xi32>
      %sign3A_370 = arith.constant 0 : i32
      %sign3A_371 = vector.broadcast %sign3A_370 : i32 to vector<1x1xi32>
      %sign3A_372 = arith.cmpi sgt, %slice3A_366, %sign3A_371 : vector<1x1xi32>
      %sign3A_373 = arith.extui %sign3A_372 : vector<1x1xi1> to vector<1x1xi32>
      %sign3A_374 = arith.constant 0 : i32
      %sign3A_375 = vector.broadcast %sign3A_374 : i32 to vector<1x1xi32>
      %sign3A_376 = arith.cmpi slt, %slice3A_366, %sign3A_375 : vector<1x1xi32>
      %sign3A_377 = arith.extui %sign3A_376 : vector<1x1xi1> to vector<1x1xi32>
      %sign3A_378 = arith.subi %sign3A_373, %sign3A_377 : vector<1x1xi32>
      %sign3A_379 = arith.constant 0 : i32
      %sign3A_380 = arith.cmpi sgt, %jit3A_367, %sign3A_379 : i32
      %sign3A_381 = arith.extui %sign3A_380 : i1 to i32
      %sign3A_382 = arith.constant 0 : i32
      %sign3A_383 = arith.cmpi slt, %jit3A_367, %sign3A_382 : i32
      %sign3A_384 = arith.extui %sign3A_383 : i1 to i32
      %sign3A_385 = arith.subi %sign3A_381, %sign3A_384 : i32
      %ne3A_386 = vector.broadcast %sign3A_385 : i32 to vector<1x1xi32>
      %ne3A_387 = arith.cmpi ne, %sign3A_378, %ne3A_386 : vector<1x1xi32>
      %rem3A_388 = vector.broadcast %jit3A_367 : i32 to vector<1x1xi32>
      %rem3A_389 = arith.remsi %slice3A_366, %rem3A_388 : vector<1x1xi32>
      %ne3A_390 = arith.constant 0 : i32
      %ne3A_391 = vector.broadcast %ne3A_390 : i32 to vector<1x1xi32>
      %ne3A_392 = arith.cmpi ne, %rem3A_389, %ne3A_391 : vector<1x1xi32>
      %and3A_393 = arith.andi %ne3A_387, %ne3A_392 : vector<1x1xi1>
      %sub3A_394 = arith.constant 1 : i32
      %sub3A_395 = vector.broadcast %sub3A_394 : i32 to vector<1x1xi32>
      %sub3A_396 = arith.subi %div3A_369, %sub3A_395 : vector<1x1xi32>
      %select_n3A_397 = arith.select %and3A_393, %sub3A_396, %div3A_369 : vector<1x1xi1>, vector<1x1xi32>
      %add3A_398 = arith.addi %add3A_347, %select_n3A_397 : vector<1x1xi32>
      %ge3A_399 = vector.broadcast %add3A_398 : vector<1x1xi32> to vector<1x128xi32>
      %ge3A_400 = arith.cmpi sge, %iota3A_197, %ge3A_399 : vector<1x128xi32>
      %convert_element_type3A_401 = arith.extui %ge3A_400 : vector<1x128xi1> to vector<1x128xi32>
      %add3A_402 = arith.addi %add3A_351, %convert_element_type3A_401 : vector<1x128xi32>
      %eq3A_403 = arith.constant 4 : i32
      %eq3A_404 = vector.broadcast %eq3A_403 : i32 to vector<32x128xi32>
      %eq3A_405 = arith.cmpi eq, %get3A_185, %eq3A_404 : vector<32x128xi32>
      %broadcast_in_dim3A_406 = vector.shape_cast %add3A_365 : vector<1x1xi32> to vector<1x1xi32>
      %broadcast_in_dim3A_407 = vector.broadcast %broadcast_in_dim3A_406 : vector<1x1xi32> to vector<32x128xi32>
      %select_n3A_408 = arith.select %eq3A_405, %broadcast_in_dim3A_407, %select_n3A_357 : vector<32x128xi1>, vector<32x128xi32>
      %eq3A_409 = arith.constant 4 : i32
      %eq3A_410 = vector.broadcast %eq3A_409 : i32 to vector<32x128xi32>
      %eq3A_411 = arith.cmpi eq, %get3A_188, %eq3A_410 : vector<32x128xi32>
      %broadcast_in_dim3A_412 = vector.shape_cast %add3A_365 : vector<1x1xi32> to vector<1x1xi32>
      %broadcast_in_dim3A_413 = vector.broadcast %broadcast_in_dim3A_412 : vector<1x1xi32> to vector<32x128xi32>
      %select_n3A_414 = arith.select %eq3A_411, %broadcast_in_dim3A_413, %select_n3A_363 : vector<32x128xi1>, vector<32x128xi32>
      %slice3A_415 = vector.extract_strided_slice %mul3A_182 {offsets = [0, 4], sizes = [1, 1], strides = [1, 1]} : vector<1x128xi32> to vector<1x1xi32>
      %add3A_416 = arith.addi %add3A_365, %slice3A_415 : vector<1x1xi32>
      %slice3A_417 = vector.extract_strided_slice %mul3A_182 {offsets = [0, 4], sizes = [1, 1], strides = [1, 1]} : vector<1x128xi32> to vector<1x1xi32>
      %jit3A_418 = arith.constant 512 : i32
      %div3A_419 = vector.broadcast %jit3A_418 : i32 to vector<1x1xi32>
      %div3A_420 = arith.divsi %slice3A_417, %div3A_419 : vector<1x1xi32>
      %sign3A_421 = arith.constant 0 : i32
      %sign3A_422 = vector.broadcast %sign3A_421 : i32 to vector<1x1xi32>
      %sign3A_423 = arith.cmpi sgt, %slice3A_417, %sign3A_422 : vector<1x1xi32>
      %sign3A_424 = arith.extui %sign3A_423 : vector<1x1xi1> to vector<1x1xi32>
      %sign3A_425 = arith.constant 0 : i32
      %sign3A_426 = vector.broadcast %sign3A_425 : i32 to vector<1x1xi32>
      %sign3A_427 = arith.cmpi slt, %slice3A_417, %sign3A_426 : vector<1x1xi32>
      %sign3A_428 = arith.extui %sign3A_427 : vector<1x1xi1> to vector<1x1xi32>
      %sign3A_429 = arith.subi %sign3A_424, %sign3A_428 : vector<1x1xi32>
      %sign3A_430 = arith.constant 0 : i32
      %sign3A_431 = arith.cmpi sgt, %jit3A_418, %sign3A_430 : i32
      %sign3A_432 = arith.extui %sign3A_431 : i1 to i32
      %sign3A_433 = arith.constant 0 : i32
      %sign3A_434 = arith.cmpi slt, %jit3A_418, %sign3A_433 : i32
      %sign3A_435 = arith.extui %sign3A_434 : i1 to i32
      %sign3A_436 = arith.subi %sign3A_432, %sign3A_435 : i32
      %ne3A_437 = vector.broadcast %sign3A_436 : i32 to vector<1x1xi32>
      %ne3A_438 = arith.cmpi ne, %sign3A_429, %ne3A_437 : vector<1x1xi32>
      %rem3A_439 = vector.broadcast %jit3A_418 : i32 to vector<1x1xi32>
      %rem3A_440 = arith.remsi %slice3A_417, %rem3A_439 : vector<1x1xi32>
      %ne3A_441 = arith.constant 0 : i32
      %ne3A_442 = vector.broadcast %ne3A_441 : i32 to vector<1x1xi32>
      %ne3A_443 = arith.cmpi ne, %rem3A_440, %ne3A_442 : vector<1x1xi32>
      %and3A_444 = arith.andi %ne3A_438, %ne3A_443 : vector<1x1xi1>
      %sub3A_445 = arith.constant 1 : i32
      %sub3A_446 = vector.broadcast %sub3A_445 : i32 to vector<1x1xi32>
      %sub3A_447 = arith.subi %div3A_420, %sub3A_446 : vector<1x1xi32>
      %select_n3A_448 = arith.select %and3A_444, %sub3A_447, %div3A_420 : vector<1x1xi1>, vector<1x1xi32>
      %add3A_449 = arith.addi %add3A_398, %select_n3A_448 : vector<1x1xi32>
      %ge3A_450 = vector.broadcast %add3A_449 : vector<1x1xi32> to vector<1x128xi32>
      %ge3A_451 = arith.cmpi sge, %iota3A_197, %ge3A_450 : vector<1x128xi32>
      %convert_element_type3A_452 = arith.extui %ge3A_451 : vector<1x128xi1> to vector<1x128xi32>
      %add3A_453 = arith.addi %add3A_402, %convert_element_type3A_452 : vector<1x128xi32>
      %eq3A_454 = arith.constant 5 : i32
      %eq3A_455 = vector.broadcast %eq3A_454 : i32 to vector<32x128xi32>
      %eq3A_456 = arith.cmpi eq, %get3A_185, %eq3A_455 : vector<32x128xi32>
      %broadcast_in_dim3A_457 = vector.shape_cast %add3A_416 : vector<1x1xi32> to vector<1x1xi32>
      %broadcast_in_dim3A_458 = vector.broadcast %broadcast_in_dim3A_457 : vector<1x1xi32> to vector<32x128xi32>
      %select_n3A_459 = arith.select %eq3A_456, %broadcast_in_dim3A_458, %select_n3A_408 : vector<32x128xi1>, vector<32x128xi32>
      %eq3A_460 = arith.constant 5 : i32
      %eq3A_461 = vector.broadcast %eq3A_460 : i32 to vector<32x128xi32>
      %eq3A_462 = arith.cmpi eq, %get3A_188, %eq3A_461 : vector<32x128xi32>
      %broadcast_in_dim3A_463 = vector.shape_cast %add3A_416 : vector<1x1xi32> to vector<1x1xi32>
      %broadcast_in_dim3A_464 = vector.broadcast %broadcast_in_dim3A_463 : vector<1x1xi32> to vector<32x128xi32>
      %select_n3A_465 = arith.select %eq3A_462, %broadcast_in_dim3A_464, %select_n3A_414 : vector<32x128xi1>, vector<32x128xi32>
      %slice3A_466 = vector.extract_strided_slice %mul3A_182 {offsets = [0, 5], sizes = [1, 1], strides = [1, 1]} : vector<1x128xi32> to vector<1x1xi32>
      %add3A_467 = arith.addi %add3A_416, %slice3A_466 : vector<1x1xi32>
      %slice3A_468 = vector.extract_strided_slice %mul3A_182 {offsets = [0, 5], sizes = [1, 1], strides = [1, 1]} : vector<1x128xi32> to vector<1x1xi32>
      %jit3A_469 = arith.constant 512 : i32
      %div3A_470 = vector.broadcast %jit3A_469 : i32 to vector<1x1xi32>
      %div3A_471 = arith.divsi %slice3A_468, %div3A_470 : vector<1x1xi32>
      %sign3A_472 = arith.constant 0 : i32
      %sign3A_473 = vector.broadcast %sign3A_472 : i32 to vector<1x1xi32>
      %sign3A_474 = arith.cmpi sgt, %slice3A_468, %sign3A_473 : vector<1x1xi32>
      %sign3A_475 = arith.extui %sign3A_474 : vector<1x1xi1> to vector<1x1xi32>
      %sign3A_476 = arith.constant 0 : i32
      %sign3A_477 = vector.broadcast %sign3A_476 : i32 to vector<1x1xi32>
      %sign3A_478 = arith.cmpi slt, %slice3A_468, %sign3A_477 : vector<1x1xi32>
      %sign3A_479 = arith.extui %sign3A_478 : vector<1x1xi1> to vector<1x1xi32>
      %sign3A_480 = arith.subi %sign3A_475, %sign3A_479 : vector<1x1xi32>
      %sign3A_481 = arith.constant 0 : i32
      %sign3A_482 = arith.cmpi sgt, %jit3A_469, %sign3A_481 : i32
      %sign3A_483 = arith.extui %sign3A_482 : i1 to i32
      %sign3A_484 = arith.constant 0 : i32
      %sign3A_485 = arith.cmpi slt, %jit3A_469, %sign3A_484 : i32
      %sign3A_486 = arith.extui %sign3A_485 : i1 to i32
      %sign3A_487 = arith.subi %sign3A_483, %sign3A_486 : i32
      %ne3A_488 = vector.broadcast %sign3A_487 : i32 to vector<1x1xi32>
      %ne3A_489 = arith.cmpi ne, %sign3A_480, %ne3A_488 : vector<1x1xi32>
      %rem3A_490 = vector.broadcast %jit3A_469 : i32 to vector<1x1xi32>
      %rem3A_491 = arith.remsi %slice3A_468, %rem3A_490 : vector<1x1xi32>
      %ne3A_492 = arith.constant 0 : i32
      %ne3A_493 = vector.broadcast %ne3A_492 : i32 to vector<1x1xi32>
      %ne3A_494 = arith.cmpi ne, %rem3A_491, %ne3A_493 : vector<1x1xi32>
      %and3A_495 = arith.andi %ne3A_489, %ne3A_494 : vector<1x1xi1>
      %sub3A_496 = arith.constant 1 : i32
      %sub3A_497 = vector.broadcast %sub3A_496 : i32 to vector<1x1xi32>
      %sub3A_498 = arith.subi %div3A_471, %sub3A_497 : vector<1x1xi32>
      %select_n3A_499 = arith.select %and3A_495, %sub3A_498, %div3A_471 : vector<1x1xi1>, vector<1x1xi32>
      %add3A_500 = arith.addi %add3A_449, %select_n3A_499 : vector<1x1xi32>
      %ge3A_501 = vector.broadcast %add3A_500 : vector<1x1xi32> to vector<1x128xi32>
      %ge3A_502 = arith.cmpi sge, %iota3A_197, %ge3A_501 : vector<1x128xi32>
      %convert_element_type3A_503 = arith.extui %ge3A_502 : vector<1x128xi1> to vector<1x128xi32>
      %add3A_504 = arith.addi %add3A_453, %convert_element_type3A_503 : vector<1x128xi32>
      %eq3A_505 = arith.constant 6 : i32
      %eq3A_506 = vector.broadcast %eq3A_505 : i32 to vector<32x128xi32>
      %eq3A_507 = arith.cmpi eq, %get3A_185, %eq3A_506 : vector<32x128xi32>
      %broadcast_in_dim3A_508 = vector.shape_cast %add3A_467 : vector<1x1xi32> to vector<1x1xi32>
      %broadcast_in_dim3A_509 = vector.broadcast %broadcast_in_dim3A_508 : vector<1x1xi32> to vector<32x128xi32>
      %select_n3A_510 = arith.select %eq3A_507, %broadcast_in_dim3A_509, %select_n3A_459 : vector<32x128xi1>, vector<32x128xi32>
      %eq3A_511 = arith.constant 6 : i32
      %eq3A_512 = vector.broadcast %eq3A_511 : i32 to vector<32x128xi32>
      %eq3A_513 = arith.cmpi eq, %get3A_188, %eq3A_512 : vector<32x128xi32>
      %broadcast_in_dim3A_514 = vector.shape_cast %add3A_467 : vector<1x1xi32> to vector<1x1xi32>
      %broadcast_in_dim3A_515 = vector.broadcast %broadcast_in_dim3A_514 : vector<1x1xi32> to vector<32x128xi32>
      %select_n3A_516 = arith.select %eq3A_513, %broadcast_in_dim3A_515, %select_n3A_465 : vector<32x128xi1>, vector<32x128xi32>
      %slice3A_517 = vector.extract_strided_slice %mul3A_182 {offsets = [0, 6], sizes = [1, 1], strides = [1, 1]} : vector<1x128xi32> to vector<1x1xi32>
      %add3A_518 = arith.addi %add3A_467, %slice3A_517 : vector<1x1xi32>
      %slice3A_519 = vector.extract_strided_slice %mul3A_182 {offsets = [0, 6], sizes = [1, 1], strides = [1, 1]} : vector<1x128xi32> to vector<1x1xi32>
      %jit3A_520 = arith.constant 512 : i32
      %div3A_521 = vector.broadcast %jit3A_520 : i32 to vector<1x1xi32>
      %div3A_522 = arith.divsi %slice3A_519, %div3A_521 : vector<1x1xi32>
      %sign3A_523 = arith.constant 0 : i32
      %sign3A_524 = vector.broadcast %sign3A_523 : i32 to vector<1x1xi32>
      %sign3A_525 = arith.cmpi sgt, %slice3A_519, %sign3A_524 : vector<1x1xi32>
      %sign3A_526 = arith.extui %sign3A_525 : vector<1x1xi1> to vector<1x1xi32>
      %sign3A_527 = arith.constant 0 : i32
      %sign3A_528 = vector.broadcast %sign3A_527 : i32 to vector<1x1xi32>
      %sign3A_529 = arith.cmpi slt, %slice3A_519, %sign3A_528 : vector<1x1xi32>
      %sign3A_530 = arith.extui %sign3A_529 : vector<1x1xi1> to vector<1x1xi32>
      %sign3A_531 = arith.subi %sign3A_526, %sign3A_530 : vector<1x1xi32>
      %sign3A_532 = arith.constant 0 : i32
      %sign3A_533 = arith.cmpi sgt, %jit3A_520, %sign3A_532 : i32
      %sign3A_534 = arith.extui %sign3A_533 : i1 to i32
      %sign3A_535 = arith.constant 0 : i32
      %sign3A_536 = arith.cmpi slt, %jit3A_520, %sign3A_535 : i32
      %sign3A_537 = arith.extui %sign3A_536 : i1 to i32
      %sign3A_538 = arith.subi %sign3A_534, %sign3A_537 : i32
      %ne3A_539 = vector.broadcast %sign3A_538 : i32 to vector<1x1xi32>
      %ne3A_540 = arith.cmpi ne, %sign3A_531, %ne3A_539 : vector<1x1xi32>
      %rem3A_541 = vector.broadcast %jit3A_520 : i32 to vector<1x1xi32>
      %rem3A_542 = arith.remsi %slice3A_519, %rem3A_541 : vector<1x1xi32>
      %ne3A_543 = arith.constant 0 : i32
      %ne3A_544 = vector.broadcast %ne3A_543 : i32 to vector<1x1xi32>
      %ne3A_545 = arith.cmpi ne, %rem3A_542, %ne3A_544 : vector<1x1xi32>
      %and3A_546 = arith.andi %ne3A_540, %ne3A_545 : vector<1x1xi1>
      %sub3A_547 = arith.constant 1 : i32
      %sub3A_548 = vector.broadcast %sub3A_547 : i32 to vector<1x1xi32>
      %sub3A_549 = arith.subi %div3A_522, %sub3A_548 : vector<1x1xi32>
      %select_n3A_550 = arith.select %and3A_546, %sub3A_549, %div3A_522 : vector<1x1xi1>, vector<1x1xi32>
      %add3A_551 = arith.addi %add3A_500, %select_n3A_550 : vector<1x1xi32>
      %ge3A_552 = vector.broadcast %add3A_551 : vector<1x1xi32> to vector<1x128xi32>
      %ge3A_553 = arith.cmpi sge, %iota3A_197, %ge3A_552 : vector<1x128xi32>
      %convert_element_type3A_554 = arith.extui %ge3A_553 : vector<1x128xi1> to vector<1x128xi32>
      %add3A_555 = arith.addi %add3A_504, %convert_element_type3A_554 : vector<1x128xi32>
      %eq3A_556 = arith.constant 7 : i32
      %eq3A_557 = vector.broadcast %eq3A_556 : i32 to vector<32x128xi32>
      %eq3A_558 = arith.cmpi eq, %get3A_185, %eq3A_557 : vector<32x128xi32>
      %broadcast_in_dim3A_559 = vector.shape_cast %add3A_518 : vector<1x1xi32> to vector<1x1xi32>
      %broadcast_in_dim3A_560 = vector.broadcast %broadcast_in_dim3A_559 : vector<1x1xi32> to vector<32x128xi32>
      %select_n3A_561 = arith.select %eq3A_558, %broadcast_in_dim3A_560, %select_n3A_510 : vector<32x128xi1>, vector<32x128xi32>
      %eq3A_562 = arith.constant 7 : i32
      %eq3A_563 = vector.broadcast %eq3A_562 : i32 to vector<32x128xi32>
      %eq3A_564 = arith.cmpi eq, %get3A_188, %eq3A_563 : vector<32x128xi32>
      %broadcast_in_dim3A_565 = vector.shape_cast %add3A_518 : vector<1x1xi32> to vector<1x1xi32>
      %broadcast_in_dim3A_566 = vector.broadcast %broadcast_in_dim3A_565 : vector<1x1xi32> to vector<32x128xi32>
      %select_n3A_567 = arith.select %eq3A_564, %broadcast_in_dim3A_566, %select_n3A_516 : vector<32x128xi1>, vector<32x128xi32>
      %slice3A_568 = vector.extract_strided_slice %mul3A_182 {offsets = [0, 7], sizes = [1, 1], strides = [1, 1]} : vector<1x128xi32> to vector<1x1xi32>
      %jit3A_569 = arith.constant 512 : i32
      %div3A_570 = vector.broadcast %jit3A_569 : i32 to vector<1x1xi32>
      %div3A_571 = arith.divsi %slice3A_568, %div3A_570 : vector<1x1xi32>
      %sign3A_572 = arith.constant 0 : i32
      %sign3A_573 = vector.broadcast %sign3A_572 : i32 to vector<1x1xi32>
      %sign3A_574 = arith.cmpi sgt, %slice3A_568, %sign3A_573 : vector<1x1xi32>
      %sign3A_575 = arith.extui %sign3A_574 : vector<1x1xi1> to vector<1x1xi32>
      %sign3A_576 = arith.constant 0 : i32
      %sign3A_577 = vector.broadcast %sign3A_576 : i32 to vector<1x1xi32>
      %sign3A_578 = arith.cmpi slt, %slice3A_568, %sign3A_577 : vector<1x1xi32>
      %sign3A_579 = arith.extui %sign3A_578 : vector<1x1xi1> to vector<1x1xi32>
      %sign3A_580 = arith.subi %sign3A_575, %sign3A_579 : vector<1x1xi32>
      %sign3A_581 = arith.constant 0 : i32
      %sign3A_582 = arith.cmpi sgt, %jit3A_569, %sign3A_581 : i32
      %sign3A_583 = arith.extui %sign3A_582 : i1 to i32
      %sign3A_584 = arith.constant 0 : i32
      %sign3A_585 = arith.cmpi slt, %jit3A_569, %sign3A_584 : i32
      %sign3A_586 = arith.extui %sign3A_585 : i1 to i32
      %sign3A_587 = arith.subi %sign3A_583, %sign3A_586 : i32
      %ne3A_588 = vector.broadcast %sign3A_587 : i32 to vector<1x1xi32>
      %ne3A_589 = arith.cmpi ne, %sign3A_580, %ne3A_588 : vector<1x1xi32>
      %rem3A_590 = vector.broadcast %jit3A_569 : i32 to vector<1x1xi32>
      %rem3A_591 = arith.remsi %slice3A_568, %rem3A_590 : vector<1x1xi32>
      %ne3A_592 = arith.constant 0 : i32
      %ne3A_593 = vector.broadcast %ne3A_592 : i32 to vector<1x1xi32>
      %ne3A_594 = arith.cmpi ne, %rem3A_591, %ne3A_593 : vector<1x1xi32>
      %and3A_595 = arith.andi %ne3A_589, %ne3A_594 : vector<1x1xi1>
      %sub3A_596 = arith.constant 1 : i32
      %sub3A_597 = vector.broadcast %sub3A_596 : i32 to vector<1x1xi32>
      %sub3A_598 = arith.subi %div3A_571, %sub3A_597 : vector<1x1xi32>
      %select_n3A_599 = arith.select %and3A_595, %sub3A_598, %div3A_571 : vector<1x1xi1>, vector<1x1xi32>
      %add3A_600 = arith.addi %add3A_551, %select_n3A_599 : vector<1x1xi32>
      %ge3A_601 = vector.broadcast %add3A_600 : vector<1x1xi32> to vector<1x128xi32>
      %ge3A_602 = arith.cmpi sge, %iota3A_197, %ge3A_601 : vector<1x128xi32>
      %convert_element_type3A_603 = arith.extui %ge3A_602 : vector<1x128xi1> to vector<1x128xi32>
      %add3A_604 = arith.addi %add3A_555, %convert_element_type3A_603 : vector<1x128xi32>
      %get3A_605 = arith.constant 0 : index
      %get3A_606 = arith.constant 0 : index
      %get3A_607 = vector.load %arg10[%get3A_605, %get3A_606] : memref<32x128xi32, #tpu.memory_space<vmem>>, vector<32x128xi32>
      %add3A_608 = arith.addi %select_n3A_561, %get3A_607 : vector<32x128xi32>
      %swap3A_609 = arith.constant 0 : index
      %swap3A_610 = arith.constant 0 : index
      %swap3A_611 = vector.load %arg6[%swap3A_609, %swap3A_610] : memref<64x128xi32, #tpu.memory_space<vmem>>, vector<32x128xi32>
      tpu.vector_store %arg6[%swap3A_609, %swap3A_610], %add3A_608 {strides = array<i32>} : memref<64x128xi32, #tpu.memory_space<vmem>>, vector<32x128xi32>,
      %get3A_612 = arith.constant 0 : index
      %get3A_613 = arith.constant 0 : index
      %get3A_614 = vector.load %arg11[%get3A_612, %get3A_613] : memref<32x128xi32, #tpu.memory_space<vmem>>, vector<32x128xi32>
      %add3A_615 = arith.addi %select_n3A_567, %get3A_614 : vector<32x128xi32>
      %swap3A_616 = arith.constant 32 : index
      %swap3A_617 = arith.constant 0 : index
      %swap3A_618 = vector.load %arg6[%swap3A_616, %swap3A_617] : memref<64x128xi32, #tpu.memory_space<vmem>>, vector<32x128xi32>
      tpu.vector_store %arg6[%swap3A_616, %swap3A_617], %add3A_615 {strides = array<i32>} : memref<64x128xi32, #tpu.memory_space<vmem>>, vector<32x128xi32>,
      %min3A = arith.constant 7 : i32
      %min3A_619 = vector.broadcast %min3A : i32 to vector<1x128xi32>
      %min3A_620 = arith.minsi %add3A_604, %min3A_619 : vector<1x128xi32>
      %broadcast_in_dim3A_621 = vector.shape_cast %min3A_620 : vector<1x128xi32> to vector<1x128xi32>
      %broadcast_in_dim3A_622 = vector.broadcast %broadcast_in_dim3A_621 : vector<1x128xi32> to vector<8x128xi32>
      %swap3A_623 = arith.constant 0 : index
      %swap3A_624 = arith.constant 0 : index
      %swap3A_625 = vector.load %arg7[%swap3A_623, %swap3A_624] : memref<8x128xi32, #tpu.memory_space<vmem>>, vector<8x128xi32>
      tpu.vector_store %arg7[%swap3A_623, %swap3A_624], %broadcast_in_dim3A_622 {strides = array<i32>} : memref<8x128xi32, #tpu.memory_space<vmem>>, vector<8x128xi32>,
    } else {
    }
    return
  }
  func.func @transform_0(%arg0: i32) -> (i32, i32) {
    %c0_i32 = arith.constant 0 : i32
    %c0_i32_0 = arith.constant 0 : i32
    return %arg0, %c0_i32 : i32, i32
  }
  func.func @transform_1(%arg0: i32) -> (i32, i32) {
    %c0_i32 = arith.constant 0 : i32
    %c0_i32_0 = arith.constant 0 : i32
    %c0_i32_1 = arith.constant 0 : i32
    return %c0_i32, %c0_i32_0 : i32, i32
  }
  func.func @transform_2(%arg0: i32) -> (i32, i32) {
    %c0_i32 = arith.constant 0 : i32
    %c0_i32_0 = arith.constant 0 : i32
    %c0_i32_1 = arith.constant 0 : i32
    return %c0_i32, %c0_i32_0 : i32, i32
  }
  func.func @transform_3(%arg0: i32) -> (i32, i32) {
    %c0_i32 = arith.constant 0 : i32
    %c0_i32_0 = arith.constant 0 : i32
    return %arg0, %c0_i32 : i32, i32
  }
  func.func @transform_4(%arg0: i32) -> (i32, i32) {
    %c0_i32 = arith.constant 0 : i32
    %c0_i32_0 = arith.constant 0 : i32
    return %arg0, %c0_i32 : i32, i32
  }
  func.func @transform_5(%arg0: i32) -> (i32, i32) {
    %c0_i32 = arith.constant 0 : i32
    %c0_i32_0 = arith.constant 0 : i32
    %c0_i32_1 = arith.constant 0 : i32
    return %c0_i32, %c0_i32_0 : i32, i32
  }
  func.func @transform_6(%arg0: i32) -> (i32, i32) {
    %c0_i32 = arith.constant 0 : i32
    %c0_i32_0 = arith.constant 0 : i32
    %c0_i32_1 = arith.constant 0 : i32
    return %c0_i32, %c0_i32_0 : i32, i32
  }
}

module attributes {stable_mosaic.version = 14 : i64} {
  func.func @_combine_body(%arg0: i32, %arg1: memref<2x512x1024xf32, #tpu.memory_space<vmem>>, %arg2: memref<512x128xf32, #tpu.memory_space<vmem>>, %arg3: memref<512x1024xf32, #tpu.memory_space<vmem>>) attributes {dimension_semantics = [#tpu.dimension_semantics<arbitrary>], iteration_bounds = array<i64: 8>, scalar_prefetch = 0 : i64, scratch_operands = 0 : i64, tpu.core_type = #tpu.core_type<tc>, window_params = [{transform_indices = @transform_0, window_bounds = array<i64: 2, 512, 1024>}, {transform_indices = @transform_1, window_bounds = array<i64: 512, 128>}, {transform_indices = @transform_2, window_bounds = array<i64: 512, 1024>}]} {
    %get3A = arith.constant 0 : index
    %get3A_0 = arith.constant 0 : index
    %get3A_1 = arith.constant 0 : index
    %get3A_2 = vector.load %arg1[%get3A, %get3A_0, %get3A_1] : memref<2x512x1024xf32, #tpu.memory_space<vmem>>, vector<2x512x1024xf32>
    %get3A_3 = arith.constant 0 : index
    %get3A_4 = arith.constant 0 : index
    %get3A_5 = vector.load %arg2[%get3A_3, %get3A_4] : memref<512x128xf32, #tpu.memory_space<vmem>>, vector<512x128xf32>
    %slice3A = vector.extract_strided_slice %get3A_5 {offsets = [0, 0], sizes = [512, 1], strides = [1, 1]} : vector<512x128xf32> to vector<512x1xf32>
    %slice3A_6 = vector.extract_strided_slice %get3A_2 {offsets = [0, 0, 0], sizes = [1, 512, 1024], strides = [1, 1, 1]} : vector<2x512x1024xf32> to vector<1x512x1024xf32>
    %squeeze3A = vector.shape_cast %slice3A_6 : vector<1x512x1024xf32> to vector<512x1024xf32>
    %mul3A = vector.broadcast %slice3A : vector<512x1xf32> to vector<512x1024xf32>
    %mul3A_7 = arith.mulf %mul3A, %squeeze3A : vector<512x1024xf32>
    %slice3A_8 = vector.extract_strided_slice %get3A_5 {offsets = [0, 1], sizes = [512, 1], strides = [1, 1]} : vector<512x128xf32> to vector<512x1xf32>
    %slice3A_9 = vector.extract_strided_slice %get3A_2 {offsets = [1, 0, 0], sizes = [1, 512, 1024], strides = [1, 1, 1]} : vector<2x512x1024xf32> to vector<1x512x1024xf32>
    %squeeze3A_10 = vector.shape_cast %slice3A_9 : vector<1x512x1024xf32> to vector<512x1024xf32>
    %mul3A_11 = vector.broadcast %slice3A_8 : vector<512x1xf32> to vector<512x1024xf32>
    %mul3A_12 = arith.mulf %mul3A_11, %squeeze3A_10 : vector<512x1024xf32>
    %add3A = arith.addf %mul3A_7, %mul3A_12 : vector<512x1024xf32>
    %swap3A = arith.constant 0 : index
    %swap3A_13 = arith.constant 0 : index
    %swap3A_14 = vector.load %arg3[%swap3A, %swap3A_13] : memref<512x1024xf32, #tpu.memory_space<vmem>>, vector<512x1024xf32>
    tpu.vector_store %arg3[%swap3A, %swap3A_13], %add3A {strides = array<i32>} : memref<512x1024xf32, #tpu.memory_space<vmem>>, vector<512x1024xf32>,
    return
  }
  func.func @transform_0(%arg0: i32) -> (i32, i32, i32) {
    %c0_i32 = arith.constant 0 : i32
    %c0_i32_0 = arith.constant 0 : i32
    %c0_i32_1 = arith.constant 0 : i32
    return %c0_i32, %arg0, %c0_i32_0 : i32, i32, i32
  }
  func.func @transform_1(%arg0: i32) -> (i32, i32) {
    %c0_i32 = arith.constant 0 : i32
    %c0_i32_0 = arith.constant 0 : i32
    return %arg0, %c0_i32 : i32, i32
  }
  func.func @transform_2(%arg0: i32) -> (i32, i32) {
    %c0_i32 = arith.constant 0 : i32
    %c0_i32_0 = arith.constant 0 : i32
    return %arg0, %c0_i32 : i32, i32
  }
}

</mosaic_0001>

<sc_bundles>
// kernel: kernel.10.cloned.1.call-start
scs
__scs_entry_jumppad:
0x0: {  	(pc) =	sbr.rel $0x88, $3  }
0x1: {  	(tag) =	ssettag $0x0;
	lr =	simm.s32 $0x1  }
0x2: {  	[smem:$0x3F9A] =	sst lr;
	_ =	strace $0xD0000000  }
0x3: {  	_ = 	snop  }
0x4: {  	_ = 	snop  }
0x5: {  	_ = 	snop  }
0x6: {  	_ = 	snop  }
0x7: {  	_ = 	snop  }
__scs_overlays_trampoline_lowered:
0x8: {  	[smem:$0x3FA9] =	sst s0  }
0x9: {  	[smem:$0x3FAA] =	sst s1  }
0xa: {  	[smem:$0x3FAB] =	sst s2  }
0xb: {  	[smem:$0x3FAC] =	sst s3  }
0xc: {  	[smem:$0x3FAD] =	sst s4  }
0xd: {  	[smem:$0x3FAE] =	sst s5  }
0xe: {  	[smem:$0x3FAF] =	sst s6  }
0xf: {  	[smem:$0x3FB0] =	sst s7  }
0x10: {  	[smem:$0x3FB1] =	sst s8  }
0x11: {  	[smem:$0x3FB2] =	sst s9;
	s0 =	simm.s32 @!p0 $0x0  }
0x12: {  	s1 =	sld [smem:$0x3F98];
	s0 =	simm.s32 @p0 $0x1  }
0x13: {  	[smem:$0x3FB3] =	sst s0;
	s0 =	simm.s32 @!p1 $0x0  }
0x14: {  	s2 =	sld [smem:$0x3F97];
	s0 =	simm.s32 @p1 $0x1  }
0x15: {  	[smem:$0x3FB4] =	sst s0;
	s0 =	simm.s32 @!p2 $0x0  }
0x16: {  	s3 =	sld [smem:$0x3FDB];
	s0 =	simm.s32 @p2 $0x1  }
0x17: {  	s4 =	simm.s32 $0x1BF5;
	[smem:$0x3FB6] =	sst s0  }
0x18: {  	s0 =	sld [smem:$0x3F99];
	_ =	swait.ge [sflag:s4], $0x0  }
0x19: {  	s7 =	sld [smem:$0x3F9A]  }
0x1a: {  	s8 =	sadd.s32 $0xFFFFE003, lr  }
0x1b: {  	s9 =	sadd.s32 $0xFFFFFEF7, lr;
	s5 =	simm.s32 $0xFFFFFFFF;
	p2 =	slt.u32 s8, $0xFFFFF086  }
0x1c: {  	p1 =	slt.u32 s9, $0xF7A;
	s5 =	simm.s32 @!p2 $0x0  }
0x1d: {  	s5 =	simm.s32 @p1 $0x1;
	p0 =	seq.s32 s7, s2  }
0x1e: {  	s7 =	smul.u32 @!p0 $0xF7A, s2;
	p2 =	seq.s32 @!p0 s5, $0x0  }
0x1f: {  	s9 =	smul.u32 $0xF7A, s1;
	s8 =	simm.s32 @!p0 $0x1BF5;
	p2 =	por !p2, p0  }
0x20: {  	[sflag:s8] =	ssyncset.s32 @!p0 $0xFFFFF086;
	s6 =	sadd.s32 @!p0 s3, s7;
	s7 =	simm.s32 @!p0 $0x108  }
0x21: {  	s3 =	sadd.s32 s3, s9;
	s6 =	sadd.s32 @!p0 $0x88, s6;
	s7 =	simm.s32 @p2 $0x1082  }
0x22: {  	[simem:s7], [sflag:s8] =	dma.local @!p0 [hbm:s6], $0xF7A  }
0x23: {  	s9 =	sor.u32 $0xD0000000, s2;
	s6 =	simm.s32 $0x108;
	_ =	swait.ge @!p0 [sflag:s8], $0x0  }
0x24: {  	s3 =	sadd.s32 $0x88, s3;
	s6 =	simm.s32 @!p1 $0x1082;
	[sflag:s4] =	ssyncset.s32 $0xFFFFF086  }
0x25: {  	[simem:s6], [sflag:s4] =	dma.local [hbm:s3], $0xF7A  }
0x26: {  	[smem:$0x3F9A] =	sst s1;
	(tag) =	ssettag s2;
	_ =	strace s9  }
0x27: {  	s1 =	sld [smem:$0x3FAA]  }
0x28: {  	s2 =	sld [smem:$0x3FAB]  }
0x29: {  	s4 =	sld [smem:$0x3FAD]  }
0x2a: {  	p0 =	seq.s32 s5, $0x0;
	s5 =	sld [smem:$0x3FAE]  }
0x2b: {  	s6 =	sld [smem:$0x3FAF]  }
0x2c: {  	s7 =	sld [smem:$0x3FB0]  }
0x2d: {  	s3 =	simm.s32 $0x108;
	s8 =	sld [smem:$0x3FB1]  }
0x2e: {  	s3 =	simm.s32 @!p0 $0x1082;
	s9 =	sld [smem:$0x3FB2]  }
0x2f: {  	lr =	sadd.s32 s0, s3;
	s0 =	sld [smem:$0x3FA9]  }
0x30: {  	s3 =	sld [smem:$0x3FAC]  }
0x31: {  	[smem:$0x3FB5] =	sst s10  }
0x32: {  	s10 =	sld [smem:$0x3FB3];
	_ =	sdelay $0x3  }
0x33: {  	p0 =	seq.s32 s10, $0x1;
	s10 =	sld [smem:$0x3FB5];
	_ =	sdelay $0x3  }
0x34: {  	[smem:$0x3FB5] =	sst s10  }
0x35: {  	s10 =	sld [smem:$0x3FB4];
	_ =	sdelay $0x3  }
0x36: {  	p1 =	seq.s32 s10, $0x1;
	s10 =	sld [smem:$0x3FB5];
	_ =	sdelay $0x3  }
0x37: {  	[smem:$0x3FB5] =	sst s10  }
0x38: {  	s10 =	sld [smem:$0x3FB6]  }
0x39: {  	_ = 	snop;
	(pc) =	sbr.ind lr, $3  }
0x3a: {  	_ = 	snop  }
0x3b: {  	_ = 	snop  }
0x3c: {  	p2 =	seq.s32 s10, $0x1;
	s10 =	sld [smem:$0x3FB5]  }
0x3d: {  	_ =	shalt  }
0x3e: {  	_ =	shalt  }
0x3f: {  	_ =	shalt  }
0x40: {  	_ =	shalt  }
0x41: {  	_ =	shalt  }
0x42: {  	_ =	shalt  }
0x43: {  	_ =	shalt  }
0x44: {  	_ =	shalt  }
0x45: {  	_ =	shalt  }
0x46: {  	_ =	shalt  }
0x47: {  	_ =	shalt  }
0x48: {  	_ =	shalt  }
0x49: {  	_ =	shalt  }
0x4a: {  	_ =	shalt  }
0x4b: {  	_ =	shalt  }
0x4c: {  	_ =	shalt  }
0x4d: {  	_ =	shalt  }
0x4e: {  	_ =	shalt  }
0x4f: {  	_ =	shalt  }
0x50: {  	_ =	shalt  }
0x51: {  	_ =	shalt  }
0x52: {  	_ =	shalt  }
0x53: {  	_ =	shalt  }
0x54: {  	_ =	shalt  }
0x55: {  	_ =	shalt  }
0x56: {  	_ =	shalt  }
0x57: {  	_ =	shalt  }
0x58: {  	_ =	shalt  }
0x59: {  	_ =	shalt  }
0x5a: {  	_ =	shalt  }
0x5b: {  	_ =	shalt  }
0x5c: {  	_ =	shalt  }
0x5d: {  	_ =	shalt  }
0x5e: {  	_ =	shalt  }
0x5f: {  	_ =	shalt  }
0x60: {  	_ =	shalt  }
0x61: {  	_ =	shalt  }
0x62: {  	_ =	shalt  }
0x63: {  	_ =	shalt  }
0x64: {  	_ =	shalt  }
0x65: {  	_ =	shalt  }
0x66: {  	_ =	shalt  }
0x67: {  	_ =	shalt  }
0x68: {  	_ =	shalt  }
0x69: {  	_ =	shalt  }
0x6a: {  	_ =	shalt  }
0x6b: {  	_ =	shalt  }
0x6c: {  	_ =	shalt  }
0x6d: {  	_ =	shalt  }
0x6e: {  	_ =	shalt  }
0x6f: {  	_ =	shalt  }
0x70: {  	_ =	shalt  }
0x71: {  	_ =	shalt  }
0x72: {  	_ =	shalt  }
0x73: {  	_ =	shalt  }
0x74: {  	_ =	shalt  }
0x75: {  	_ =	shalt  }
0x76: {  	_ =	shalt  }
0x77: {  	_ =	shalt  }
0x78: {  	_ =	shalt  }
0x79: {  	_ =	shalt  }
0x7a: {  	_ =	shalt  }
0x7b: {  	_ =	shalt  }
0x7c: {  	_ =	shalt  }
0x7d: {  	_ =	shalt  }
0x7e: {  	_ =	shalt  }
0x7f: {  	_ =	shalt  }
0x80: {  	_ =	shalt  }
0x81: {  	_ =	shalt  }
0x82: {  	_ =	shalt  }
0x83: {  	_ =	shalt  }
0x84: {  	_ =	shalt  }
0x85: {  	_ =	shalt  }
0x86: {  	_ =	shalt  }
0x87: {  	_ =	shalt  }
.Lfunc_end0:
.L_simem_size_0:
called_computation.1_lowered:
.L_overlay_start_0:
0x88: {  	s2 =	sld [smem:$0x3FD9]  }
0x89: {  	s3 =	sld [smem:$0x3FFE];
	_ =	sdelay $0x1  }
0x8a: {  	s1 =	srdreg.scid  }
0x8b: {  	s0 =	sand.u32 $0x1, s1  }
0x8c: {  	s16 =	sshll.u32 s0, $0xA;
	s2 =	sadd.s32 s3, s2  }
0x8d: {  	s2 =	sadd.s32 s2, s16  }
0x8e: {  	[smem:$0x3FC1] =	sst s2  }
0x8f: {  	_ = 	snop  }
0x90: {  	(tm) =	ssettm $0x1  }
0x91: {  	s17 =	sld [smem:$0x3FFB];
	_ =	sdelay $0x3  }
0x92: {  	_ =	strace s17  }
0x93: {  	s2 =	sld [smem:$0x3FFC];
	_ =	sdelay $0x3  }
0x94: {  	_ =	strace s2  }
0x95: {  	s2 =	sld [smem:$0x3FFD];
	_ =	sdelay $0x3  }
0x96: {  	_ =	strace s2  }
0x97: {  	_ =	strace $0x8FFFFFFF  }
0x98: {  	s18 =	sld [smem:$0x3FDB];
	_ =	sdelay $0x1  }
0x99: {  	s19 =	simm.s32 $_scs_section_size  }
0x9a: {  	s4 =	simm.s32 $_size__tile_overlayer_lowered;
	s5 =	simm.s32 $_tile_overlayer_lowered  }
0x9b: {  	s22 =	simm.s32 $0x1BFF;
	s21 =	sshll.u32 s5, $0x1;
	s2 =	sadd.s32 s19, s18  }
0x9c: {  	s6 =	simm.s32 $0x0;
	s20 =	sshll.u32 s4, $0x1;
	s4 =	sadd.s32 s21, s2  }
0x9d: {  	[timem:s6], [sflag:s22] =	dma.local [hbm:s4], s20  }
0x9e: {  	_ =	swait.ge [sflag:s22], s20  }
0x9f: {  	s3 =	ssub.s32 $0x0, s20;
	[sflag:s22] =	ssyncset.done $0x0  }
0xa0: {  	[sflag:s22] =	ssyncadd.s32 s3;
	_ =	sdelay $0x1  }
0xa1: {  	s23 =	simm.s32 $0x1B8B  }
0xa2: {  	_ =	swait.ge [sflag:s23], $0x1  }
0xa3: {  	[sflag:s23] =	ssyncset.done $0x0  }
0xa4: {  	s25 =	simm.s32 $0x1B8E;
	s24 =	sld [smem:$0x3FFE];
	[sflag:s23] =	ssyncadd.s32 $0xFFFFFFFF  }
0xa5: {  	s26 =	simm.s32 $execute0_lowered;
	[smem:$0x3FD2] =	sst s25  }
0xa6: {  	s4 =	sshll.u32 s26, $0x1;
	_ =	strace $0x80000049;
	[dreg:$0x1] =	wrdreg $0xFFFFFFFF  }
0xa7: {  	s28 =	simm.s32 $_size_execute0_lowered;
	s2 =	sadd.s32 s2, s4;
	[dreg:$0x0] =	wrdreg $0x0  }
0xa8: {  	s4 =	sshll.u32 s28, $0x1;
	[dreg:$0x2] =	wrdreg s2  }
0xa9: {  	[dreg:$0x3] =	wrdreg s4  }
0xaa: {  	[dreg:$0x4] =	wrdreg $0xC0  }
0xab: {  	_ =	task [dreg:s6], $0x5FFFF  }
0xac: {  	[dreg:$0x1] =	wrdreg $0xFFFFFFFF  }
0xad: {  	[dreg:$0x0] =	wrdreg $0x60  }
0xae: {  	[dreg:$0x2] =	wrdreg s24  }
0xaf: {  	[dreg:$0x3] =	wrdreg $0x9  }
0xb0: {  	_ =	task.clear_ibuf [dreg:s6], $0x4FFFF;
	_ =	strace $0x90000049  }
0xb1: {  	s29 =	simm.s32 $0x9;
	_ =	strace $0x8000004B  }
0xb2: {  	_ =	swait.ge [sflag:s29], $0x1  }
0xb3: {  	[sflag:s29] =	ssyncadd.s32 $0xFFFFFFFF  }
0xb4: {  	_ =	strace $0x9000004B  }
0xb5: {  	_ =	sfence  }
0xb6: {  	s30 =	sld [smem:$0x0];
	_ =	sdelay $0x2  }
0xb7: {  	s31 =	sshll.u32 s1, $0xD;
	s1 =	sshrl.u32 s1, $0x2  }
0xb8: {  	s3 =	sand.u32 $0x4000, s31;
	s1 =	sadd.s32 s1, s30  }
0xb9: {  	s0 =	sor.u32 s3, s0;
	s1 =	sshll.u32 s1, $0x11  }
0xba: {  	s0 =	sor.u32 s1, s0  }
0xbb: {  	s0 =	sadd.s32 $0x8F2B, s0  }
0xbc: {  	[sflag:s0] =	ssyncadd.remote.s32 $0x1  }
0xbd: {  	_ =	sfence.sel $0xFFFF  }
0xbe: {  	[dreg:$0x0] =	wrdreg $0xFFFFFFFF;
	(pc) =	sbr.abs _section_cstart, $3  }
0xbf: {  	[dreg:$0x1] =	wrdreg $0xFFFFFFFF  }
0xc0: {  	_ =	task.clear_ibuf [dreg:s6], $0x2FFFF;
	_ =	strace $0x9FFFFFFF  }
0xc1: {  	(tm) =	ssettm $0x7FFFFFFF  }
tec
execute0_lowered:
.L_overlay_start_1:
0x0: {  	(tag) =	ssettag $0x1  }
0x1: {  	s0 =	srdreg.scid  }
0x2: {  	s1 =	stileid.u32;
	s6 =	rddreg [dreg:$0x0]  }
0x3: {  	s2 =	simm.s32 $0x0;
	s17 =	simm.s32 $0x1;
	s19 =	simm.s32 $0x2  }
0x4: {  	s20 =	simm.s32 $0x4;
	s31 =	simm.s32 $0x3;
	s9 =	simm.s32 $0x11400  }
0x5: {  	s10 =	simm.s32 $0x11C00;
	s11 =	simm.s32 $0x12400;
	s12 =	simm.s32 $0x12C00  }
0x6: {  	s13 =	simm.s32 $0x13400;
	s14 =	simm.s32 $0x13C00;
	s15 =	simm.s32 $0x14400  }
0x7: {  	s16 =	simm.s32 $0x14C00;
	s0 =	sand.u32 $0x1, s0;
	s1 =	sshll.u32 s1, $0x1  }
0x8: {  	s18 =	simm.s32 $0x15400;
	s21 =	simm.s32 $0x15C00;
	s1 =	sor.u32 s0, s1  }
0x9: {  	s28 =	simm.s32 $0x16C00;
	s29 =	simm.s32 $0x17400;
	s3 =	sshll.u32 s1, $0x7  }
0xa: {  	s30 =	simm.s32 $0x17C00;
	s1 =	sshll.u32 s1, $0xF;
	s3 =	sadd.s32 s3, s6  }
0xb: {  	[smem:$0x7FF] =	sst s2;
	s1 =	sadd.s32 s1, s6;
	s3 =	sadd.s32 $0x11400, s3  }
0xc: {  	_ =	strace $0x8000004A;
	s4 =	sadd.s32 $0x12400, s1;
	[dreg:$0x2] =	wrdreg s3  }
0xd: {  	s0 =	ssub.s32 $0x2, s0;
	s22 =	sadd.s32 $0x13400, s1;
	[dreg:$0x3] =	wrdreg s4  }
0xe: {  	s5 =	sshrl.u32 s0, $0x1;
	s23 =	sadd.s32 $0x14400, s1;
	[dreg:$0x4] =	wrdreg s22  }
0xf: {  	s0 =	ssub.s32 s0, s5;
	s24 =	sadd.s32 $0x15400, s1;
	[dreg:$0x5] =	wrdreg s23  }
0x10: {  	s5 =	sadd.s32 $0x192600, s6;
	s25 =	sadd.s32 $0x16400, s1;
	[dreg:$0x6] =	wrdreg s24  }
0x11: {  	s7 =	sadd.s32 $0x17400, s1;
	s26 =	sadd.s32 $0x18400, s1;
	[dreg:$0x7] =	wrdreg s25  }
0x12: {  	s1 =	sadd.s32 $0x19400, s1;
	s3 =	sadd.s32 $0x192400, s6;
	[dreg:$0x8] =	wrdreg s7  }
0x13: {  	v2 =	vlaneseq.u32;
	s4 =	sadd.s32 $0x192500, s6;
	s6 =	sadd.s32 $0x192700, s6;
	[dreg:$0x9] =	wrdreg s26  }
0x14: {  	vm0 =	vmmov $0xffff;
	v1 =	vshrl.u32 v2, $0x3;
	[dreg:$0xa] =	wrdreg s1;
	s7 =	smax.u32 s0, $0x1;
	s22 =	simm.s32 $0x5  }
0x15: {  	v0 =	vand.u32 $0x7, v2;
	v2 =	vor.u32 $0x8, v2;
	v1 =	vmul.u32 $0x8, v1;
	s23 =	simm.s32 $0x6;
	s25 =	simm.s32 $0x400;
	s26 =	simm.s32 $0x16400  }
.LBB2_1:
0x16: {  	s24 =	rddreg [dreg:$0x2];
	s8 =	simm.s32 $0x7  }
0x17: {  	[tilespmem:s2], [sflag:$0x7] =	stream.linear.gather [hbm4b:s24+s2], $0x400, $0x38;
	[tilespmem:$0x18400] =	vst v63  }
0x18: {  	_ =	swait.ge [sflag:s8], $0x400  }
0x19: {  	[sflag:s8] =	ssyncset.done $0x0  }
0x1a: {  	[sflag:s8] =	ssyncadd.s32 $0xFFFFFC00  }
0x1b: {  	v3 =	vld [tilespmem:$0x0];
	_ =	sdelay $0x4  }
0x1c: {  	v4 =	vshll.u32 v3, $0x3  }
0x1d: {  	v3 =	vand.u32 $0x7, v3;
	v4 =	vand.u32 $0xFFFFFFC0, v4  }
0x1e: {  	v3 =	vor.u32 v3, v4  }
0x1f: {  	v4 =	vperm.xlane v3, v0;
	_ =	sdelay $0x1  }
0x20: {  	v4 =	vadd.s32 v1, v4;
	_ =	sdelay $0x4  }
0x21: {  	[tilespmem:s25], [sflag:$0x1] =	stream.indirect_vreg.gather [hbm4b:s3+s2], $0x80, v4, vm0, $0xb8;
	[tilespmem:$0x18400] =	vst v63  }
0x22: {  	s0 =	simm.s32 $0xC00;
	v3 =	vperm.xlane v3, v2  }
0x23: {  	[tilespmem:s0], [sflag:$0x1] =	stream.indirect_vreg.gather [hbm4b:s4+s2], $0x80, v4, vm0, $0xb8;
	[tilespmem:$0x18400] =	vst v63  }
0x24: {  	s24 =	simm.s32 $0x1400;
	v3 =	vadd.s32 v1, v3  }
0x25: {  	[tilespmem:s24], [sflag:$0x1] =	stream.indirect_vreg.gather [hbm4b:s5+s2], $0x80, v4, vm0, $0xb8;
	[tilespmem:$0x18400] =	vst v63  }
0x26: {  	s1 =	simm.s32 $0x1C00  }
0x27: {  	[tilespmem:s1], [sflag:$0x1] =	stream.indirect_vreg.gather [hbm4b:s6+s2], $0x80, v4, vm0, $0xb8;
	[tilespmem:$0x18400] =	vst v63  }
0x28: {  	s8 =	simm.s32 $0x2400  }
0x29: {  	[tilespmem:s8], [sflag:$0x1] =	stream.indirect_vreg.gather [hbm4b:s3+s2], $0x80, v3, vm0, $0xb8;
	[tilespmem:$0x18400] =	vst v63  }
0x2a: {  	s24 =	simm.s32 $0x2C00  }
0x2b: {  	[tilespmem:s24], [sflag:$0x1] =	stream.indirect_vreg.gather [hbm4b:s4+s2], $0x80, v3, vm0, $0xb8;
	[tilespmem:$0x18400] =	vst v63  }
0x2c: {  	s1 =	simm.s32 $0x3400  }
0x2d: {  	[tilespmem:s1], [sflag:$0x1] =	stream.indirect_vreg.gather [hbm4b:s5+s2], $0x80, v3, vm0, $0xb8;
	[tilespmem:$0x18400] =	vst v63  }
0x2e: {  	s8 =	simm.s32 $0x3C00  }
0x2f: {  	[tilespmem:s8], [sflag:$0x1] =	stream.indirect_vreg.gather [hbm4b:s6+s2], $0x80, v3, vm0, $0xb8;
	[tilespmem:$0x18400] =	vst v63  }
0x30: {  	v3 =	vld [tilespmem:$0x10];
	_ =	sdelay $0x4  }
0x31: {  	v49 =	vshll.u32 v3, $0x3  }
0x32: {  	v3 =	vand.u32 $0x7, v3;
	v4 =	vand.u32 $0xFFFFFFC0, v49  }
0x33: {  	v3 =	vor.u32 v3, v4  }
0x34: {  	v4 =	vperm.xlane v3, v0;
	_ =	sdelay $0x1  }
0x35: {  	v4 =	vadd.s32 v1, v4;
	_ =	sdelay $0x3  }
0x36: {  	s24 =	simm.s32 $0x4400  }
0x37: {  	[tilespmem:s24], [sflag:$0x1] =	stream.indirect_vreg.gather [hbm4b:s3+s2], $0x80, v4, vm0, $0xb8;
	[tilespmem:$0x18400] =	vst v63  }
0x38: {  	s1 =	simm.s32 $0x4C00;
	v3 =	vperm.xlane v3, v2  }
0x39: {  	[tilespmem:s1], [sflag:$0x1] =	stream.indirect_vreg.gather [hbm4b:s4+s2], $0x80, v4, vm0, $0xb8;
	[tilespmem:$0x18400] =	vst v63  }
0x3a: {  	s8 =	simm.s32 $0x5400;
	v3 =	vadd.s32 v1, v3  }
0x3b: {  	[tilespmem:s8], [sflag:$0x1] =	stream.indirect_vreg.gather [hbm4b:s5+s2], $0x80, v4, vm0, $0xb8;
	[tilespmem:$0x18400] =	vst v63  }
0x3c: {  	s24 =	simm.s32 $0x5C00  }
0x3d: {  	[tilespmem:s24], [sflag:$0x1] =	stream.indirect_vreg.gather [hbm4b:s6+s2], $0x80, v4, vm0, $0xb8;
	[tilespmem:$0x18400] =	vst v63  }
0x3e: {  	s1 =	simm.s32 $0x6400  }
0x3f: {  	[tilespmem:s1], [sflag:$0x1] =	stream.indirect_vreg.gather [hbm4b:s3+s2], $0x80, v3, vm0, $0xb8;
	[tilespmem:$0x18400] =	vst v63  }
0x40: {  	s8 =	simm.s32 $0x6C00  }
0x41: {  	[tilespmem:s8], [sflag:$0x1] =	stream.indirect_vreg.gather [hbm4b:s4+s2], $0x80, v3, vm0, $0xb8;
	[tilespmem:$0x18400] =	vst v63  }
0x42: {  	s24 =	simm.s32 $0x7400  }
0x43: {  	[tilespmem:s24], [sflag:$0x1] =	stream.indirect_vreg.gather [hbm4b:s5+s2], $0x80, v3, vm0, $0xb8;
	[tilespmem:$0x18400] =	vst v63  }
0x44: {  	s1 =	simm.s32 $0x7C00  }
0x45: {  	[tilespmem:s1], [sflag:$0x1] =	stream.indirect_vreg.gather [hbm4b:s6+s2], $0x80, v3, vm0, $0xb8;
	[tilespmem:$0x18400] =	vst v63  }
0x46: {  	v3 =	vld [tilespmem:$0x80];
	_ =	sdelay $0x4  }
0x47: {  	v50 =	vshll.u32 v3, $0x3  }
0x48: {  	v3 =	vand.u32 $0x7, v3;
	v4 =	vand.u32 $0xFFFFFFC0, v50  }
0x49: {  	v3 =	vor.u32 v3, v4  }
0x4a: {  	v4 =	vperm.xlane v3, v0;
	_ =	sdelay $0x1  }
0x4b: {  	v4 =	vadd.s32 v1, v4;
	_ =	sdelay $0x3  }
0x4c: {  	s0 =	simm.s32 $0x8400  }
0x4d: {  	[tilespmem:s0], [sflag:$0x2] =	stream.indirect_vreg.gather [hbm4b:s3+s2], $0x80, v4, vm0, $0xb8;
	[tilespmem:$0x18400] =	vst v63  }
0x4e: {  	s1 =	simm.s32 $0x8C00;
	v3 =	vperm.xlane v3, v2  }
0x4f: {  	[tilespmem:s1], [sflag:$0x2] =	stream.indirect_vreg.gather [hbm4b:s4+s2], $0x80, v4, vm0, $0xb8;
	[tilespmem:$0x18400] =	vst v63  }
0x50: {  	s8 =	simm.s32 $0x9400;
	v3 =	vadd.s32 v1, v3  }
0x51: {  	[tilespmem:s8], [sflag:$0x2] =	stream.indirect_vreg.gather [hbm4b:s5+s2], $0x80, v4, vm0, $0xb8;
	[tilespmem:$0x18400] =	vst v63  }
0x52: {  	s24 =	simm.s32 $0x9C00  }
0x53: {  	[tilespmem:s24], [sflag:$0x2] =	stream.indirect_vreg.gather [hbm4b:s6+s2], $0x80, v4, vm0, $0xb8;
	[tilespmem:$0x18400] =	vst v63  }
0x54: {  	s8 =	simm.s32 $0xA400  }
0x55: {  	[tilespmem:s8], [sflag:$0x2] =	stream.indirect_vreg.gather [hbm4b:s3+s2], $0x80, v3, vm0, $0xb8;
	[tilespmem:$0x18400] =	vst v63  }
0x56: {  	s24 =	simm.s32 $0xAC00  }
0x57: {  	[tilespmem:s24], [sflag:$0x2] =	stream.indirect_vreg.gather [hbm4b:s4+s2], $0x80, v3, vm0, $0xb8;
	[tilespmem:$0x18400] =	vst v63  }
0x58: {  	s8 =	simm.s32 $0xB400  }
0x59: {  	[tilespmem:s8], [sflag:$0x2] =	stream.indirect_vreg.gather [hbm4b:s5+s2], $0x80, v3, vm0, $0xb8;
	[tilespmem:$0x18400] =	vst v63  }
0x5a: {  	s24 =	simm.s32 $0xBC00  }
0x5b: {  	[tilespmem:s24], [sflag:$0x2] =	stream.indirect_vreg.gather [hbm4b:s6+s2], $0x80, v3, vm0, $0xb8;
	[tilespmem:$0x18400] =	vst v63  }
0x5c: {  	v3 =	vld [tilespmem:$0x90];
	_ =	sdelay $0x4  }
0x5d: {  	v51 =	vshll.u32 v3, $0x3  }
0x5e: {  	v3 =	vand.u32 $0x7, v3;
	v4 =	vand.u32 $0xFFFFFFC0, v51  }
0x5f: {  	v3 =	vor.u32 v3, v4  }
0x60: {  	v4 =	vperm.xlane v3, v0;
	_ =	sdelay $0x1  }
0x61: {  	v4 =	vadd.s32 v1, v4;
	_ =	sdelay $0x3  }
0x62: {  	s8 =	simm.s32 $0xC400  }
0x63: {  	[tilespmem:s8], [sflag:$0x2] =	stream.indirect_vreg.gather [hbm4b:s3+s2], $0x80, v4, vm0, $0xb8;
	[tilespmem:$0x18400] =	vst v63  }
0x64: {  	s24 =	simm.s32 $0xCC00;
	v3 =	vperm.xlane v3, v2  }
0x65: {  	[tilespmem:s24], [sflag:$0x2] =	stream.indirect_vreg.gather [hbm4b:s4+s2], $0x80, v4, vm0, $0xb8;
	[tilespmem:$0x18400] =	vst v63  }
0x66: {  	v3 =	vadd.s32 v1, v3;
	s8 =	simm.s32 $0xD400  }
0x67: {  	[tilespmem:s8], [sflag:$0x2] =	stream.indirect_vreg.gather [hbm4b:s5+s2], $0x80, v4, vm0, $0xb8;
	[tilespmem:$0x18400] =	vst v63  }
0x68: {  	s24 =	simm.s32 $0xDC00  }
0x69: {  	[tilespmem:s24], [sflag:$0x2] =	stream.indirect_vreg.gather [hbm4b:s6+s2], $0x80, v4, vm0, $0xb8;
	[tilespmem:$0x18400] =	vst v63  }
0x6a: {  	s8 =	simm.s32 $0xE400  }
0x6b: {  	[tilespmem:s8], [sflag:$0x2] =	stream.indirect_vreg.gather [hbm4b:s3+s2], $0x80, v3, vm0, $0xb8;
	[tilespmem:$0x18400] =	vst v63  }
0x6c: {  	s24 =	simm.s32 $0xEC00  }
0x6d: {  	[tilespmem:s24], [sflag:$0x2] =	stream.indirect_vreg.gather [hbm4b:s4+s2], $0x80, v3, vm0, $0xb8;
	[tilespmem:$0x18400] =	vst v63  }
0x6e: {  	s8 =	simm.s32 $0xF400  }
0x6f: {  	[tilespmem:s8], [sflag:$0x2] =	stream.indirect_vreg.gather [hbm4b:s5+s2], $0x80, v3, vm0, $0xb8;
	[tilespmem:$0x18400] =	vst v63  }
0x70: {  	s24 =	simm.s32 $0xFC00  }
0x71: {  	[tilespmem:s24], [sflag:$0x2] =	stream.indirect_vreg.gather [hbm4b:s6+s2], $0x80, v3, vm0, $0xb8;
	[tilespmem:$0x18400] =	vst v63  }
0x72: {  	_ =	swait.ge [sflag:s17], $0x8000  }
0x73: {  	[sflag:s17] =	ssyncset.done $0x0  }
0x74: {  	s1 =	rddreg [dreg:$0x3];
	[sflag:s17] =	ssyncadd.s32 $0xFFFF8000  }
0x75: {  	[hbm4b:s1+s2] =	stream.linear.scatter [tilespmem:s25], [sflag:$0x4], $0x8000, $0x38;
	[tilespmem:$0x18400] =	vst v63  }
0x76: {  	v3 =	vld [tilespmem:$0x100];
	_ =	sdelay $0x4  }
0x77: {  	v52 =	vshll.u32 v3, $0x3  }
0x78: {  	v3 =	vand.u32 $0x7, v3;
	v4 =	vand.u32 $0xFFFFFFC0, v52  }
0x79: {  	v3 =	vor.u32 v3, v4  }
0x7a: {  	v4 =	vperm.xlane v3, v0;
	_ =	sdelay $0x1  }
0x7b: {  	v4 =	vadd.s32 v1, v4;
	_ =	sdelay $0x3  }
0x7c: {  	s1 =	simm.s32 $0x10400  }
0x7d: {  	[tilespmem:s1], [sflag:$0x3] =	stream.indirect_vreg.gather [hbm4b:s3+s2], $0x80, v4, vm0, $0xb8;
	[tilespmem:$0x18400] =	vst v63  }
0x7e: {  	s8 =	simm.s32 $0x10C00;
	v3 =	vperm.xlane v3, v2  }
0x7f: {  	[tilespmem:s8], [sflag:$0x3] =	stream.indirect_vreg.gather [hbm4b:s4+s2], $0x80, v4, vm0, $0xb8;
	[tilespmem:$0x18400] =	vst v63  }
0x80: {  	v3 =	vadd.s32 v1, v3  }
0x81: {  	[tilespmem:s9], [sflag:$0x3] =	stream.indirect_vreg.gather [hbm4b:s5+s2], $0x80, v4, vm0, $0xb8;
	[tilespmem:$0x18400] =	vst v63  }
0x82: {  	_ = 	snop  }
0x83: {  	[tilespmem:s10], [sflag:$0x3] =	stream.indirect_vreg.gather [hbm4b:s6+s2], $0x80, v4, vm0, $0xb8;
	[tilespmem:$0x18400] =	vst v63  }
0x84: {  	_ = 	snop  }
0x85: {  	[tilespmem:s11], [sflag:$0x3] =	stream.indirect_vreg.gather [hbm4b:s3+s2], $0x80, v3, vm0, $0xb8;
	[tilespmem:$0x18400] =	vst v63  }
0x86: {  	_ = 	snop  }
0x87: {  	[tilespmem:s12], [sflag:$0x3] =	stream.indirect_vreg.gather [hbm4b:s4+s2], $0x80, v3, vm0, $0xb8;
	[tilespmem:$0x18400] =	vst v63  }
0x88: {  	_ = 	snop  }
0x89: {  	[tilespmem:s13], [sflag:$0x3] =	stream.indirect_vreg.gather [hbm4b:s5+s2], $0x80, v3, vm0, $0xb8;
	[tilespmem:$0x18400] =	vst v63  }
0x8a: {  	_ = 	snop  }
0x8b: {  	[tilespmem:s14], [sflag:$0x3] =	stream.indirect_vreg.gather [hbm4b:s6+s2], $0x80, v3, vm0, $0xb8;
	[tilespmem:$0x18400] =	vst v63  }
0x8c: {  	v3 =	vld [tilespmem:$0x110];
	_ =	sdelay $0x4  }
0x8d: {  	v53 =	vshll.u32 v3, $0x3  }
0x8e: {  	v3 =	vand.u32 $0x7, v3;
	v4 =	vand.u32 $0xFFFFFFC0, v53  }
0x8f: {  	v3 =	vor.u32 v3, v4  }
0x90: {  	v4 =	vperm.xlane v3, v0;
	_ =	sdelay $0x1  }
0x91: {  	v4 =	vadd.s32 v1, v4;
	_ =	sdelay $0x4  }
0x92: {  	[tilespmem:s15], [sflag:$0x3] =	stream.indirect_vreg.gather [hbm4b:s3+s2], $0x80, v4, vm0, $0xb8;
	[tilespmem:$0x18400] =	vst v63  }
0x93: {  	v3 =	vperm.xlane v3, v2  }
0x94: {  	[tilespmem:s16], [sflag:$0x3] =	stream.indirect_vreg.gather [hbm4b:s4+s2], $0x80, v4, vm0, $0xb8;
	[tilespmem:$0x18400] =	vst v63  }
0x95: {  	v3 =	vadd.s32 v1, v3  }
0x96: {  	[tilespmem:s18], [sflag:$0x3] =	stream.indirect_vreg.gather [hbm4b:s5+s2], $0x80, v4, vm0, $0xb8;
	[tilespmem:$0x18400] =	vst v63  }
0x97: {  	_ = 	snop  }
0x98: {  	[tilespmem:s21], [sflag:$0x3] =	stream.indirect_vreg.gather [hbm4b:s6+s2], $0x80, v4, vm0, $0xb8;
	[tilespmem:$0x18400] =	vst v63  }
0x99: {  	_ = 	snop  }
0x9a: {  	[tilespmem:s26], [sflag:$0x3] =	stream.indirect_vreg.gather [hbm4b:s3+s2], $0x80, v3, vm0, $0xb8;
	[tilespmem:$0x18400] =	vst v63  }
0x9b: {  	_ = 	snop  }
0x9c: {  	[tilespmem:s28], [sflag:$0x3] =	stream.indirect_vreg.gather [hbm4b:s4+s2], $0x80, v3, vm0, $0xb8;
	[tilespmem:$0x18400] =	vst v63  }
0x9d: {  	_ = 	snop  }
0x9e: {  	[tilespmem:s29], [sflag:$0x3] =	stream.indirect_vreg.gather [hbm4b:s5+s2], $0x80, v3, vm0, $0xb8;
	[tilespmem:$0x18400] =	vst v63  }
0x9f: {  	_ = 	snop  }
0xa0: {  	[tilespmem:s30], [sflag:$0x3] =	stream.indirect_vreg.gather [hbm4b:s6+s2], $0x80, v3, vm0, $0xb8;
	[tilespmem:$0x18400] =	vst v63  }
0xa1: {  	_ =	swait.ge [sflag:s19], $0x8000  }
0xa2: {  	[sflag:s19] =	ssyncset.done $0x0  }
0xa3: {  	s24 =	rddreg [dreg:$0x4];
	[sflag:s19] =	ssyncadd.s32 $0xFFFF8000  }
0xa4: {  	[hbm4b:s24+s2] =	stream.linear.scatter [tilespmem:s0], [sflag:$0x5], $0x8000, $0x38;
	[tilespmem:$0x18400] =	vst v63  }
0xa5: {  	_ =	swait.ge [sflag:s20], $0x8000  }
0xa6: {  	[sflag:s20] =	ssyncset.done $0x0  }
0xa7: {  	[sflag:s20] =	ssyncadd.s32 $0xFFFF8000  }
0xa8: {  	v3 =	vld [tilespmem:$0x180];
	_ =	sdelay $0x4  }
0xa9: {  	v54 =	vshll.u32 v3, $0x3  }
0xaa: {  	v3 =	vand.u32 $0x7, v3;
	v4 =	vand.u32 $0xFFFFFFC0, v54  }
0xab: {  	v3 =	vor.u32 v3, v4  }
0xac: {  	v4 =	vperm.xlane v3, v0;
	_ =	sdelay $0x1  }
0xad: {  	v4 =	vadd.s32 v1, v4;
	_ =	sdelay $0x4  }
0xae: {  	[tilespmem:s25], [sflag:$0x1] =	stream.indirect_vreg.gather [hbm4b:s3+s2], $0x80, v4, vm0, $0xb8;
	[tilespmem:$0x18400] =	vst v63  }
0xaf: {  	s24 =	simm.s32 $0xC00;
	v3 =	vperm.xlane v3, v2  }
0xb0: {  	[tilespmem:s24], [sflag:$0x1] =	stream.indirect_vreg.gather [hbm4b:s4+s2], $0x80, v4, vm0, $0xb8;
	[tilespmem:$0x18400] =	vst v63  }
0xb1: {  	v3 =	vadd.s32 v1, v3;
	s24 =	simm.s32 $0x1400  }
0xb2: {  	[tilespmem:s24], [sflag:$0x1] =	stream.indirect_vreg.gather [hbm4b:s5+s2], $0x80, v4, vm0, $0xb8;
	[tilespmem:$0x18400] =	vst v63  }
0xb3: {  	s24 =	simm.s32 $0x1C00  }
0xb4: {  	[tilespmem:s24], [sflag:$0x1] =	stream.indirect_vreg.gather [hbm4b:s6+s2], $0x80, v4, vm0, $0xb8;
	[tilespmem:$0x18400] =	vst v63  }
0xb5: {  	s24 =	simm.s32 $0x2400  }
0xb6: {  	[tilespmem:s24], [sflag:$0x1] =	stream.indirect_vreg.gather [hbm4b:s3+s2], $0x80, v3, vm0, $0xb8;
	[tilespmem:$0x18400] =	vst v63  }
0xb7: {  	s24 =	simm.s32 $0x2C00  }
0xb8: {  	[tilespmem:s24], [sflag:$0x1] =	stream.indirect_vreg.gather [hbm4b:s4+s2], $0x80, v3, vm0, $0xb8;
	[tilespmem:$0x18400] =	vst v63  }
0xb9: {  	s24 =	simm.s32 $0x3400  }
0xba: {  	[tilespmem:s24], [sflag:$0x1] =	stream.indirect_vreg.gather [hbm4b:s5+s2], $0x80, v3, vm0, $0xb8;
	[tilespmem:$0x18400] =	vst v63  }
0xbb: {  	s24 =	simm.s32 $0x3C00  }
0xbc: {  	[tilespmem:s24], [sflag:$0x1] =	stream.indirect_vreg.gather [hbm4b:s6+s2], $0x80, v3, vm0, $0xb8;
	[tilespmem:$0x18400] =	vst v63  }
0xbd: {  	v3 =	vld [tilespmem:$0x190];
	_ =	sdelay $0x4  }
0xbe: {  	v55 =	vshll.u32 v3, $0x3  }
0xbf: {  	v3 =	vand.u32 $0x7, v3;
	v4 =	vand.u32 $0xFFFFFFC0, v55  }
0xc0: {  	v3 =	vor.u32 v3, v4  }
0xc1: {  	v4 =	vperm.xlane v3, v0;
	_ =	sdelay $0x1  }
0xc2: {  	v4 =	vadd.s32 v1, v4;
	_ =	sdelay $0x3  }
0xc3: {  	s24 =	simm.s32 $0x4400  }
0xc4: {  	[tilespmem:s24], [sflag:$0x1] =	stream.indirect_vreg.gather [hbm4b:s3+s2], $0x80, v4, vm0, $0xb8;
	[tilespmem:$0x18400] =	vst v63  }
0xc5: {  	v3 =	vperm.xlane v3, v2;
	s24 =	simm.s32 $0x4C00  }
0xc6: {  	[tilespmem:s24], [sflag:$0x1] =	stream.indirect_vreg.gather [hbm4b:s4+s2], $0x80, v4, vm0, $0xb8;
	[tilespmem:$0x18400] =	vst v63  }
0xc7: {  	v3 =	vadd.s32 v1, v3;
	s24 =	simm.s32 $0x5400  }
0xc8: {  	[tilespmem:s24], [sflag:$0x1] =	stream.indirect_vreg.gather [hbm4b:s5+s2], $0x80, v4, vm0, $0xb8;
	[tilespmem:$0x18400] =	vst v63  }
0xc9: {  	s24 =	simm.s32 $0x5C00  }
0xca: {  	[tilespmem:s24], [sflag:$0x1] =	stream.indirect_vreg.gather [hbm4b:s6+s2], $0x80, v4, vm0, $0xb8;
	[tilespmem:$0x18400] =	vst v63  }
0xcb: {  	s24 =	simm.s32 $0x6400  }
0xcc: {  	[tilespmem:s24], [sflag:$0x1] =	stream.indirect_vreg.gather [hbm4b:s3+s2], $0x80, v3, vm0, $0xb8;
	[tilespmem:$0x18400] =	vst v63  }
0xcd: {  	s24 =	simm.s32 $0x6C00  }
0xce: {  	[tilespmem:s24], [sflag:$0x1] =	stream.indirect_vreg.gather [hbm4b:s4+s2], $0x80, v3, vm0, $0xb8;
	[tilespmem:$0x18400] =	vst v63  }
0xcf: {  	s24 =	simm.s32 $0x7400  }
0xd0: {  	[tilespmem:s24], [sflag:$0x1] =	stream.indirect_vreg.gather [hbm4b:s5+s2], $0x80, v3, vm0, $0xb8;
	[tilespmem:$0x18400] =	vst v63  }
0xd1: {  	s24 =	simm.s32 $0x7C00  }
0xd2: {  	[tilespmem:s24], [sflag:$0x1] =	stream.indirect_vreg.gather [hbm4b:s6+s2], $0x80, v3, vm0, $0xb8;
	[tilespmem:$0x18400] =	vst v63  }
0xd3: {  	_ =	swait.ge [sflag:s31], $0x8000  }
0xd4: {  	[sflag:s31] =	ssyncset.done $0x0  }
0xd5: {  	s24 =	rddreg [dreg:$0x5];
	[sflag:s31] =	ssyncadd.s32 $0xFFFF8000  }
0xd6: {  	[hbm4b:s24+s2] =	stream.linear.scatter [tilespmem:s1], [sflag:$0x6], $0x8000, $0x38;
	[tilespmem:$0x18400] =	vst v63  }
0xd7: {  	_ =	swait.ge [sflag:s22], $0x8000  }
0xd8: {  	[sflag:s22] =	ssyncset.done $0x0  }
0xd9: {  	[sflag:s22] =	ssyncadd.s32 $0xFFFF8000  }
0xda: {  	v3 =	vld [tilespmem:$0x200];
	_ =	sdelay $0x4  }
0xdb: {  	v56 =	vshll.u32 v3, $0x3  }
0xdc: {  	v3 =	vand.u32 $0x7, v3;
	v4 =	vand.u32 $0xFFFFFFC0, v56  }
0xdd: {  	v3 =	vor.u32 v3, v4  }
0xde: {  	v4 =	vperm.xlane v3, v0;
	_ =	sdelay $0x1  }
0xdf: {  	v4 =	vadd.s32 v1, v4;
	_ =	sdelay $0x4  }
0xe0: {  	[tilespmem:s0], [sflag:$0x2] =	stream.indirect_vreg.gather [hbm4b:s3+s2], $0x80, v4, vm0, $0xb8;
	[tilespmem:$0x18400] =	vst v63  }
0xe1: {  	s24 =	simm.s32 $0x8C00;
	v3 =	vperm.xlane v3, v2  }
0xe2: {  	[tilespmem:s24], [sflag:$0x2] =	stream.indirect_vreg.gather [hbm4b:s4+s2], $0x80, v4, vm0, $0xb8;
	[tilespmem:$0x18400] =	vst v63  }
0xe3: {  	v3 =	vadd.s32 v1, v3;
	s24 =	simm.s32 $0x9400  }
0xe4: {  	[tilespmem:s24], [sflag:$0x2] =	stream.indirect_vreg.gather [hbm4b:s5+s2], $0x80, v4, vm0, $0xb8;
	[tilespmem:$0x18400] =	vst v63  }
0xe5: {  	s24 =	simm.s32 $0x9C00  }
0xe6: {  	[tilespmem:s24], [sflag:$0x2] =	stream.indirect_vreg.gather [hbm4b:s6+s2], $0x80, v4, vm0, $0xb8;
	[tilespmem:$0x18400] =	vst v63  }
0xe7: {  	s24 =	simm.s32 $0xA400  }
0xe8: {  	[tilespmem:s24], [sflag:$0x2] =	stream.indirect_vreg.gather [hbm4b:s3+s2], $0x80, v3, vm0, $0xb8;
	[tilespmem:$0x18400] =	vst v63  }
0xe9: {  	s24 =	simm.s32 $0xAC00  }
0xea: {  	[tilespmem:s24], [sflag:$0x2] =	stream.indirect_vreg.gather [hbm4b:s4+s2], $0x80, v3, vm0, $0xb8;
	[tilespmem:$0x18400] =	vst v63  }
0xeb: {  	s24 =	simm.s32 $0xB400  }
0xec: {  	[tilespmem:s24], [sflag:$0x2] =	stream.indirect_vreg.gather [hbm4b:s5+s2], $0x80, v3, vm0, $0xb8;
	[tilespmem:$0x18400] =	vst v63  }
0xed: {  	s24 =	simm.s32 $0xBC00  }
0xee: {  	[tilespmem:s24], [sflag:$0x2] =	stream.indirect_vreg.gather [hbm4b:s6+s2], $0x80, v3, vm0, $0xb8;
	[tilespmem:$0x18400] =	vst v63  }
0xef: {  	v3 =	vld [tilespmem:$0x210];
	_ =	sdelay $0x4  }
0xf0: {  	v57 =	vshll.u32 v3, $0x3  }
0xf1: {  	v3 =	vand.u32 $0x7, v3;
	v4 =	vand.u32 $0xFFFFFFC0, v57  }
0xf2: {  	v3 =	vor.u32 v3, v4  }
0xf3: {  	v4 =	vperm.xlane v3, v0;
	_ =	sdelay $0x1  }
0xf4: {  	v4 =	vadd.s32 v1, v4;
	_ =	sdelay $0x3  }
0xf5: {  	s24 =	simm.s32 $0xC400  }
0xf6: {  	[tilespmem:s24], [sflag:$0x2] =	stream.indirect_vreg.gather [hbm4b:s3+s2], $0x80, v4, vm0, $0xb8;
	[tilespmem:$0x18400] =	vst v63  }
0xf7: {  	v3 =	vperm.xlane v3, v2;
	s24 =	simm.s32 $0xCC00  }
0xf8: {  	[tilespmem:s24], [sflag:$0x2] =	stream.indirect_vreg.gather [hbm4b:s4+s2], $0x80, v4, vm0, $0xb8;
	[tilespmem:$0x18400] =	vst v63  }
0xf9: {  	v3 =	vadd.s32 v1, v3;
	s24 =	simm.s32 $0xD400  }
0xfa: {  	[tilespmem:s24], [sflag:$0x2] =	stream.indirect_vreg.gather [hbm4b:s5+s2], $0x80, v4, vm0, $0xb8;
	[tilespmem:$0x18400] =	vst v63  }
0xfb: {  	s24 =	simm.s32 $0xDC00  }
0xfc: {  	[tilespmem:s24], [sflag:$0x2] =	stream.indirect_vreg.gather [hbm4b:s6+s2], $0x80, v4, vm0, $0xb8;
	[tilespmem:$0x18400] =	vst v63  }
0xfd: {  	s24 =	simm.s32 $0xE400  }
0xfe: {  	[tilespmem:s24], [sflag:$0x2] =	stream.indirect_vreg.gather [hbm4b:s3+s2], $0x80, v3, vm0, $0xb8;
	[tilespmem:$0x18400] =	vst v63  }
0xff: {  	s24 =	simm.s32 $0xEC00  }
0x100: {  	[tilespmem:s24], [sflag:$0x2] =	stream.indirect_vreg.gather [hbm4b:s4+s2], $0x80, v3, vm0, $0xb8;
	[tilespmem:$0x18400] =	vst v63  }
0x101: {  	s24 =	simm.s32 $0xF400  }
0x102: {  	[tilespmem:s24], [sflag:$0x2] =	stream.indirect_vreg.gather [hbm4b:s5+s2], $0x80, v3, vm0, $0xb8;
	[tilespmem:$0x18400] =	vst v63  }
0x103: {  	s24 =	simm.s32 $0xFC00  }
0x104: {  	[tilespmem:s24], [sflag:$0x2] =	stream.indirect_vreg.gather [hbm4b:s6+s2], $0x80, v3, vm0, $0xb8;
	[tilespmem:$0x18400] =	vst v63  }
0x105: {  	_ =	swait.ge [sflag:s17], $0x8000  }
0x106: {  	[sflag:s17] =	ssyncset.done $0x0  }
0x107: {  	s24 =	rddreg [dreg:$0x6];
	[sflag:s17] =	ssyncadd.s32 $0xFFFF8000  }
0x108: {  	[hbm4b:s24+s2] =	stream.linear.scatter [tilespmem:s25], [sflag:$0x4], $0x8000, $0x38;
	[tilespmem:$0x18400] =	vst v63  }
0x109: {  	_ =	swait.ge [sflag:s23], $0x8000  }
0x10a: {  	[sflag:s23] =	ssyncset.done $0x0  }
0x10b: {  	[sflag:s23] =	ssyncadd.s32 $0xFFFF8000  }
0x10c: {  	v3 =	vld [tilespmem:$0x280];
	_ =	sdelay $0x4  }
0x10d: {  	v58 =	vshll.u32 v3, $0x3  }
0x10e: {  	v3 =	vand.u32 $0x7, v3;
	v4 =	vand.u32 $0xFFFFFFC0, v58  }
0x10f: {  	v3 =	vor.u32 v3, v4  }
0x110: {  	v4 =	vperm.xlane v3, v0;
	_ =	sdelay $0x1  }
0x111: {  	v4 =	vadd.s32 v1, v4;
	_ =	sdelay $0x4  }
0x112: {  	[tilespmem:s1], [sflag:$0x3] =	stream.indirect_vreg.gather [hbm4b:s3+s2], $0x80, v4, vm0, $0xb8;
	[tilespmem:$0x18400] =	vst v63  }
0x113: {  	v3 =	vperm.xlane v3, v2  }
0x114: {  	[tilespmem:s8], [sflag:$0x3] =	stream.indirect_vreg.gather [hbm4b:s4+s2], $0x80, v4, vm0, $0xb8;
	[tilespmem:$0x18400] =	vst v63  }
0x115: {  	v3 =	vadd.s32 v1, v3  }
0x116: {  	[tilespmem:s9], [sflag:$0x3] =	stream.indirect_vreg.gather [hbm4b:s5+s2], $0x80, v4, vm0, $0xb8;
	[tilespmem:$0x18400] =	vst v63  }
0x117: {  	_ = 	snop  }
0x118: {  	[tilespmem:s10], [sflag:$0x3] =	stream.indirect_vreg.gather [hbm4b:s6+s2], $0x80, v4, vm0, $0xb8;
	[tilespmem:$0x18400] =	vst v63  }
0x119: {  	_ = 	snop  }
0x11a: {  	[tilespmem:s11], [sflag:$0x3] =	stream.indirect_vreg.gather [hbm4b:s3+s2], $0x80, v3, vm0, $0xb8;
	[tilespmem:$0x18400] =	vst v63  }
0x11b: {  	_ = 	snop  }
0x11c: {  	[tilespmem:s12], [sflag:$0x3] =	stream.indirect_vreg.gather [hbm4b:s4+s2], $0x80, v3, vm0, $0xb8;
	[tilespmem:$0x18400] =	vst v63  }
0x11d: {  	_ = 	snop  }
0x11e: {  	[tilespmem:s13], [sflag:$0x3] =	stream.indirect_vreg.gather [hbm4b:s5+s2], $0x80, v3, vm0, $0xb8;
	[tilespmem:$0x18400] =	vst v63  }
0x11f: {  	_ = 	snop  }
0x120: {  	[tilespmem:s14], [sflag:$0x3] =	stream.indirect_vreg.gather [hbm4b:s6+s2], $0x80, v3, vm0, $0xb8;
	[tilespmem:$0x18400] =	vst v63  }
0x121: {  	v3 =	vld [tilespmem:$0x290];
	_ =	sdelay $0x4  }
0x122: {  	v59 =	vshll.u32 v3, $0x3  }
0x123: {  	v3 =	vand.u32 $0x7, v3;
	v4 =	vand.u32 $0xFFFFFFC0, v59  }
0x124: {  	v3 =	vor.u32 v3, v4  }
0x125: {  	v4 =	vperm.xlane v3, v0;
	_ =	sdelay $0x1  }
0x126: {  	v4 =	vadd.s32 v1, v4;
	_ =	sdelay $0x4  }
0x127: {  	[tilespmem:s15], [sflag:$0x3] =	stream.indirect_vreg.gather [hbm4b:s3+s2], $0x80, v4, vm0, $0xb8;
	[tilespmem:$0x18400] =	vst v63  }
0x128: {  	v3 =	vperm.xlane v3, v2  }
0x129: {  	[tilespmem:s16], [sflag:$0x3] =	stream.indirect_vreg.gather [hbm4b:s4+s2], $0x80, v4, vm0, $0xb8;
	[tilespmem:$0x18400] =	vst v63  }
0x12a: {  	v3 =	vadd.s32 v1, v3  }
0x12b: {  	[tilespmem:s18], [sflag:$0x3] =	stream.indirect_vreg.gather [hbm4b:s5+s2], $0x80, v4, vm0, $0xb8;
	[tilespmem:$0x18400] =	vst v63  }
0x12c: {  	_ = 	snop  }
0x12d: {  	[tilespmem:s21], [sflag:$0x3] =	stream.indirect_vreg.gather [hbm4b:s6+s2], $0x80, v4, vm0, $0xb8;
	[tilespmem:$0x18400] =	vst v63  }
0x12e: {  	_ = 	snop  }
0x12f: {  	[tilespmem:s26], [sflag:$0x3] =	stream.indirect_vreg.gather [hbm4b:s3+s2], $0x80, v3, vm0, $0xb8;
	[tilespmem:$0x18400] =	vst v63  }
0x130: {  	_ = 	snop  }
0x131: {  	[tilespmem:s28], [sflag:$0x3] =	stream.indirect_vreg.gather [hbm4b:s4+s2], $0x80, v3, vm0, $0xb8;
	[tilespmem:$0x18400] =	vst v63  }
0x132: {  	_ = 	snop  }
0x133: {  	[tilespmem:s29], [sflag:$0x3] =	stream.indirect_vreg.gather [hbm4b:s5+s2], $0x80, v3, vm0, $0xb8;
	[tilespmem:$0x18400] =	vst v63  }
0x134: {  	_ = 	snop  }
0x135: {  	[tilespmem:s30], [sflag:$0x3] =	stream.indirect_vreg.gather [hbm4b:s6+s2], $0x80, v3, vm0, $0xb8;
	[tilespmem:$0x18400] =	vst v63  }
0x136: {  	_ =	swait.ge [sflag:s19], $0x8000  }
0x137: {  	[sflag:s19] =	ssyncset.done $0x0  }
0x138: {  	s8 =	rddreg [dreg:$0x7];
	[sflag:s19] =	ssyncadd.s32 $0xFFFF8000  }
0x139: {  	[hbm4b:s8+s2] =	stream.linear.scatter [tilespmem:s0], [sflag:$0x5], $0x8000, $0x38;
	[tilespmem:$0x18400] =	vst v63  }
0x13a: {  	_ =	swait.ge [sflag:s20], $0x8000  }
0x13b: {  	[sflag:s20] =	ssyncset.done $0x0  }
0x13c: {  	[sflag:s20] =	ssyncadd.s32 $0xFFFF8000  }
0x13d: {  	v3 =	vld [tilespmem:$0x300];
	_ =	sdelay $0x4  }
0x13e: {  	v60 =	vshll.u32 v3, $0x3  }
0x13f: {  	v3 =	vand.u32 $0x7, v3;
	v4 =	vand.u32 $0xFFFFFFC0, v60  }
0x140: {  	v3 =	vor.u32 v3, v4  }
0x141: {  	v4 =	vperm.xlane v3, v0;
	_ =	sdelay $0x1  }
0x142: {  	v4 =	vadd.s32 v1, v4;
	_ =	sdelay $0x4  }
0x143: {  	[tilespmem:s25], [sflag:$0x1] =	stream.indirect_vreg.gather [hbm4b:s3+s2], $0x80, v4, vm0, $0xb8;
	[tilespmem:$0x18400] =	vst v63  }
0x144: {  	s24 =	simm.s32 $0xC00;
	v3 =	vperm.xlane v3, v2  }
0x145: {  	[tilespmem:s24], [sflag:$0x1] =	stream.indirect_vreg.gather [hbm4b:s4+s2], $0x80, v4, vm0, $0xb8;
	[tilespmem:$0x18400] =	vst v63  }
0x146: {  	v3 =	vadd.s32 v1, v3;
	s24 =	simm.s32 $0x1400  }
0x147: {  	[tilespmem:s24], [sflag:$0x1] =	stream.indirect_vreg.gather [hbm4b:s5+s2], $0x80, v4, vm0, $0xb8;
	[tilespmem:$0x18400] =	vst v63  }
0x148: {  	s24 =	simm.s32 $0x1C00  }
0x149: {  	[tilespmem:s24], [sflag:$0x1] =	stream.indirect_vreg.gather [hbm4b:s6+s2], $0x80, v4, vm0, $0xb8;
	[tilespmem:$0x18400] =	vst v63  }
0x14a: {  	s24 =	simm.s32 $0x2400  }
0x14b: {  	[tilespmem:s24], [sflag:$0x1] =	stream.indirect_vreg.gather [hbm4b:s3+s2], $0x80, v3, vm0, $0xb8;
	[tilespmem:$0x18400] =	vst v63  }
0x14c: {  	s24 =	simm.s32 $0x2C00  }
0x14d: {  	[tilespmem:s24], [sflag:$0x1] =	stream.indirect_vreg.gather [hbm4b:s4+s2], $0x80, v3, vm0, $0xb8;
	[tilespmem:$0x18400] =	vst v63  }
0x14e: {  	s24 =	simm.s32 $0x3400  }
0x14f: {  	[tilespmem:s24], [sflag:$0x1] =	stream.indirect_vreg.gather [hbm4b:s5+s2], $0x80, v3, vm0, $0xb8;
	[tilespmem:$0x18400] =	vst v63  }
0x150: {  	s24 =	simm.s32 $0x3C00  }
0x151: {  	[tilespmem:s24], [sflag:$0x1] =	stream.indirect_vreg.gather [hbm4b:s6+s2], $0x80, v3, vm0, $0xb8;
	[tilespmem:$0x18400] =	vst v63  }
0x152: {  	v3 =	vld [tilespmem:$0x310];
	_ =	sdelay $0x4  }
0x153: {  	v61 =	vshll.u32 v3, $0x3  }
0x154: {  	v3 =	vand.u32 $0x7, v3;
	v4 =	vand.u32 $0xFFFFFFC0, v61  }
0x155: {  	v3 =	vor.u32 v3, v4  }
0x156: {  	v4 =	vperm.xlane v3, v0;
	_ =	sdelay $0x1  }
0x157: {  	v4 =	vadd.s32 v1, v4;
	_ =	sdelay $0x3  }
0x158: {  	s24 =	simm.s32 $0x4400  }
0x159: {  	[tilespmem:s24], [sflag:$0x1] =	stream.indirect_vreg.gather [hbm4b:s3+s2], $0x80, v4, vm0, $0xb8;
	[tilespmem:$0x18400] =	vst v63  }
0x15a: {  	v3 =	vperm.xlane v3, v2;
	s24 =	simm.s32 $0x4C00  }
0x15b: {  	[tilespmem:s24], [sflag:$0x1] =	stream.indirect_vreg.gather [hbm4b:s4+s2], $0x80, v4, vm0, $0xb8;
	[tilespmem:$0x18400] =	vst v63  }
0x15c: {  	v3 =	vadd.s32 v1, v3;
	s24 =	simm.s32 $0x5400  }
0x15d: {  	[tilespmem:s24], [sflag:$0x1] =	stream.indirect_vreg.gather [hbm4b:s5+s2], $0x80, v4, vm0, $0xb8;
	[tilespmem:$0x18400] =	vst v63  }
0x15e: {  	s24 =	simm.s32 $0x5C00  }
0x15f: {  	[tilespmem:s24], [sflag:$0x1] =	stream.indirect_vreg.gather [hbm4b:s6+s2], $0x80, v4, vm0, $0xb8;
	[tilespmem:$0x18400] =	vst v63  }
0x160: {  	s24 =	simm.s32 $0x6400  }
0x161: {  	[tilespmem:s24], [sflag:$0x1] =	stream.indirect_vreg.gather [hbm4b:s3+s2], $0x80, v3, vm0, $0xb8;
	[tilespmem:$0x18400] =	vst v63  }
0x162: {  	s24 =	simm.s32 $0x6C00  }
0x163: {  	[tilespmem:s24], [sflag:$0x1] =	stream.indirect_vreg.gather [hbm4b:s4+s2], $0x80, v3, vm0, $0xb8;
	[tilespmem:$0x18400] =	vst v63  }
0x164: {  	s24 =	simm.s32 $0x7400  }
0x165: {  	[tilespmem:s24], [sflag:$0x1] =	stream.indirect_vreg.gather [hbm4b:s5+s2], $0x80, v3, vm0, $0xb8;
	[tilespmem:$0x18400] =	vst v63  }
0x166: {  	s24 =	simm.s32 $0x7C00  }
0x167: {  	[tilespmem:s24], [sflag:$0x1] =	stream.indirect_vreg.gather [hbm4b:s6+s2], $0x80, v3, vm0, $0xb8;
	[tilespmem:$0x18400] =	vst v63  }
0x168: {  	_ =	swait.ge [sflag:s31], $0x8000  }
0x169: {  	[sflag:s31] =	ssyncset.done $0x0  }
0x16a: {  	s8 =	rddreg [dreg:$0x8];
	[sflag:s31] =	ssyncadd.s32 $0xFFFF8000  }
0x16b: {  	[hbm4b:s8+s2] =	stream.linear.scatter [tilespmem:s1], [sflag:$0x6], $0x8000, $0x38;
	[tilespmem:$0x18400] =	vst v63  }
0x16c: {  	_ =	swait.ge [sflag:s22], $0x8000  }
0x16d: {  	[sflag:s22] =	ssyncset.done $0x0  }
0x16e: {  	[sflag:s22] =	ssyncadd.s32 $0xFFFF8000  }
0x16f: {  	v3 =	vld [tilespmem:$0x380];
	_ =	sdelay $0x4  }
0x170: {  	v62 =	vshll.u32 v3, $0x3  }
0x171: {  	v3 =	vand.u32 $0x7, v3;
	v4 =	vand.u32 $0xFFFFFFC0, v62  }
0x172: {  	v3 =	vor.u32 v3, v4  }
0x173: {  	v4 =	vperm.xlane v3, v0;
	_ =	sdelay $0x1  }
0x174: {  	v4 =	vadd.s32 v1, v4;
	_ =	sdelay $0x4  }
0x175: {  	[tilespmem:s0], [sflag:$0x2] =	stream.indirect_vreg.gather [hbm4b:s3+s2], $0x80, v4, vm0, $0xb8;
	[tilespmem:$0x18400] =	vst v63  }
0x176: {  	s24 =	simm.s32 $0x8C00;
	v3 =	vperm.xlane v3, v2  }
0x177: {  	[tilespmem:s24], [sflag:$0x2] =	stream.indirect_vreg.gather [hbm4b:s4+s2], $0x80, v4, vm0, $0xb8;
	[tilespmem:$0x18400] =	vst v63  }
0x178: {  	s8 =	simm.s32 $0x9400;
	v3 =	vadd.s32 v1, v3  }
0x179: {  	[tilespmem:s8], [sflag:$0x2] =	stream.indirect_vreg.gather [hbm4b:s5+s2], $0x80, v4, vm0, $0xb8;
	[tilespmem:$0x18400] =	vst v63  }
0x17a: {  	s24 =	simm.s32 $0x9C00  }
0x17b: {  	[tilespmem:s24], [sflag:$0x2] =	stream.indirect_vreg.gather [hbm4b:s6+s2], $0x80, v4, vm0, $0xb8;
	[tilespmem:$0x18400] =	vst v63  }
0x17c: {  	s8 =	simm.s32 $0xA400  }
0x17d: {  	[tilespmem:s8], [sflag:$0x2] =	stream.indirect_vreg.gather [hbm4b:s3+s2], $0x80, v3, vm0, $0xb8;
	[tilespmem:$0x18400] =	vst v63  }
0x17e: {  	s24 =	simm.s32 $0xAC00  }
0x17f: {  	[tilespmem:s24], [sflag:$0x2] =	stream.indirect_vreg.gather [hbm4b:s4+s2], $0x80, v3, vm0, $0xb8;
	[tilespmem:$0x18400] =	vst v63  }
0x180: {  	s8 =	simm.s32 $0xB400  }
0x181: {  	[tilespmem:s8], [sflag:$0x2] =	stream.indirect_vreg.gather [hbm4b:s5+s2], $0x80, v3, vm0, $0xb8;
	[tilespmem:$0x18400] =	vst v63  }
0x182: {  	s24 =	simm.s32 $0xBC00  }
0x183: {  	[tilespmem:s24], [sflag:$0x2] =	stream.indirect_vreg.gather [hbm4b:s6+s2], $0x80, v3, vm0, $0xb8;
	[tilespmem:$0x18400] =	vst v63  }
0x184: {  	v3 =	vld [tilespmem:$0x390];
	_ =	sdelay $0x4  }
0x185: {  	v63 =	vshll.u32 v3, $0x3  }
0x186: {  	v3 =	vand.u32 $0x7, v3;
	v4 =	vand.u32 $0xFFFFFFC0, v63  }
0x187: {  	v3 =	vor.u32 v3, v4  }
0x188: {  	v4 =	vperm.xlane v3, v0;
	_ =	sdelay $0x1  }
0x189: {  	v4 =	vadd.s32 v1, v4;
	_ =	sdelay $0x3  }
0x18a: {  	s8 =	simm.s32 $0xC400  }
0x18b: {  	[tilespmem:s8], [sflag:$0x2] =	stream.indirect_vreg.gather [hbm4b:s3+s2], $0x80, v4, vm0, $0xb8;
	[tilespmem:$0x18400] =	vst v63  }
0x18c: {  	s24 =	simm.s32 $0xCC00;
	v3 =	vperm.xlane v3, v2  }
0x18d: {  	[tilespmem:s24], [sflag:$0x2] =	stream.indirect_vreg.gather [hbm4b:s4+s2], $0x80, v4, vm0, $0xb8;
	[tilespmem:$0x18400] =	vst v63  }
0x18e: {  	v3 =	vadd.s32 v1, v3;
	s8 =	simm.s32 $0xD400  }
0x18f: {  	[tilespmem:s8], [sflag:$0x2] =	stream.indirect_vreg.gather [hbm4b:s5+s2], $0x80, v4, vm0, $0xb8;
	[tilespmem:$0x18400] =	vst v63  }
0x190: {  	s24 =	simm.s32 $0xDC00  }
0x191: {  	[tilespmem:s24], [sflag:$0x2] =	stream.indirect_vreg.gather [hbm4b:s6+s2], $0x80, v4, vm0, $0xb8;
	[tilespmem:$0x18400] =	vst v63  }
0x192: {  	s8 =	simm.s32 $0xE400  }
0x193: {  	[tilespmem:s8], [sflag:$0x2] =	stream.indirect_vreg.gather [hbm4b:s3+s2], $0x80, v3, vm0, $0xb8;
	[tilespmem:$0x18400] =	vst v63  }
0x194: {  	s24 =	simm.s32 $0xEC00  }
0x195: {  	[tilespmem:s24], [sflag:$0x2] =	stream.indirect_vreg.gather [hbm4b:s4+s2], $0x80, v3, vm0, $0xb8;
	[tilespmem:$0x18400] =	vst v63  }
0x196: {  	s8 =	simm.s32 $0xF400  }
0x197: {  	[tilespmem:s8], [sflag:$0x2] =	stream.indirect_vreg.gather [hbm4b:s5+s2], $0x80, v3, vm0, $0xb8;
	[tilespmem:$0x18400] =	vst v63  }
0x198: {  	s24 =	simm.s32 $0xFC00  }
0x199: {  	[tilespmem:s24], [sflag:$0x2] =	stream.indirect_vreg.gather [hbm4b:s6+s2], $0x80, v3, vm0, $0xb8;
	[tilespmem:$0x18400] =	vst v63  }
0x19a: {  	_ =	swait.ge [sflag:s17], $0x8000  }
0x19b: {  	[sflag:s17] =	ssyncset.done $0x0  }
0x19c: {  	s1 =	rddreg [dreg:$0x9];
	[sflag:s17] =	ssyncadd.s32 $0xFFFF8000  }
0x19d: {  	[hbm4b:s1+s2] =	stream.linear.scatter [tilespmem:s25], [sflag:$0x4], $0x8000, $0x38;
	[tilespmem:$0x18400] =	vst v63  }
0x19e: {  	_ =	swait.ge [sflag:s19], $0x8000  }
0x19f: {  	[sflag:s19] =	ssyncset.done $0x0  }
0x1a0: {  	s8 =	rddreg [dreg:$0xa];
	[sflag:s19] =	ssyncadd.s32 $0xFFFF8000  }
0x1a1: {  	[hbm4b:s8+s2] =	stream.linear.scatter [tilespmem:s0], [sflag:$0x5], $0x8000, $0x38;
	[tilespmem:$0x18400] =	vst v63  }
0x1a2: {  	_ =	swait.ge [sflag:s23], $0x8000  }
0x1a3: {  	[sflag:s23] =	ssyncset.done $0x0  }
0x1a4: {  	[sflag:s23] =	ssyncadd.s32 $0xFFFF8000  }
0x1a5: {  	p0 =	sne.s32 s7, $0x1;
	_ =	swait.ge [sflag:s20], $0x8000  }
.Ltmp0:
0x1a6: {  	[sflag:s20] =	ssyncset.done $0x0;
	(pc) =	sbr.rel @p0 .LBB2_1-.Ltmp0, $4  }
0x1a7: {  	[sflag:s20] =	ssyncadd.s32 $0xFFFF8000  }
0x1a8: {  	_ =	swait.ge [sflag:s22], $0x8000  }
0x1a9: {  	[sflag:s22] =	ssyncset.done $0x0  }
0x1aa: {  	s7 =	sadd.s32 $0xFFFFFFFF, s7;
	[sflag:s22] =	ssyncadd.s32 $0xFFFF8000  }
0x1ab: {  	_ =	sfence.sel $0x180000  }
0x1ac: {  	[bflag:$0x0] =	sbarrier.arrive $0xFFFF  }
0x1ad: {  	_ =	strace $0x9000004A  }
0x1ae: {  	s0 =	stileid.u32;
	[bflag:$0x2] =	sbarrier.arrive $0xFFFF  }
0x1af: {  	p0 =	sne.s32 s0, $0x0;
	s0 =	rddreg [dreg:$0x1]  }
0x1b0: {  	s0 =	sadd.s32 @!p0 $0x100000, s0  }
0x1b1: {  	[sflag:s0] =	ssyncadd.tile.s32 @!p0 $0x1;
	_ =	shalt  }
.Lfunc_end2:
_tile_overlayer_lowered:
.L_overlay_start_2:
0x1b2: {  	(tag) =	ssettag $0x2  }
0x1b3: {  	s0 =	rddreg [dreg:$0x0];
	s2 =	stileid.u32  }
0x1b4: {  	s1 =	rddreg [dreg:$0x1];
	p0 =	sne.s32 s2, $0x0  }
0x1b5: {  	s3 =	rddreg [dreg:$0x2];
	[bflag:$0x3] =	sbarrier.arrive $0xFFFF;
	s2 =	simm.s32 @!p0 $0x1C07  }
0x1b6: {  	[timem:s3], [sflag:s2] =	dma.local @!p0 [hbm:s0], s1  }
0x1b7: {  	s0 =	simm.s32 @!p0 $0x7  }
0x1b8: {  	_ =	swait.ge @!p0 [sflag:s0], s1  }
0x1b9: {  	s1 =	ssub.s32 @!p0 $0x0, s1;
	[sflag:s0] =	ssyncset.done @!p0 $0x0  }
0x1ba: {  	[sflag:s0] =	ssyncadd.s32 @!p0 s1  }
0x1bb: {  	[bflag:$0x3] =	sbarrier.arrive $0xFFFF  }
0x1bc: {  	_ =	shalt  }

// kernel: kernel.7.cloned.1.call-start
scs
__scs_entry_jumppad:
0x0: {  	(pc) =	sbr.rel $0x88, $3  }
0x1: {  	(tag) =	ssettag $0x0;
	lr =	simm.s32 $0x1  }
0x2: {  	[smem:$0x3F9A] =	sst lr;
	_ =	strace $0xD0000000  }
0x3: {  	_ = 	snop  }
0x4: {  	_ = 	snop  }
0x5: {  	_ = 	snop  }
0x6: {  	_ = 	snop  }
0x7: {  	_ = 	snop  }
__scs_overlays_trampoline_lowered:
0x8: {  	[smem:$0x3FA9] =	sst s0  }
0x9: {  	[smem:$0x3FAA] =	sst s1  }
0xa: {  	[smem:$0x3FAB] =	sst s2  }
0xb: {  	[smem:$0x3FAC] =	sst s3  }
0xc: {  	[smem:$0x3FAD] =	sst s4  }
0xd: {  	[smem:$0x3FAE] =	sst s5  }
0xe: {  	[smem:$0x3FAF] =	sst s6  }
0xf: {  	[smem:$0x3FB0] =	sst s7  }
0x10: {  	[smem:$0x3FB1] =	sst s8  }
0x11: {  	[smem:$0x3FB2] =	sst s9;
	s0 =	simm.s32 @!p0 $0x0  }
0x12: {  	s1 =	sld [smem:$0x3F98];
	s0 =	simm.s32 @p0 $0x1  }
0x13: {  	[smem:$0x3FB3] =	sst s0;
	s0 =	simm.s32 @!p1 $0x0  }
0x14: {  	s2 =	sld [smem:$0x3F97];
	s0 =	simm.s32 @p1 $0x1  }
0x15: {  	[smem:$0x3FB4] =	sst s0;
	s0 =	simm.s32 @!p2 $0x0  }
0x16: {  	s3 =	sld [smem:$0x3FDB];
	s0 =	simm.s32 @p2 $0x1  }
0x17: {  	s4 =	simm.s32 $0x1BF5;
	[smem:$0x3FB6] =	sst s0  }
0x18: {  	s0 =	sld [smem:$0x3F99];
	_ =	swait.ge [sflag:s4], $0x0  }
0x19: {  	s7 =	sld [smem:$0x3F9A]  }
0x1a: {  	s8 =	sadd.s32 $0xFFFFE003, lr  }
0x1b: {  	s9 =	sadd.s32 $0xFFFFFEF7, lr;
	s5 =	simm.s32 $0xFFFFFFFF;
	p2 =	slt.u32 s8, $0xFFFFF086  }
0x1c: {  	p1 =	slt.u32 s9, $0xF7A;
	s5 =	simm.s32 @!p2 $0x0  }
0x1d: {  	s5 =	simm.s32 @p1 $0x1;
	p0 =	seq.s32 s7, s2  }
0x1e: {  	s7 =	smul.u32 @!p0 $0xF7A, s2;
	p2 =	seq.s32 @!p0 s5, $0x0  }
0x1f: {  	s9 =	smul.u32 $0xF7A, s1;
	s8 =	simm.s32 @!p0 $0x1BF5;
	p2 =	por !p2, p0  }
0x20: {  	[sflag:s8] =	ssyncset.s32 @!p0 $0xFFFFF086;
	s6 =	sadd.s32 @!p0 s3, s7;
	s7 =	simm.s32 @!p0 $0x108  }
0x21: {  	s3 =	sadd.s32 s3, s9;
	s6 =	sadd.s32 @!p0 $0x88, s6;
	s7 =	simm.s32 @p2 $0x1082  }
0x22: {  	[simem:s7], [sflag:s8] =	dma.local @!p0 [hbm:s6], $0xF7A  }
0x23: {  	s9 =	sor.u32 $0xD0000000, s2;
	s6 =	simm.s32 $0x108;
	_ =	swait.ge @!p0 [sflag:s8], $0x0  }
0x24: {  	s3 =	sadd.s32 $0x88, s3;
	s6 =	simm.s32 @!p1 $0x1082;
	[sflag:s4] =	ssyncset.s32 $0xFFFFF086  }
0x25: {  	[simem:s6], [sflag:s4] =	dma.local [hbm:s3], $0xF7A  }
0x26: {  	[smem:$0x3F9A] =	sst s1;
	(tag) =	ssettag s2;
	_ =	strace s9  }
0x27: {  	s1 =	sld [smem:$0x3FAA]  }
0x28: {  	s2 =	sld [smem:$0x3FAB]  }
0x29: {  	s4 =	sld [smem:$0x3FAD]  }
0x2a: {  	p0 =	seq.s32 s5, $0x0;
	s5 =	sld [smem:$0x3FAE]  }
0x2b: {  	s6 =	sld [smem:$0x3FAF]  }
0x2c: {  	s7 =	sld [smem:$0x3FB0]  }
0x2d: {  	s3 =	simm.s32 $0x108;
	s8 =	sld [smem:$0x3FB1]  }
0x2e: {  	s3 =	simm.s32 @!p0 $0x1082;
	s9 =	sld [smem:$0x3FB2]  }
0x2f: {  	lr =	sadd.s32 s0, s3;
	s0 =	sld [smem:$0x3FA9]  }
0x30: {  	s3 =	sld [smem:$0x3FAC]  }
0x31: {  	[smem:$0x3FB5] =	sst s10  }
0x32: {  	s10 =	sld [smem:$0x3FB3];
	_ =	sdelay $0x3  }
0x33: {  	p0 =	seq.s32 s10, $0x1;
	s10 =	sld [smem:$0x3FB5];
	_ =	sdelay $0x3  }
0x34: {  	[smem:$0x3FB5] =	sst s10  }
0x35: {  	s10 =	sld [smem:$0x3FB4];
	_ =	sdelay $0x3  }
0x36: {  	p1 =	seq.s32 s10, $0x1;
	s10 =	sld [smem:$0x3FB5];
	_ =	sdelay $0x3  }
0x37: {  	[smem:$0x3FB5] =	sst s10  }
0x38: {  	s10 =	sld [smem:$0x3FB6]  }
0x39: {  	_ = 	snop;
	(pc) =	sbr.ind lr, $3  }
0x3a: {  	_ = 	snop  }
0x3b: {  	_ = 	snop  }
0x3c: {  	p2 =	seq.s32 s10, $0x1;
	s10 =	sld [smem:$0x3FB5]  }
0x3d: {  	_ =	shalt  }
0x3e: {  	_ =	shalt  }
0x3f: {  	_ =	shalt  }
0x40: {  	_ =	shalt  }
0x41: {  	_ =	shalt  }
0x42: {  	_ =	shalt  }
0x43: {  	_ =	shalt  }
0x44: {  	_ =	shalt  }
0x45: {  	_ =	shalt  }
0x46: {  	_ =	shalt  }
0x47: {  	_ =	shalt  }
0x48: {  	_ =	shalt  }
0x49: {  	_ =	shalt  }
0x4a: {  	_ =	shalt  }
0x4b: {  	_ =	shalt  }
0x4c: {  	_ =	shalt  }
0x4d: {  	_ =	shalt  }
0x4e: {  	_ =	shalt  }
0x4f: {  	_ =	shalt  }
0x50: {  	_ =	shalt  }
0x51: {  	_ =	shalt  }
0x52: {  	_ =	shalt  }
0x53: {  	_ =	shalt  }
0x54: {  	_ =	shalt  }
0x55: {  	_ =	shalt  }
0x56: {  	_ =	shalt  }
0x57: {  	_ =	shalt  }
0x58: {  	_ =	shalt  }
0x59: {  	_ =	shalt  }
0x5a: {  	_ =	shalt  }
0x5b: {  	_ =	shalt  }
0x5c: {  	_ =	shalt  }
0x5d: {  	_ =	shalt  }
0x5e: {  	_ =	shalt  }
0x5f: {  	_ =	shalt  }
0x60: {  	_ =	shalt  }
0x61: {  	_ =	shalt  }
0x62: {  	_ =	shalt  }
0x63: {  	_ =	shalt  }
0x64: {  	_ =	shalt  }
0x65: {  	_ =	shalt  }
0x66: {  	_ =	shalt  }
0x67: {  	_ =	shalt  }
0x68: {  	_ =	shalt  }
0x69: {  	_ =	shalt  }
0x6a: {  	_ =	shalt  }
0x6b: {  	_ =	shalt  }
0x6c: {  	_ =	shalt  }
0x6d: {  	_ =	shalt  }
0x6e: {  	_ =	shalt  }
0x6f: {  	_ =	shalt  }
0x70: {  	_ =	shalt  }
0x71: {  	_ =	shalt  }
0x72: {  	_ =	shalt  }
0x73: {  	_ =	shalt  }
0x74: {  	_ =	shalt  }
0x75: {  	_ =	shalt  }
0x76: {  	_ =	shalt  }
0x77: {  	_ =	shalt  }
0x78: {  	_ =	shalt  }
0x79: {  	_ =	shalt  }
0x7a: {  	_ =	shalt  }
0x7b: {  	_ =	shalt  }
0x7c: {  	_ =	shalt  }
0x7d: {  	_ =	shalt  }
0x7e: {  	_ =	shalt  }
0x7f: {  	_ =	shalt  }
0x80: {  	_ =	shalt  }
0x81: {  	_ =	shalt  }
0x82: {  	_ =	shalt  }
0x83: {  	_ =	shalt  }
0x84: {  	_ =	shalt  }
0x85: {  	_ =	shalt  }
0x86: {  	_ =	shalt  }
0x87: {  	_ =	shalt  }
.Lfunc_end0:
.L_simem_size_0:
called_computation_lowered:
.L_overlay_start_0:
0x88: {  	s2 =	sld [smem:$0x3FD9]  }
0x89: {  	s3 =	sld [smem:$0x3FFE];
	_ =	sdelay $0x1  }
0x8a: {  	s1 =	srdreg.scid  }
0x8b: {  	s0 =	sand.u32 $0x1, s1  }
0x8c: {  	s17 =	sshll.u32 s0, $0xA;
	s2 =	sadd.s32 s3, s2  }
0x8d: {  	s2 =	sadd.s32 s2, s17  }
0x8e: {  	[smem:$0x3FC1] =	sst s2  }
0x8f: {  	_ = 	snop  }
0x90: {  	s2 =	sld [smem:$0x3FC9];
	(tm) =	ssettm $0x1  }
0x91: {  	s18 =	sld [smem:$0x3FFB];
	_ =	sdelay $0x3  }
0x92: {  	_ =	strace s18  }
0x93: {  	s3 =	sld [smem:$0x3FFC];
	_ =	sdelay $0x3  }
0x94: {  	_ =	strace s3  }
0x95: {  	s3 =	sld [smem:$0x3FFD];
	_ =	sdelay $0x3  }
0x96: {  	_ =	strace s3  }
0x97: {  	_ =	strace $0x8FFFFFFF  }
0x98: {  	s19 =	sld [smem:$0x3FDB];
	_ =	sdelay $0x1  }
0x99: {  	s4 =	simm.s32 $_scs_section_size  }
0x9a: {  	s5 =	simm.s32 $_size__tile_overlayer_lowered;
	s6 =	simm.s32 $_tile_overlayer_lowered  }
0x9b: {  	s22 =	simm.s32 $0x1BFF;
	s21 =	sshll.u32 s6, $0x1;
	s3 =	sadd.s32 s4, s19  }
0x9c: {  	s7 =	simm.s32 $0x0;
	s20 =	sshll.u32 s5, $0x1;
	s5 =	sadd.s32 s21, s3  }
0x9d: {  	[timem:s7], [sflag:s22] =	dma.local [hbm:s5], s20  }
0x9e: {  	_ =	swait.ge [sflag:s22], s20  }
0x9f: {  	s4 =	ssub.s32 $0x0, s20;
	[sflag:s22] =	ssyncset.done $0x0  }
0xa0: {  	[sflag:s22] =	ssyncadd.s32 s4;
	_ =	sdelay $0x1  }
0xa1: {  	s23 =	simm.s32 $0x1B8B  }
0xa2: {  	_ =	swait.ge [sflag:s23], $0x1  }
0xa3: {  	[sflag:s23] =	ssyncset.done $0x0  }
0xa4: {  	s25 =	simm.s32 $0x1B8E;
	s24 =	sld [smem:$0x3FFE];
	[sflag:s23] =	ssyncadd.s32 $0xFFFFFFFF  }
0xa5: {  	s26 =	simm.s32 $execute0_lowered;
	[smem:$0x3FD2] =	sst s25  }
0xa6: {  	s5 =	sshll.u32 s26, $0x1;
	_ =	strace $0x80000046;
	[dreg:$0x1] =	wrdreg $0xFFFFFFFF  }
0xa7: {  	s28 =	simm.s32 $_size_execute0_lowered;
	s3 =	sadd.s32 s3, s5;
	[dreg:$0x0] =	wrdreg $0x0  }
0xa8: {  	s5 =	sshll.u32 s28, $0x1;
	[dreg:$0x2] =	wrdreg s3  }
0xa9: {  	[dreg:$0x3] =	wrdreg s5  }
0xaa: {  	[dreg:$0x4] =	wrdreg $0xC0  }
0xab: {  	_ =	task [dreg:s7], $0x5FFFF  }
0xac: {  	[dreg:$0x1] =	wrdreg $0xFFFFFFFF  }
0xad: {  	[dreg:$0x0] =	wrdreg $0x60  }
0xae: {  	[dreg:$0x2] =	wrdreg s2  }
0xaf: {  	[dreg:$0x3] =	wrdreg s24  }
0xb0: {  	[dreg:$0x4] =	wrdreg $0x9  }
0xb1: {  	_ =	task.clear_ibuf [dreg:s7], $0x5FFFF;
	_ =	strace $0x90000046  }
0xb2: {  	s29 =	simm.s32 $0x9;
	_ =	strace $0x80000048  }
0xb3: {  	_ =	swait.ge [sflag:s29], $0x1  }
0xb4: {  	[sflag:s29] =	ssyncadd.s32 $0xFFFFFFFF  }
0xb5: {  	_ =	strace $0x90000048  }
0xb6: {  	_ =	sfence  }
0xb7: {  	s30 =	sld [smem:$0x0];
	_ =	sdelay $0x2  }
0xb8: {  	s31 =	sshll.u32 s1, $0xD;
	s1 =	sshrl.u32 s1, $0x2  }
0xb9: {  	s3 =	sand.u32 $0x4000, s31;
	s1 =	sadd.s32 s1, s30  }
0xba: {  	s0 =	sor.u32 s3, s0;
	s1 =	sshll.u32 s1, $0x11  }
0xbb: {  	s0 =	sor.u32 s1, s0  }
0xbc: {  	s0 =	sadd.s32 $0x8F2B, s0  }
0xbd: {  	[sflag:s0] =	ssyncadd.remote.s32 $0x1  }
0xbe: {  	_ =	sfence.sel $0xFFFF  }
0xbf: {  	[dreg:$0x0] =	wrdreg $0xFFFFFFFF;
	(pc) =	sbr.abs _section_cstart, $3  }
0xc0: {  	[dreg:$0x1] =	wrdreg $0xFFFFFFFF  }
0xc1: {  	_ =	task.clear_ibuf [dreg:s7], $0x2FFFF;
	_ =	strace $0x9FFFFFFF  }
0xc2: {  	(tm) =	ssettm $0x7FFFFFFF  }
0xc3: {  	_ =	shalt  }
tec
execute0_lowered:
.L_overlay_start_1:
0x0: {  	(tag) =	ssettag $0x1  }
0x1: {  	s0 =	rddreg [dreg:$0x0];
	s1 =	srdreg.scid  }
0x2: {  	s2 =	stileid.u32;
	s3 =	rddreg [dreg:$0x1]  }
0x3: {  	s30 =	simm.s32 $0x2;
	s11 =	simm.s32 $0x400;
	s21 =	simm.s32 $0x16400  }
0x4: {  	s29 =	simm.s32 $0x17C00;
	s13 =	simm.s32 $0xA400;
	s14 =	simm.s32 $0xAC00  }
0x5: {  	s15 =	simm.s32 $0xB400;
	s1 =	sand.u32 $0x1, s1;
	s2 =	sshll.u32 s2, $0x1  }
0x6: {  	s19 =	simm.s32 $0xEC00;
	s20 =	simm.s32 $0xF400;
	s4 =	sor.u32 s1, s2  }
0x7: {  	s6 =	sadd.s32 $0x12600, s3;
	s7 =	sadd.s32 $0x12700, s3;
	s5 =	sshll.u32 s4, $0x7  }
0x8: {  	s2 =	simm.s32 $0x0;
	s4 =	sshll.u32 s4, $0xF;
	s5 =	sadd.s32 s5, s3  }
0x9: {  	[smem:$0x7FF] =	sst s2;
	s4 =	sand.u32 $0x78000, s4;
	s5 =	sadd.s32 $0x11400, s5  }
0xa: {  	_ =	strace $0x80000047;
	s8 =	sadd.s32 s0, s4;
	[dreg:$0x3] =	wrdreg s5  }
0xb: {  	s1 =	ssub.s32 $0x2, s1;
	s0 =	sadd.s32 $0x1000, s8;
	[dreg:$0xb] =	wrdreg s8  }
0xc: {  	s23 =	sshrl.u32 s1, $0x1;
	s22 =	sadd.s32 $0x2000, s8;
	[dreg:$0x4] =	wrdreg s0  }
0xd: {  	s1 =	ssub.s32 s1, s23;
	s24 =	sadd.s32 $0x3000, s8;
	[dreg:$0x5] =	wrdreg s22  }
0xe: {  	s23 =	simm.s32 $0x4;
	s25 =	sadd.s32 $0x4000, s8;
	[dreg:$0x6] =	wrdreg s24  }
0xf: {  	s4 =	sadd.s32 $0x12400, s3;
	s26 =	sadd.s32 $0x5000, s8;
	[dreg:$0x7] =	wrdreg s25  }
0x10: {  	s5 =	sadd.s32 $0x12500, s3;
	s28 =	sadd.s32 $0x6000, s8;
	[dreg:$0x8] =	wrdreg s26  }
0x11: {  	v2 =	vlaneseq.u32;
	s31 =	sadd.s32 $0x7000, s8;
	s8 =	smax.u32 s1, $0x1;
	[dreg:$0x9] =	wrdreg s28  }
0x12: {  	vm0 =	vmmov $0xffff;
	v1 =	vshrl.u32 v2, $0x3;
	s1 =	simm.s32 $0x1;
	[dreg:$0xa] =	wrdreg s31;
	s25 =	simm.s32 $0x5  }
0x13: {  	v0 =	vand.u32 $0x7, v2;
	v2 =	vor.u32 $0x8, v2;
	v1 =	vmul.u32 $0x8, v1;
	s26 =	simm.s32 $0x3;
	s22 =	simm.s32 $0x16C00;
	s24 =	simm.s32 $0x17400  }
.LBB2_1:
0x14: {  	s28 =	rddreg [dreg:$0x3];
	s17 =	simm.s32 $0x7  }
0x15: {  	[tilespmem:s2], [sflag:$0x7] =	stream.linear.gather [hbm4b:s28+s2], $0x400, $0x38;
	[tilespmem:$0x18400] =	vst v63  }
0x16: {  	_ =	swait.ge [sflag:s17], $0x400  }
0x17: {  	[sflag:s17] =	ssyncset.done $0x0  }
0x18: {  	s31 =	rddreg [dreg:$0xb];
	[sflag:s17] =	ssyncadd.s32 $0xFFFFFC00  }
0x19: {  	[tilespmem:s11], [sflag:$0x1] =	stream.linear.gather [hbm4b:s31+s2], $0x8000, $0x38;
	[tilespmem:$0x18400] =	vst v63  }
0x1a: {  	s0 =	simm.s32 $0x8400;
	s18 =	rddreg [dreg:$0x4]  }
0x1b: {  	[tilespmem:s0], [sflag:$0x2] =	stream.linear.gather [hbm4b:s18+s2], $0x8000, $0x38;
	[tilespmem:$0x18400] =	vst v63  }
0x1c: {  	_ =	swait.ge [sflag:s1], $0x8000  }
0x1d: {  	[sflag:s1] =	ssyncset.done $0x0  }
0x1e: {  	[sflag:s1] =	ssyncadd.s32 $0xFFFF8000  }
0x1f: {  	v3 =	vld [tilespmem:$0x0];
	_ =	sdelay $0x4  }
0x20: {  	v4 =	vshll.u32 v3, $0x3  }
0x21: {  	v3 =	vand.u32 $0x7, v3;
	v4 =	vand.u32 $0xFFFFFFC0, v4  }
0x22: {  	v3 =	vor.u32 v3, v4  }
0x23: {  	v4 =	vperm.xlane v3, v0;
	_ =	sdelay $0x1  }
0x24: {  	v4 =	vadd.s32 v1, v4;
	_ =	sdelay $0x4  }
0x25: {  	[hbm4b:s4+s2] =	stream.indirect_vreg.scatter [tilespmem:s11], [sflag:$0x4], $0x80, v4, vm0, $0xb8;
	[tilespmem:$0x18400] =	vst v63  }
0x26: {  	s3 =	simm.s32 $0xC00;
	v3 =	vperm.xlane v3, v2  }
0x27: {  	[hbm4b:s5+s2] =	stream.indirect_vreg.scatter [tilespmem:s3], [sflag:$0x4], $0x80, v4, vm0, $0xb8;
	[tilespmem:$0x18400] =	vst v63  }
0x28: {  	s28 =	simm.s32 $0x1400;
	v3 =	vadd.s32 v1, v3  }
0x29: {  	[hbm4b:s6+s2] =	stream.indirect_vreg.scatter [tilespmem:s28], [sflag:$0x4], $0x80, v4, vm0, $0xb8;
	[tilespmem:$0x18400] =	vst v63  }
0x2a: {  	s31 =	simm.s32 $0x1C00  }
0x2b: {  	[hbm4b:s7+s2] =	stream.indirect_vreg.scatter [tilespmem:s31], [sflag:$0x4], $0x80, v4, vm0, $0xb8;
	[tilespmem:$0x18400] =	vst v63  }
0x2c: {  	s9 =	simm.s32 $0x2400  }
0x2d: {  	[hbm4b:s4+s2] =	stream.indirect_vreg.scatter [tilespmem:s9], [sflag:$0x4], $0x80, v3, vm0, $0xb8;
	[tilespmem:$0x18400] =	vst v63  }
0x2e: {  	s10 =	simm.s32 $0x2C00  }
0x2f: {  	[hbm4b:s5+s2] =	stream.indirect_vreg.scatter [tilespmem:s10], [sflag:$0x4], $0x80, v3, vm0, $0xb8;
	[tilespmem:$0x18400] =	vst v63  }
0x30: {  	s16 =	simm.s32 $0x3400  }
0x31: {  	[hbm4b:s6+s2] =	stream.indirect_vreg.scatter [tilespmem:s16], [sflag:$0x4], $0x80, v3, vm0, $0xb8;
	[tilespmem:$0x18400] =	vst v63  }
0x32: {  	s17 =	simm.s32 $0x3C00  }
0x33: {  	[hbm4b:s7+s2] =	stream.indirect_vreg.scatter [tilespmem:s17], [sflag:$0x4], $0x80, v3, vm0, $0xb8;
	[tilespmem:$0x18400] =	vst v63  }
0x34: {  	v3 =	vld [tilespmem:$0x10];
	_ =	sdelay $0x4  }
0x35: {  	v49 =	vshll.u32 v3, $0x3  }
0x36: {  	v3 =	vand.u32 $0x7, v3;
	v4 =	vand.u32 $0xFFFFFFC0, v49  }
0x37: {  	v3 =	vor.u32 v3, v4  }
0x38: {  	v4 =	vperm.xlane v3, v0;
	_ =	sdelay $0x1  }
0x39: {  	v4 =	vadd.s32 v1, v4;
	_ =	sdelay $0x3  }
0x3a: {  	s18 =	simm.s32 $0x4400  }
0x3b: {  	[hbm4b:s4+s2] =	stream.indirect_vreg.scatter [tilespmem:s18], [sflag:$0x4], $0x80, v4, vm0, $0xb8;
	[tilespmem:$0x18400] =	vst v63  }
0x3c: {  	s28 =	simm.s32 $0x4C00;
	v3 =	vperm.xlane v3, v2  }
0x3d: {  	[hbm4b:s5+s2] =	stream.indirect_vreg.scatter [tilespmem:s28], [sflag:$0x4], $0x80, v4, vm0, $0xb8;
	[tilespmem:$0x18400] =	vst v63  }
0x3e: {  	s31 =	simm.s32 $0x5400;
	v3 =	vadd.s32 v1, v3  }
0x3f: {  	[hbm4b:s6+s2] =	stream.indirect_vreg.scatter [tilespmem:s31], [sflag:$0x4], $0x80, v4, vm0, $0xb8;
	[tilespmem:$0x18400] =	vst v63  }
0x40: {  	s9 =	simm.s32 $0x5C00  }
0x41: {  	[hbm4b:s7+s2] =	stream.indirect_vreg.scatter [tilespmem:s9], [sflag:$0x4], $0x80, v4, vm0, $0xb8;
	[tilespmem:$0x18400] =	vst v63  }
0x42: {  	s10 =	simm.s32 $0x6400  }
0x43: {  	[hbm4b:s4+s2] =	stream.indirect_vreg.scatter [tilespmem:s10], [sflag:$0x4], $0x80, v3, vm0, $0xb8;
	[tilespmem:$0x18400] =	vst v63  }
0x44: {  	s16 =	simm.s32 $0x6C00  }
0x45: {  	[hbm4b:s5+s2] =	stream.indirect_vreg.scatter [tilespmem:s16], [sflag:$0x4], $0x80, v3, vm0, $0xb8;
	[tilespmem:$0x18400] =	vst v63  }
0x46: {  	s17 =	simm.s32 $0x7400  }
0x47: {  	[hbm4b:s6+s2] =	stream.indirect_vreg.scatter [tilespmem:s17], [sflag:$0x4], $0x80, v3, vm0, $0xb8;
	[tilespmem:$0x18400] =	vst v63  }
0x48: {  	s31 =	simm.s32 $0x7C00  }
0x49: {  	[hbm4b:s7+s2] =	stream.indirect_vreg.scatter [tilespmem:s31], [sflag:$0x4], $0x80, v3, vm0, $0xb8;
	[tilespmem:$0x18400] =	vst v63  }
0x4a: {  	s18 =	rddreg [dreg:$0x5];
	s10 =	simm.s32 $0x10400  }
0x4b: {  	[tilespmem:s10], [sflag:$0x3] =	stream.linear.gather [hbm4b:s18+s2], $0x8000, $0x38;
	[tilespmem:$0x18400] =	vst v63  }
0x4c: {  	_ =	swait.ge [sflag:s30], $0x8000  }
0x4d: {  	[sflag:s30] =	ssyncset.done $0x0  }
0x4e: {  	[sflag:s30] =	ssyncadd.s32 $0xFFFF8000  }
0x4f: {  	v3 =	vld [tilespmem:$0x80];
	_ =	sdelay $0x4  }
0x50: {  	v50 =	vshll.u32 v3, $0x3  }
0x51: {  	v3 =	vand.u32 $0x7, v3;
	v4 =	vand.u32 $0xFFFFFFC0, v50  }
0x52: {  	v3 =	vor.u32 v3, v4  }
0x53: {  	v4 =	vperm.xlane v3, v0;
	_ =	sdelay $0x1  }
0x54: {  	v4 =	vadd.s32 v1, v4;
	_ =	sdelay $0x4  }
0x55: {  	[hbm4b:s4+s2] =	stream.indirect_vreg.scatter [tilespmem:s0], [sflag:$0x5], $0x80, v4, vm0, $0xb8;
	[tilespmem:$0x18400] =	vst v63  }
0x56: {  	s9 =	simm.s32 $0x8C00;
	v3 =	vperm.xlane v3, v2  }
0x57: {  	[hbm4b:s5+s2] =	stream.indirect_vreg.scatter [tilespmem:s9], [sflag:$0x5], $0x80, v4, vm0, $0xb8;
	[tilespmem:$0x18400] =	vst v63  }
0x58: {  	s16 =	simm.s32 $0x9400;
	v3 =	vadd.s32 v1, v3  }
0x59: {  	[hbm4b:s6+s2] =	stream.indirect_vreg.scatter [tilespmem:s16], [sflag:$0x5], $0x80, v4, vm0, $0xb8;
	[tilespmem:$0x18400] =	vst v63  }
0x5a: {  	s17 =	simm.s32 $0x9C00  }
0x5b: {  	[hbm4b:s7+s2] =	stream.indirect_vreg.scatter [tilespmem:s17], [sflag:$0x5], $0x80, v4, vm0, $0xb8;
	[tilespmem:$0x18400] =	vst v63  }
0x5c: {  	s18 =	simm.s32 $0xA400  }
0x5d: {  	[hbm4b:s4+s2] =	stream.indirect_vreg.scatter [tilespmem:s18], [sflag:$0x5], $0x80, v3, vm0, $0xb8;
	[tilespmem:$0x18400] =	vst v63  }
0x5e: {  	s28 =	simm.s32 $0xAC00  }
0x5f: {  	[hbm4b:s5+s2] =	stream.indirect_vreg.scatter [tilespmem:s28], [sflag:$0x5], $0x80, v3, vm0, $0xb8;
	[tilespmem:$0x18400] =	vst v63  }
0x60: {  	s31 =	simm.s32 $0xB400  }
0x61: {  	[hbm4b:s6+s2] =	stream.indirect_vreg.scatter [tilespmem:s31], [sflag:$0x5], $0x80, v3, vm0, $0xb8;
	[tilespmem:$0x18400] =	vst v63  }
0x62: {  	s16 =	simm.s32 $0xBC00  }
0x63: {  	[hbm4b:s7+s2] =	stream.indirect_vreg.scatter [tilespmem:s16], [sflag:$0x5], $0x80, v3, vm0, $0xb8;
	[tilespmem:$0x18400] =	vst v63  }
0x64: {  	v3 =	vld [tilespmem:$0x90];
	_ =	sdelay $0x4  }
0x65: {  	v51 =	vshll.u32 v3, $0x3  }
0x66: {  	v3 =	vand.u32 $0x7, v3;
	v4 =	vand.u32 $0xFFFFFFC0, v51  }
0x67: {  	v3 =	vor.u32 v3, v4  }
0x68: {  	v4 =	vperm.xlane v3, v0;
	_ =	sdelay $0x1  }
0x69: {  	v4 =	vadd.s32 v1, v4;
	_ =	sdelay $0x3  }
0x6a: {  	s17 =	simm.s32 $0xC400  }
0x6b: {  	[hbm4b:s4+s2] =	stream.indirect_vreg.scatter [tilespmem:s17], [sflag:$0x5], $0x80, v4, vm0, $0xb8;
	[tilespmem:$0x18400] =	vst v63  }
0x6c: {  	s18 =	simm.s32 $0xCC00;
	v3 =	vperm.xlane v3, v2  }
0x6d: {  	[hbm4b:s5+s2] =	stream.indirect_vreg.scatter [tilespmem:s18], [sflag:$0x5], $0x80, v4, vm0, $0xb8;
	[tilespmem:$0x18400] =	vst v63  }
0x6e: {  	s28 =	simm.s32 $0xD400;
	v3 =	vadd.s32 v1, v3  }
0x6f: {  	[hbm4b:s6+s2] =	stream.indirect_vreg.scatter [tilespmem:s28], [sflag:$0x5], $0x80, v4, vm0, $0xb8;
	[tilespmem:$0x18400] =	vst v63  }
0x70: {  	s31 =	simm.s32 $0xDC00  }
0x71: {  	[hbm4b:s7+s2] =	stream.indirect_vreg.scatter [tilespmem:s31], [sflag:$0x5], $0x80, v4, vm0, $0xb8;
	[tilespmem:$0x18400] =	vst v63  }
0x72: {  	s28 =	simm.s32 $0xE400  }
0x73: {  	[hbm4b:s4+s2] =	stream.indirect_vreg.scatter [tilespmem:s28], [sflag:$0x5], $0x80, v3, vm0, $0xb8;
	[tilespmem:$0x18400] =	vst v63  }
0x74: {  	s31 =	simm.s32 $0xEC00  }
0x75: {  	[hbm4b:s5+s2] =	stream.indirect_vreg.scatter [tilespmem:s31], [sflag:$0x5], $0x80, v3, vm0, $0xb8;
	[tilespmem:$0x18400] =	vst v63  }
0x76: {  	s28 =	simm.s32 $0xF400  }
0x77: {  	[hbm4b:s6+s2] =	stream.indirect_vreg.scatter [tilespmem:s28], [sflag:$0x5], $0x80, v3, vm0, $0xb8;
	[tilespmem:$0x18400] =	vst v63  }
0x78: {  	s31 =	simm.s32 $0xFC00  }
0x79: {  	[hbm4b:s7+s2] =	stream.indirect_vreg.scatter [tilespmem:s31], [sflag:$0x5], $0x80, v3, vm0, $0xb8;
	[tilespmem:$0x18400] =	vst v63  }
0x7a: {  	_ =	swait.ge [sflag:s23], $0x8000  }
0x7b: {  	[sflag:s23] =	ssyncset.done $0x0  }
0x7c: {  	s3 =	rddreg [dreg:$0x6];
	[sflag:s23] =	ssyncadd.s32 $0xFFFF8000  }
0x7d: {  	[tilespmem:s11], [sflag:$0x1] =	stream.linear.gather [hbm4b:s3+s2], $0x8000, $0x38;
	[tilespmem:$0x18400] =	vst v63  }
0x7e: {  	_ =	swait.ge [sflag:s26], $0x8000  }
0x7f: {  	[sflag:s26] =	ssyncset.done $0x0  }
0x80: {  	[sflag:s26] =	ssyncadd.s32 $0xFFFF8000  }
0x81: {  	v3 =	vld [tilespmem:$0x100];
	_ =	sdelay $0x4  }
0x82: {  	v52 =	vshll.u32 v3, $0x3  }
0x83: {  	v3 =	vand.u32 $0x7, v3;
	v4 =	vand.u32 $0xFFFFFFC0, v52  }
0x84: {  	v3 =	vor.u32 v3, v4  }
0x85: {  	v4 =	vperm.xlane v3, v0;
	_ =	sdelay $0x1  }
0x86: {  	v4 =	vadd.s32 v1, v4;
	_ =	sdelay $0x4  }
0x87: {  	[hbm4b:s4+s2] =	stream.indirect_vreg.scatter [tilespmem:s10], [sflag:$0x6], $0x80, v4, vm0, $0xb8;
	[tilespmem:$0x18400] =	vst v63  }
0x88: {  	s31 =	simm.s32 $0x10C00;
	v3 =	vperm.xlane v3, v2  }
0x89: {  	[hbm4b:s5+s2] =	stream.indirect_vreg.scatter [tilespmem:s31], [sflag:$0x6], $0x80, v4, vm0, $0xb8;
	[tilespmem:$0x18400] =	vst v63  }
0x8a: {  	s28 =	simm.s32 $0x11400;
	v3 =	vadd.s32 v1, v3  }
0x8b: {  	[hbm4b:s6+s2] =	stream.indirect_vreg.scatter [tilespmem:s28], [sflag:$0x6], $0x80, v4, vm0, $0xb8;
	[tilespmem:$0x18400] =	vst v63  }
0x8c: {  	s28 =	simm.s32 $0x11C00  }
0x8d: {  	[hbm4b:s7+s2] =	stream.indirect_vreg.scatter [tilespmem:s28], [sflag:$0x6], $0x80, v4, vm0, $0xb8;
	[tilespmem:$0x18400] =	vst v63  }
0x8e: {  	s28 =	simm.s32 $0x12400  }
0x8f: {  	[hbm4b:s4+s2] =	stream.indirect_vreg.scatter [tilespmem:s28], [sflag:$0x6], $0x80, v3, vm0, $0xb8;
	[tilespmem:$0x18400] =	vst v63  }
0x90: {  	s28 =	simm.s32 $0x12C00  }
0x91: {  	[hbm4b:s5+s2] =	stream.indirect_vreg.scatter [tilespmem:s28], [sflag:$0x6], $0x80, v3, vm0, $0xb8;
	[tilespmem:$0x18400] =	vst v63  }
0x92: {  	s28 =	simm.s32 $0x13400  }
0x93: {  	[hbm4b:s6+s2] =	stream.indirect_vreg.scatter [tilespmem:s28], [sflag:$0x6], $0x80, v3, vm0, $0xb8;
	[tilespmem:$0x18400] =	vst v63  }
0x94: {  	s28 =	simm.s32 $0x13C00  }
0x95: {  	[hbm4b:s7+s2] =	stream.indirect_vreg.scatter [tilespmem:s28], [sflag:$0x6], $0x80, v3, vm0, $0xb8;
	[tilespmem:$0x18400] =	vst v63  }
0x96: {  	v3 =	vld [tilespmem:$0x110];
	_ =	sdelay $0x4  }
0x97: {  	v53 =	vshll.u32 v3, $0x3  }
0x98: {  	v3 =	vand.u32 $0x7, v3;
	v4 =	vand.u32 $0xFFFFFFC0, v53  }
0x99: {  	v3 =	vor.u32 v3, v4  }
0x9a: {  	v4 =	vperm.xlane v3, v0;
	_ =	sdelay $0x1  }
0x9b: {  	v4 =	vadd.s32 v1, v4;
	_ =	sdelay $0x3  }
0x9c: {  	s28 =	simm.s32 $0x14400  }
0x9d: {  	[hbm4b:s4+s2] =	stream.indirect_vreg.scatter [tilespmem:s28], [sflag:$0x6], $0x80, v4, vm0, $0xb8;
	[tilespmem:$0x18400] =	vst v63  }
0x9e: {  	v3 =	vperm.xlane v3, v2;
	s28 =	simm.s32 $0x14C00  }
0x9f: {  	[hbm4b:s5+s2] =	stream.indirect_vreg.scatter [tilespmem:s28], [sflag:$0x6], $0x80, v4, vm0, $0xb8;
	[tilespmem:$0x18400] =	vst v63  }
0xa0: {  	v3 =	vadd.s32 v1, v3;
	s28 =	simm.s32 $0x15400  }
0xa1: {  	[hbm4b:s6+s2] =	stream.indirect_vreg.scatter [tilespmem:s28], [sflag:$0x6], $0x80, v4, vm0, $0xb8;
	[tilespmem:$0x18400] =	vst v63  }
0xa2: {  	s28 =	simm.s32 $0x15C00  }
0xa3: {  	[hbm4b:s7+s2] =	stream.indirect_vreg.scatter [tilespmem:s28], [sflag:$0x6], $0x80, v4, vm0, $0xb8;
	[tilespmem:$0x18400] =	vst v63  }
0xa4: {  	_ = 	snop  }
0xa5: {  	[hbm4b:s4+s2] =	stream.indirect_vreg.scatter [tilespmem:s21], [sflag:$0x6], $0x80, v3, vm0, $0xb8;
	[tilespmem:$0x18400] =	vst v63  }
0xa6: {  	_ = 	snop  }
0xa7: {  	[hbm4b:s5+s2] =	stream.indirect_vreg.scatter [tilespmem:s22], [sflag:$0x6], $0x80, v3, vm0, $0xb8;
	[tilespmem:$0x18400] =	vst v63  }
0xa8: {  	_ = 	snop  }
0xa9: {  	[hbm4b:s6+s2] =	stream.indirect_vreg.scatter [tilespmem:s24], [sflag:$0x6], $0x80, v3, vm0, $0xb8;
	[tilespmem:$0x18400] =	vst v63  }
0xaa: {  	_ = 	snop  }
0xab: {  	[hbm4b:s7+s2] =	stream.indirect_vreg.scatter [tilespmem:s29], [sflag:$0x6], $0x80, v3, vm0, $0xb8;
	[tilespmem:$0x18400] =	vst v63  }
0xac: {  	_ =	swait.ge [sflag:s25], $0x8000  }
0xad: {  	[sflag:s25] =	ssyncset.done $0x0  }
0xae: {  	s3 =	rddreg [dreg:$0x7];
	[sflag:s25] =	ssyncadd.s32 $0xFFFF8000  }
0xaf: {  	[tilespmem:s0], [sflag:$0x2] =	stream.linear.gather [hbm4b:s3+s2], $0x8000, $0x38;
	[tilespmem:$0x18400] =	vst v63  }
0xb0: {  	_ =	swait.ge [sflag:s1], $0x8000  }
0xb1: {  	[sflag:s1] =	ssyncset.done $0x0  }
0xb2: {  	[sflag:s1] =	ssyncadd.s32 $0xFFFF8000  }
0xb3: {  	v3 =	vld [tilespmem:$0x180];
	_ =	sdelay $0x4  }
0xb4: {  	v54 =	vshll.u32 v3, $0x3  }
0xb5: {  	v3 =	vand.u32 $0x7, v3;
	v4 =	vand.u32 $0xFFFFFFC0, v54  }
0xb6: {  	v3 =	vor.u32 v3, v4  }
0xb7: {  	v4 =	vperm.xlane v3, v0;
	_ =	sdelay $0x1  }
0xb8: {  	v4 =	vadd.s32 v1, v4;
	_ =	sdelay $0x4  }
0xb9: {  	[hbm4b:s4+s2] =	stream.indirect_vreg.scatter [tilespmem:s11], [sflag:$0x4], $0x80, v4, vm0, $0xb8;
	[tilespmem:$0x18400] =	vst v63  }
0xba: {  	s12 =	simm.s32 $0xC00;
	v3 =	vperm.xlane v3, v2  }
0xbb: {  	[hbm4b:s5+s2] =	stream.indirect_vreg.scatter [tilespmem:s12], [sflag:$0x4], $0x80, v4, vm0, $0xb8;
	[tilespmem:$0x18400] =	vst v63  }
0xbc: {  	s3 =	simm.s32 $0x1400;
	v3 =	vadd.s32 v1, v3  }
0xbd: {  	[hbm4b:s6+s2] =	stream.indirect_vreg.scatter [tilespmem:s3], [sflag:$0x4], $0x80, v4, vm0, $0xb8;
	[tilespmem:$0x18400] =	vst v63  }
0xbe: {  	s28 =	simm.s32 $0x1C00  }
0xbf: {  	[hbm4b:s7+s2] =	stream.indirect_vreg.scatter [tilespmem:s28], [sflag:$0x4], $0x80, v4, vm0, $0xb8;
	[tilespmem:$0x18400] =	vst v63  }
0xc0: {  	s3 =	simm.s32 $0x2400  }
0xc1: {  	[hbm4b:s4+s2] =	stream.indirect_vreg.scatter [tilespmem:s3], [sflag:$0x4], $0x80, v3, vm0, $0xb8;
	[tilespmem:$0x18400] =	vst v63  }
0xc2: {  	s28 =	simm.s32 $0x2C00  }
0xc3: {  	[hbm4b:s5+s2] =	stream.indirect_vreg.scatter [tilespmem:s28], [sflag:$0x4], $0x80, v3, vm0, $0xb8;
	[tilespmem:$0x18400] =	vst v63  }
0xc4: {  	s3 =	simm.s32 $0x3400  }
0xc5: {  	[hbm4b:s6+s2] =	stream.indirect_vreg.scatter [tilespmem:s3], [sflag:$0x4], $0x80, v3, vm0, $0xb8;
	[tilespmem:$0x18400] =	vst v63  }
0xc6: {  	s28 =	simm.s32 $0x3C00  }
0xc7: {  	[hbm4b:s7+s2] =	stream.indirect_vreg.scatter [tilespmem:s28], [sflag:$0x4], $0x80, v3, vm0, $0xb8;
	[tilespmem:$0x18400] =	vst v63  }
0xc8: {  	v3 =	vld [tilespmem:$0x190];
	_ =	sdelay $0x4  }
0xc9: {  	v55 =	vshll.u32 v3, $0x3  }
0xca: {  	v3 =	vand.u32 $0x7, v3;
	v4 =	vand.u32 $0xFFFFFFC0, v55  }
0xcb: {  	v3 =	vor.u32 v3, v4  }
0xcc: {  	v4 =	vperm.xlane v3, v0;
	_ =	sdelay $0x1  }
0xcd: {  	v4 =	vadd.s32 v1, v4;
	_ =	sdelay $0x3  }
0xce: {  	s3 =	simm.s32 $0x4400  }
0xcf: {  	[hbm4b:s4+s2] =	stream.indirect_vreg.scatter [tilespmem:s3], [sflag:$0x4], $0x80, v4, vm0, $0xb8;
	[tilespmem:$0x18400] =	vst v63  }
0xd0: {  	s28 =	simm.s32 $0x4C00;
	v3 =	vperm.xlane v3, v2  }
0xd1: {  	[hbm4b:s5+s2] =	stream.indirect_vreg.scatter [tilespmem:s28], [sflag:$0x4], $0x80, v4, vm0, $0xb8;
	[tilespmem:$0x18400] =	vst v63  }
0xd2: {  	v3 =	vadd.s32 v1, v3;
	s3 =	simm.s32 $0x5400  }
0xd3: {  	[hbm4b:s6+s2] =	stream.indirect_vreg.scatter [tilespmem:s3], [sflag:$0x4], $0x80, v4, vm0, $0xb8;
	[tilespmem:$0x18400] =	vst v63  }
0xd4: {  	s28 =	simm.s32 $0x5C00  }
0xd5: {  	[hbm4b:s7+s2] =	stream.indirect_vreg.scatter [tilespmem:s28], [sflag:$0x4], $0x80, v4, vm0, $0xb8;
	[tilespmem:$0x18400] =	vst v63  }
0xd6: {  	s3 =	simm.s32 $0x6400  }
0xd7: {  	[hbm4b:s4+s2] =	stream.indirect_vreg.scatter [tilespmem:s3], [sflag:$0x4], $0x80, v3, vm0, $0xb8;
	[tilespmem:$0x18400] =	vst v63  }
0xd8: {  	s28 =	simm.s32 $0x6C00  }
0xd9: {  	[hbm4b:s5+s2] =	stream.indirect_vreg.scatter [tilespmem:s28], [sflag:$0x4], $0x80, v3, vm0, $0xb8;
	[tilespmem:$0x18400] =	vst v63  }
0xda: {  	s3 =	simm.s32 $0x7400  }
0xdb: {  	[hbm4b:s6+s2] =	stream.indirect_vreg.scatter [tilespmem:s3], [sflag:$0x4], $0x80, v3, vm0, $0xb8;
	[tilespmem:$0x18400] =	vst v63  }
0xdc: {  	s12 =	simm.s32 $0x6;
	s28 =	simm.s32 $0x7C00  }
0xdd: {  	[hbm4b:s7+s2] =	stream.indirect_vreg.scatter [tilespmem:s28], [sflag:$0x4], $0x80, v3, vm0, $0xb8;
	[tilespmem:$0x18400] =	vst v63  }
0xde: {  	_ =	swait.ge [sflag:s12], $0x8000  }
0xdf: {  	[sflag:s12] =	ssyncset.done $0x0  }
0xe0: {  	s3 =	rddreg [dreg:$0x8];
	[sflag:s12] =	ssyncadd.s32 $0xFFFF8000  }
0xe1: {  	[tilespmem:s10], [sflag:$0x3] =	stream.linear.gather [hbm4b:s3+s2], $0x8000, $0x38;
	[tilespmem:$0x18400] =	vst v63  }
0xe2: {  	_ =	swait.ge [sflag:s30], $0x8000  }
0xe3: {  	[sflag:s30] =	ssyncset.done $0x0  }
0xe4: {  	[sflag:s30] =	ssyncadd.s32 $0xFFFF8000  }
0xe5: {  	v3 =	vld [tilespmem:$0x200];
	_ =	sdelay $0x4  }
0xe6: {  	v56 =	vshll.u32 v3, $0x3  }
0xe7: {  	v3 =	vand.u32 $0x7, v3;
	v4 =	vand.u32 $0xFFFFFFC0, v56  }
0xe8: {  	v3 =	vor.u32 v3, v4  }
0xe9: {  	v4 =	vperm.xlane v3, v0;
	_ =	sdelay $0x1  }
0xea: {  	v4 =	vadd.s32 v1, v4;
	_ =	sdelay $0x4  }
0xeb: {  	[hbm4b:s4+s2] =	stream.indirect_vreg.scatter [tilespmem:s0], [sflag:$0x5], $0x80, v4, vm0, $0xb8;
	[tilespmem:$0x18400] =	vst v63  }
0xec: {  	s9 =	simm.s32 $0x8C00;
	v3 =	vperm.xlane v3, v2  }
0xed: {  	[hbm4b:s5+s2] =	stream.indirect_vreg.scatter [tilespmem:s9], [sflag:$0x5], $0x80, v4, vm0, $0xb8;
	[tilespmem:$0x18400] =	vst v63  }
0xee: {  	s3 =	simm.s32 $0x9400;
	v3 =	vadd.s32 v1, v3  }
0xef: {  	[hbm4b:s6+s2] =	stream.indirect_vreg.scatter [tilespmem:s3], [sflag:$0x5], $0x80, v4, vm0, $0xb8;
	[tilespmem:$0x18400] =	vst v63  }
0xf0: {  	s9 =	simm.s32 $0x9C00  }
0xf1: {  	[hbm4b:s7+s2] =	stream.indirect_vreg.scatter [tilespmem:s9], [sflag:$0x5], $0x80, v4, vm0, $0xb8;
	[tilespmem:$0x18400] =	vst v63  }
0xf2: {  	_ = 	snop  }
0xf3: {  	[hbm4b:s4+s2] =	stream.indirect_vreg.scatter [tilespmem:s13], [sflag:$0x5], $0x80, v3, vm0, $0xb8;
	[tilespmem:$0x18400] =	vst v63  }
0xf4: {  	_ = 	snop  }
0xf5: {  	[hbm4b:s5+s2] =	stream.indirect_vreg.scatter [tilespmem:s14], [sflag:$0x5], $0x80, v3, vm0, $0xb8;
	[tilespmem:$0x18400] =	vst v63  }
0xf6: {  	_ = 	snop  }
0xf7: {  	[hbm4b:s6+s2] =	stream.indirect_vreg.scatter [tilespmem:s15], [sflag:$0x5], $0x80, v3, vm0, $0xb8;
	[tilespmem:$0x18400] =	vst v63  }
0xf8: {  	s16 =	simm.s32 $0xBC00  }
0xf9: {  	[hbm4b:s7+s2] =	stream.indirect_vreg.scatter [tilespmem:s16], [sflag:$0x5], $0x80, v3, vm0, $0xb8;
	[tilespmem:$0x18400] =	vst v63  }
0xfa: {  	v3 =	vld [tilespmem:$0x210];
	_ =	sdelay $0x4  }
0xfb: {  	v57 =	vshll.u32 v3, $0x3  }
0xfc: {  	v3 =	vand.u32 $0x7, v3;
	v4 =	vand.u32 $0xFFFFFFC0, v57  }
0xfd: {  	v3 =	vor.u32 v3, v4  }
0xfe: {  	v4 =	vperm.xlane v3, v0;
	_ =	sdelay $0x1  }
0xff: {  	v4 =	vadd.s32 v1, v4;
	_ =	sdelay $0x3  }
0x100: {  	s17 =	simm.s32 $0xC400  }
0x101: {  	[hbm4b:s4+s2] =	stream.indirect_vreg.scatter [tilespmem:s17], [sflag:$0x5], $0x80, v4, vm0, $0xb8;
	[tilespmem:$0x18400] =	vst v63  }
0x102: {  	s18 =	simm.s32 $0xCC00;
	v3 =	vperm.xlane v3, v2  }
0x103: {  	[hbm4b:s5+s2] =	stream.indirect_vreg.scatter [tilespmem:s18], [sflag:$0x5], $0x80, v4, vm0, $0xb8;
	[tilespmem:$0x18400] =	vst v63  }
0x104: {  	s16 =	simm.s32 $0xD400;
	v3 =	vadd.s32 v1, v3  }
0x105: {  	[hbm4b:s6+s2] =	stream.indirect_vreg.scatter [tilespmem:s16], [sflag:$0x5], $0x80, v4, vm0, $0xb8;
	[tilespmem:$0x18400] =	vst v63  }
0x106: {  	s17 =	simm.s32 $0xDC00  }
0x107: {  	[hbm4b:s7+s2] =	stream.indirect_vreg.scatter [tilespmem:s17], [sflag:$0x5], $0x80, v4, vm0, $0xb8;
	[tilespmem:$0x18400] =	vst v63  }
0x108: {  	s18 =	simm.s32 $0xE400  }
0x109: {  	[hbm4b:s4+s2] =	stream.indirect_vreg.scatter [tilespmem:s18], [sflag:$0x5], $0x80, v3, vm0, $0xb8;
	[tilespmem:$0x18400] =	vst v63  }
0x10a: {  	_ = 	snop  }
0x10b: {  	[hbm4b:s5+s2] =	stream.indirect_vreg.scatter [tilespmem:s19], [sflag:$0x5], $0x80, v3, vm0, $0xb8;
	[tilespmem:$0x18400] =	vst v63  }
0x10c: {  	_ = 	snop  }
0x10d: {  	[hbm4b:s6+s2] =	stream.indirect_vreg.scatter [tilespmem:s20], [sflag:$0x5], $0x80, v3, vm0, $0xb8;
	[tilespmem:$0x18400] =	vst v63  }
0x10e: {  	s28 =	simm.s32 $0xFC00  }
0x10f: {  	[hbm4b:s7+s2] =	stream.indirect_vreg.scatter [tilespmem:s28], [sflag:$0x5], $0x80, v3, vm0, $0xb8;
	[tilespmem:$0x18400] =	vst v63  }
0x110: {  	_ =	swait.ge [sflag:s23], $0x8000  }
0x111: {  	[sflag:s23] =	ssyncset.done $0x0  }
0x112: {  	s28 =	rddreg [dreg:$0x9];
	[sflag:s23] =	ssyncadd.s32 $0xFFFF8000  }
0x113: {  	[tilespmem:s11], [sflag:$0x1] =	stream.linear.gather [hbm4b:s28+s2], $0x8000, $0x38;
	[tilespmem:$0x18400] =	vst v63  }
0x114: {  	_ =	swait.ge [sflag:s26], $0x8000  }
0x115: {  	[sflag:s26] =	ssyncset.done $0x0  }
0x116: {  	[sflag:s26] =	ssyncadd.s32 $0xFFFF8000  }
0x117: {  	v3 =	vld [tilespmem:$0x280];
	_ =	sdelay $0x4  }
0x118: {  	v58 =	vshll.u32 v3, $0x3  }
0x119: {  	v3 =	vand.u32 $0x7, v3;
	v4 =	vand.u32 $0xFFFFFFC0, v58  }
0x11a: {  	v3 =	vor.u32 v3, v4  }
0x11b: {  	v4 =	vperm.xlane v3, v0;
	_ =	sdelay $0x1  }
0x11c: {  	v4 =	vadd.s32 v1, v4;
	_ =	sdelay $0x4  }
0x11d: {  	[hbm4b:s4+s2] =	stream.indirect_vreg.scatter [tilespmem:s10], [sflag:$0x6], $0x80, v4, vm0, $0xb8;
	[tilespmem:$0x18400] =	vst v63  }
0x11e: {  	v3 =	vperm.xlane v3, v2  }
0x11f: {  	[hbm4b:s5+s2] =	stream.indirect_vreg.scatter [tilespmem:s31], [sflag:$0x6], $0x80, v4, vm0, $0xb8;
	[tilespmem:$0x18400] =	vst v63  }
0x120: {  	s28 =	simm.s32 $0x11400;
	v3 =	vadd.s32 v1, v3  }
0x121: {  	[hbm4b:s6+s2] =	stream.indirect_vreg.scatter [tilespmem:s28], [sflag:$0x6], $0x80, v4, vm0, $0xb8;
	[tilespmem:$0x18400] =	vst v63  }
0x122: {  	s31 =	simm.s32 $0x11C00  }
0x123: {  	[hbm4b:s7+s2] =	stream.indirect_vreg.scatter [tilespmem:s31], [sflag:$0x6], $0x80, v4, vm0, $0xb8;
	[tilespmem:$0x18400] =	vst v63  }
0x124: {  	s28 =	simm.s32 $0x12400  }
0x125: {  	[hbm4b:s4+s2] =	stream.indirect_vreg.scatter [tilespmem:s28], [sflag:$0x6], $0x80, v3, vm0, $0xb8;
	[tilespmem:$0x18400] =	vst v63  }
0x126: {  	s31 =	simm.s32 $0x12C00  }
0x127: {  	[hbm4b:s5+s2] =	stream.indirect_vreg.scatter [tilespmem:s31], [sflag:$0x6], $0x80, v3, vm0, $0xb8;
	[tilespmem:$0x18400] =	vst v63  }
0x128: {  	s28 =	simm.s32 $0x13400  }
0x129: {  	[hbm4b:s6+s2] =	stream.indirect_vreg.scatter [tilespmem:s28], [sflag:$0x6], $0x80, v3, vm0, $0xb8;
	[tilespmem:$0x18400] =	vst v63  }
0x12a: {  	s31 =	simm.s32 $0x13C00  }
0x12b: {  	[hbm4b:s7+s2] =	stream.indirect_vreg.scatter [tilespmem:s31], [sflag:$0x6], $0x80, v3, vm0, $0xb8;
	[tilespmem:$0x18400] =	vst v63  }
0x12c: {  	v3 =	vld [tilespmem:$0x290];
	_ =	sdelay $0x4  }
0x12d: {  	v59 =	vshll.u32 v3, $0x3  }
0x12e: {  	v3 =	vand.u32 $0x7, v3;
	v4 =	vand.u32 $0xFFFFFFC0, v59  }
0x12f: {  	v3 =	vor.u32 v3, v4  }
0x130: {  	v4 =	vperm.xlane v3, v0;
	_ =	sdelay $0x1  }
0x131: {  	v4 =	vadd.s32 v1, v4;
	_ =	sdelay $0x3  }
0x132: {  	s28 =	simm.s32 $0x14400  }
0x133: {  	[hbm4b:s4+s2] =	stream.indirect_vreg.scatter [tilespmem:s28], [sflag:$0x6], $0x80, v4, vm0, $0xb8;
	[tilespmem:$0x18400] =	vst v63  }
0x134: {  	s31 =	simm.s32 $0x14C00;
	v3 =	vperm.xlane v3, v2  }
0x135: {  	[hbm4b:s5+s2] =	stream.indirect_vreg.scatter [tilespmem:s31], [sflag:$0x6], $0x80, v4, vm0, $0xb8;
	[tilespmem:$0x18400] =	vst v63  }
0x136: {  	v3 =	vadd.s32 v1, v3;
	s28 =	simm.s32 $0x15400  }
0x137: {  	[hbm4b:s6+s2] =	stream.indirect_vreg.scatter [tilespmem:s28], [sflag:$0x6], $0x80, v4, vm0, $0xb8;
	[tilespmem:$0x18400] =	vst v63  }
0x138: {  	s31 =	simm.s32 $0x15C00  }
0x139: {  	[hbm4b:s7+s2] =	stream.indirect_vreg.scatter [tilespmem:s31], [sflag:$0x6], $0x80, v4, vm0, $0xb8;
	[tilespmem:$0x18400] =	vst v63  }
0x13a: {  	_ = 	snop  }
0x13b: {  	[hbm4b:s4+s2] =	stream.indirect_vreg.scatter [tilespmem:s21], [sflag:$0x6], $0x80, v3, vm0, $0xb8;
	[tilespmem:$0x18400] =	vst v63  }
0x13c: {  	_ = 	snop  }
0x13d: {  	[hbm4b:s5+s2] =	stream.indirect_vreg.scatter [tilespmem:s22], [sflag:$0x6], $0x80, v3, vm0, $0xb8;
	[tilespmem:$0x18400] =	vst v63  }
0x13e: {  	_ = 	snop  }
0x13f: {  	[hbm4b:s6+s2] =	stream.indirect_vreg.scatter [tilespmem:s24], [sflag:$0x6], $0x80, v3, vm0, $0xb8;
	[tilespmem:$0x18400] =	vst v63  }
0x140: {  	_ = 	snop  }
0x141: {  	[hbm4b:s7+s2] =	stream.indirect_vreg.scatter [tilespmem:s29], [sflag:$0x6], $0x80, v3, vm0, $0xb8;
	[tilespmem:$0x18400] =	vst v63  }
0x142: {  	_ =	swait.ge [sflag:s25], $0x8000  }
0x143: {  	[sflag:s25] =	ssyncset.done $0x0  }
0x144: {  	s10 =	rddreg [dreg:$0xa];
	[sflag:s25] =	ssyncadd.s32 $0xFFFF8000  }
0x145: {  	[tilespmem:s0], [sflag:$0x2] =	stream.linear.gather [hbm4b:s10+s2], $0x8000, $0x38;
	[tilespmem:$0x18400] =	vst v63  }
0x146: {  	_ =	swait.ge [sflag:s1], $0x8000  }
0x147: {  	[sflag:s1] =	ssyncset.done $0x0  }
0x148: {  	[sflag:s1] =	ssyncadd.s32 $0xFFFF8000  }
0x149: {  	v3 =	vld [tilespmem:$0x300];
	_ =	sdelay $0x4  }
0x14a: {  	v60 =	vshll.u32 v3, $0x3  }
0x14b: {  	v3 =	vand.u32 $0x7, v3;
	v4 =	vand.u32 $0xFFFFFFC0, v60  }
0x14c: {  	v3 =	vor.u32 v3, v4  }
0x14d: {  	v4 =	vperm.xlane v3, v0;
	_ =	sdelay $0x1  }
0x14e: {  	v4 =	vadd.s32 v1, v4;
	_ =	sdelay $0x4  }
0x14f: {  	[hbm4b:s4+s2] =	stream.indirect_vreg.scatter [tilespmem:s11], [sflag:$0x4], $0x80, v4, vm0, $0xb8;
	[tilespmem:$0x18400] =	vst v63  }
0x150: {  	s28 =	simm.s32 $0xC00;
	v3 =	vperm.xlane v3, v2  }
0x151: {  	[hbm4b:s5+s2] =	stream.indirect_vreg.scatter [tilespmem:s28], [sflag:$0x4], $0x80, v4, vm0, $0xb8;
	[tilespmem:$0x18400] =	vst v63  }
0x152: {  	s31 =	simm.s32 $0x1400;
	v3 =	vadd.s32 v1, v3  }
0x153: {  	[hbm4b:s6+s2] =	stream.indirect_vreg.scatter [tilespmem:s31], [sflag:$0x4], $0x80, v4, vm0, $0xb8;
	[tilespmem:$0x18400] =	vst v63  }
0x154: {  	s28 =	simm.s32 $0x1C00  }
0x155: {  	[hbm4b:s7+s2] =	stream.indirect_vreg.scatter [tilespmem:s28], [sflag:$0x4], $0x80, v4, vm0, $0xb8;
	[tilespmem:$0x18400] =	vst v63  }
0x156: {  	s31 =	simm.s32 $0x2400  }
0x157: {  	[hbm4b:s4+s2] =	stream.indirect_vreg.scatter [tilespmem:s31], [sflag:$0x4], $0x80, v3, vm0, $0xb8;
	[tilespmem:$0x18400] =	vst v63  }
0x158: {  	s28 =	simm.s32 $0x2C00  }
0x159: {  	[hbm4b:s5+s2] =	stream.indirect_vreg.scatter [tilespmem:s28], [sflag:$0x4], $0x80, v3, vm0, $0xb8;
	[tilespmem:$0x18400] =	vst v63  }
0x15a: {  	s31 =	simm.s32 $0x3400  }
0x15b: {  	[hbm4b:s6+s2] =	stream.indirect_vreg.scatter [tilespmem:s31], [sflag:$0x4], $0x80, v3, vm0, $0xb8;
	[tilespmem:$0x18400] =	vst v63  }
0x15c: {  	s28 =	simm.s32 $0x3C00  }
0x15d: {  	[hbm4b:s7+s2] =	stream.indirect_vreg.scatter [tilespmem:s28], [sflag:$0x4], $0x80, v3, vm0, $0xb8;
	[tilespmem:$0x18400] =	vst v63  }
0x15e: {  	v3 =	vld [tilespmem:$0x310];
	_ =	sdelay $0x4  }
0x15f: {  	v61 =	vshll.u32 v3, $0x3  }
0x160: {  	v3 =	vand.u32 $0x7, v3;
	v4 =	vand.u32 $0xFFFFFFC0, v61  }
0x161: {  	v3 =	vor.u32 v3, v4  }
0x162: {  	v4 =	vperm.xlane v3, v0;
	_ =	sdelay $0x1  }
0x163: {  	v4 =	vadd.s32 v1, v4;
	_ =	sdelay $0x3  }
0x164: {  	s31 =	simm.s32 $0x4400  }
0x165: {  	[hbm4b:s4+s2] =	stream.indirect_vreg.scatter [tilespmem:s31], [sflag:$0x4], $0x80, v4, vm0, $0xb8;
	[tilespmem:$0x18400] =	vst v63  }
0x166: {  	s28 =	simm.s32 $0x4C00;
	v3 =	vperm.xlane v3, v2  }
0x167: {  	[hbm4b:s5+s2] =	stream.indirect_vreg.scatter [tilespmem:s28], [sflag:$0x4], $0x80, v4, vm0, $0xb8;
	[tilespmem:$0x18400] =	vst v63  }
0x168: {  	v3 =	vadd.s32 v1, v3;
	s31 =	simm.s32 $0x5400  }
0x169: {  	[hbm4b:s6+s2] =	stream.indirect_vreg.scatter [tilespmem:s31], [sflag:$0x4], $0x80, v4, vm0, $0xb8;
	[tilespmem:$0x18400] =	vst v63  }
0x16a: {  	s28 =	simm.s32 $0x5C00  }
0x16b: {  	[hbm4b:s7+s2] =	stream.indirect_vreg.scatter [tilespmem:s28], [sflag:$0x4], $0x80, v4, vm0, $0xb8;
	[tilespmem:$0x18400] =	vst v63  }
0x16c: {  	s31 =	simm.s32 $0x6400  }
0x16d: {  	[hbm4b:s4+s2] =	stream.indirect_vreg.scatter [tilespmem:s31], [sflag:$0x4], $0x80, v3, vm0, $0xb8;
	[tilespmem:$0x18400] =	vst v63  }
0x16e: {  	s28 =	simm.s32 $0x6C00  }
0x16f: {  	[hbm4b:s5+s2] =	stream.indirect_vreg.scatter [tilespmem:s28], [sflag:$0x4], $0x80, v3, vm0, $0xb8;
	[tilespmem:$0x18400] =	vst v63  }
0x170: {  	s31 =	simm.s32 $0x7400  }
0x171: {  	[hbm4b:s6+s2] =	stream.indirect_vreg.scatter [tilespmem:s31], [sflag:$0x4], $0x80, v3, vm0, $0xb8;
	[tilespmem:$0x18400] =	vst v63  }
0x172: {  	s28 =	simm.s32 $0x7C00  }
0x173: {  	[hbm4b:s7+s2] =	stream.indirect_vreg.scatter [tilespmem:s28], [sflag:$0x4], $0x80, v3, vm0, $0xb8;
	[tilespmem:$0x18400] =	vst v63  }
0x174: {  	_ =	swait.ge [sflag:s30], $0x8000  }
0x175: {  	[sflag:s30] =	ssyncset.done $0x0  }
0x176: {  	[sflag:s30] =	ssyncadd.s32 $0xFFFF8000  }
0x177: {  	v3 =	vld [tilespmem:$0x380];
	_ =	sdelay $0x4  }
0x178: {  	v62 =	vshll.u32 v3, $0x3  }
0x179: {  	v3 =	vand.u32 $0x7, v3;
	v4 =	vand.u32 $0xFFFFFFC0, v62  }
0x17a: {  	v3 =	vor.u32 v3, v4  }
0x17b: {  	v4 =	vperm.xlane v3, v0;
	_ =	sdelay $0x1  }
0x17c: {  	v4 =	vadd.s32 v1, v4;
	_ =	sdelay $0x4  }
0x17d: {  	[hbm4b:s4+s2] =	stream.indirect_vreg.scatter [tilespmem:s0], [sflag:$0x5], $0x80, v4, vm0, $0xb8;
	[tilespmem:$0x18400] =	vst v63  }
0x17e: {  	s31 =	simm.s32 $0x8C00;
	v3 =	vperm.xlane v3, v2  }
0x17f: {  	[hbm4b:s5+s2] =	stream.indirect_vreg.scatter [tilespmem:s31], [sflag:$0x5], $0x80, v4, vm0, $0xb8;
	[tilespmem:$0x18400] =	vst v63  }
0x180: {  	v3 =	vadd.s32 v1, v3  }
0x181: {  	[hbm4b:s6+s2] =	stream.indirect_vreg.scatter [tilespmem:s3], [sflag:$0x5], $0x80, v4, vm0, $0xb8;
	[tilespmem:$0x18400] =	vst v63  }
0x182: {  	_ = 	snop  }
0x183: {  	[hbm4b:s7+s2] =	stream.indirect_vreg.scatter [tilespmem:s9], [sflag:$0x5], $0x80, v4, vm0, $0xb8;
	[tilespmem:$0x18400] =	vst v63  }
0x184: {  	_ = 	snop  }
0x185: {  	[hbm4b:s4+s2] =	stream.indirect_vreg.scatter [tilespmem:s13], [sflag:$0x5], $0x80, v3, vm0, $0xb8;
	[tilespmem:$0x18400] =	vst v63  }
0x186: {  	_ = 	snop  }
0x187: {  	[hbm4b:s5+s2] =	stream.indirect_vreg.scatter [tilespmem:s14], [sflag:$0x5], $0x80, v3, vm0, $0xb8;
	[tilespmem:$0x18400] =	vst v63  }
0x188: {  	_ = 	snop  }
0x189: {  	[hbm4b:s6+s2] =	stream.indirect_vreg.scatter [tilespmem:s15], [sflag:$0x5], $0x80, v3, vm0, $0xb8;
	[tilespmem:$0x18400] =	vst v63  }
0x18a: {  	s9 =	simm.s32 $0xBC00  }
0x18b: {  	[hbm4b:s7+s2] =	stream.indirect_vreg.scatter [tilespmem:s9], [sflag:$0x5], $0x80, v3, vm0, $0xb8;
	[tilespmem:$0x18400] =	vst v63  }
0x18c: {  	v3 =	vld [tilespmem:$0x390];
	_ =	sdelay $0x4  }
0x18d: {  	v63 =	vshll.u32 v3, $0x3  }
0x18e: {  	v3 =	vand.u32 $0x7, v3;
	v4 =	vand.u32 $0xFFFFFFC0, v63  }
0x18f: {  	v3 =	vor.u32 v3, v4  }
0x190: {  	v4 =	vperm.xlane v3, v0;
	_ =	sdelay $0x1  }
0x191: {  	v4 =	vadd.s32 v1, v4;
	_ =	sdelay $0x3  }
0x192: {  	s10 =	simm.s32 $0xC400  }
0x193: {  	[hbm4b:s4+s2] =	stream.indirect_vreg.scatter [tilespmem:s10], [sflag:$0x5], $0x80, v4, vm0, $0xb8;
	[tilespmem:$0x18400] =	vst v63  }
0x194: {  	s28 =	simm.s32 $0xCC00;
	v3 =	vperm.xlane v3, v2  }
0x195: {  	[hbm4b:s5+s2] =	stream.indirect_vreg.scatter [tilespmem:s28], [sflag:$0x5], $0x80, v4, vm0, $0xb8;
	[tilespmem:$0x18400] =	vst v63  }
0x196: {  	v3 =	vadd.s32 v1, v3  }
0x197: {  	[hbm4b:s6+s2] =	stream.indirect_vreg.scatter [tilespmem:s16], [sflag:$0x5], $0x80, v4, vm0, $0xb8;
	[tilespmem:$0x18400] =	vst v63  }
0x198: {  	_ = 	snop  }
0x199: {  	[hbm4b:s7+s2] =	stream.indirect_vreg.scatter [tilespmem:s17], [sflag:$0x5], $0x80, v4, vm0, $0xb8;
	[tilespmem:$0x18400] =	vst v63  }
0x19a: {  	_ = 	snop  }
0x19b: {  	[hbm4b:s4+s2] =	stream.indirect_vreg.scatter [tilespmem:s18], [sflag:$0x5], $0x80, v3, vm0, $0xb8;
	[tilespmem:$0x18400] =	vst v63  }
0x19c: {  	_ = 	snop  }
0x19d: {  	[hbm4b:s5+s2] =	stream.indirect_vreg.scatter [tilespmem:s19], [sflag:$0x5], $0x80, v3, vm0, $0xb8;
	[tilespmem:$0x18400] =	vst v63  }
0x19e: {  	_ = 	snop  }
0x19f: {  	[hbm4b:s6+s2] =	stream.indirect_vreg.scatter [tilespmem:s20], [sflag:$0x5], $0x80, v3, vm0, $0xb8;
	[tilespmem:$0x18400] =	vst v63  }
0x1a0: {  	s31 =	simm.s32 $0xFC00  }
0x1a1: {  	[hbm4b:s7+s2] =	stream.indirect_vreg.scatter [tilespmem:s31], [sflag:$0x5], $0x80, v3, vm0, $0xb8;
	[tilespmem:$0x18400] =	vst v63  }
0x1a2: {  	_ =	swait.ge [sflag:s12], $0x8000  }
0x1a3: {  	[sflag:s12] =	ssyncset.done $0x0  }
0x1a4: {  	[sflag:s12] =	ssyncadd.s32 $0xFFFF8000  }
0x1a5: {  	p0 =	sne.s32 s8, $0x1;
	_ =	swait.ge [sflag:s23], $0x8000  }
.Ltmp0:
0x1a6: {  	[sflag:s23] =	ssyncset.done $0x0;
	(pc) =	sbr.rel @p0 .LBB2_1-.Ltmp0, $4  }
0x1a7: {  	[sflag:s23] =	ssyncadd.s32 $0xFFFF8000  }
0x1a8: {  	_ =	swait.ge [sflag:s25], $0x8000  }
0x1a9: {  	[sflag:s25] =	ssyncset.done $0x0  }
0x1aa: {  	s8 =	sadd.s32 $0xFFFFFFFF, s8;
	[sflag:s25] =	ssyncadd.s32 $0xFFFF8000  }
0x1ab: {  	_ =	sfence.sel $0x180000  }
0x1ac: {  	[bflag:$0x0] =	sbarrier.arrive $0xFFFF  }
0x1ad: {  	_ =	strace $0x90000047  }
0x1ae: {  	s0 =	stileid.u32;
	[bflag:$0x2] =	sbarrier.arrive $0xFFFF  }
0x1af: {  	p0 =	sne.s32 s0, $0x0;
	s0 =	rddreg [dreg:$0x2]  }
0x1b0: {  	s0 =	sadd.s32 @!p0 $0x100000, s0  }
0x1b1: {  	[sflag:s0] =	ssyncadd.tile.s32 @!p0 $0x1;
	_ =	shalt  }
.Lfunc_end2:
_tile_overlayer_lowered:
.L_overlay_start_2:
0x1b2: {  	(tag) =	ssettag $0x2  }
0x1b3: {  	s0 =	rddreg [dreg:$0x0];
	s2 =	stileid.u32  }
0x1b4: {  	s1 =	rddreg [dreg:$0x1];
	p0 =	sne.s32 s2, $0x0  }
0x1b5: {  	s3 =	rddreg [dreg:$0x2];
	[bflag:$0x3] =	sbarrier.arrive $0xFFFF;
	s2 =	simm.s32 @!p0 $0x1C07  }
0x1b6: {  	[timem:s3], [sflag:s2] =	dma.local @!p0 [hbm:s0], s1  }
0x1b7: {  	s0 =	simm.s32 @!p0 $0x7  }
0x1b8: {  	_ =	swait.ge @!p0 [sflag:s0], s1  }
0x1b9: {  	s1 =	ssub.s32 @!p0 $0x0, s1;
	[sflag:s0] =	ssyncset.done @!p0 $0x0  }
0x1ba: {  	[sflag:s0] =	ssyncadd.s32 @!p0 s1  }
0x1bb: {  	[bflag:$0x3] =	sbarrier.arrive $0xFFFF  }
0x1bc: {  	_ =	shalt  }

</sc_bundles>
